<compile_context>
chip_gen: v7x
topology: tpu7x:2x2x1
jax: 0.10.2.dev20260603
libtpu: 0.0.44.dev20260713+nightly
codegen_flags: <defaults>
</compile_context>

<pallas_src>
import functools

import jax
import jax.numpy as jnp
from jax import lax
from jax.experimental import pallas as pl
from jax.experimental.pallas import tpu as pltpu
from jax.experimental.pallas import tpu_sc as plsc

NC = 2
NS = 16
L = 16
NW = NC * NS
BINS = 256


def _sc_partial_hists(x3, ch, in_h, in_w):
    rows_pt = in_h // NW
    mesh = plsc.VectorSubcoreMesh(
        core_axis_name="c", subcore_axis_name="s", num_cores=NC, num_subcores=NS
    )

    @functools.partial(
        pl.kernel,
        out_type=jax.ShapeDtypeStruct((NW, ch * BINS), jnp.float32),
        mesh=mesh,
        compiler_params=pltpu.CompilerParams(needs_layout_passes=False),
        scratch_types=[
            pltpu.VMEM((rows_pt, in_w), jnp.float32),
            pltpu.VMEM((rows_pt, in_w), jnp.float32),
            pltpu.VMEM((L * BINS,), jnp.float32),
            pltpu.VMEM((ch * BINS,), jnp.float32),
            pltpu.SemaphoreType.DMA,
            pltpu.SemaphoreType.DMA,
        ],
    )
    def hist_kernel(x_hbm, out_hbm, buf_a, buf_b, sub, red, sem_a, sem_b):
        wid = lax.axis_index("s") * NC + lax.axis_index("c")
        lanebase = lax.broadcasted_iota(jnp.int32, (L,), 0) * BINS
        ones = jnp.ones((L,), jnp.float32)
        zeros = jnp.zeros((L,), jnp.float32)
        bufs = (buf_a, buf_b)
        sems = (sem_a, sem_b)

        @plsc.parallel_loop(0, L * BINS, step=L, unroll=4)
        def zero_body(i):
            sub[pl.ds(i, L)] = zeros

        def issue(c, par):
            return pltpu.async_copy(
                x_hbm.at[c, pl.ds(wid * rows_pt, rows_pt), :],
                bufs[par], sems[par]
            )

        def wait(par):
            pltpu.make_async_copy(
                x_hbm.at[0, pl.ds(0, rows_pt), :], bufs[par], sems[par]
            ).wait()

        def process(c, buf):
            @plsc.parallel_loop(0, in_w, step=L, unroll=2)
            def h_body(i):
                for r in range(rows_pt):
                    v = buf[r, pl.ds(i, L)]
                    idx = (v * 256.0).astype(jnp.int32)
                    plsc.addupdate_scatter(sub, [lanebase + idx], ones)

            @plsc.parallel_loop(0, BINS, step=L, unroll=2)
            def r_body(j):
                vs = []
                for r in range(L):
                    off = r * BINS + j
                    vs.append(sub[pl.ds(off, L)])
                    sub[pl.ds(off, L)] = zeros
                while len(vs) > 1:
                    vs = [a + b for a, b in zip(vs[::2], vs[1::2])]
                red[pl.ds(c * BINS + j, L)] = vs[0]

        issue(0, 0)

        def pair_body(k, carry):
            c0 = 2 * k
            issue(c0 + 1, 1)
            wait(0)
            process(c0, buf_a)

            @pl.when(k < ch // 2 - 1)
            def _():
                issue(c0 + 2, 0)

            wait(1)
            process(c0 + 1, buf_b)
            return carry

        lax.fori_loop(0, ch // 2, pair_body, None)
        pltpu.sync_copy(red, out_hbm.at[wid])

    return hist_kernel(x3)


def _tc_expand(partials, ch, out_h, out_w):
    cb = 8
    steps = ch // cb

    def body(p_ref, o_ref):
        yi = lax.broadcasted_iota(jnp.int32, (out_h, BINS), 0).astype(jnp.float32)
        ki = lax.broadcasted_iota(jnp.int32, (out_h, BINS), 1).astype(jnp.float32)
        ys = jnp.maximum(yi * (BINS / out_h) + (0.5 * BINS / out_h - 0.5), 0.0)
        y0 = jnp.floor(ys)
        wy = ys - y0
        y1 = jnp.minimum(y0 + 1.0, float(BINS - 1))
        stencil = (jnp.where(ki == y0, 1.0 - wy, 0.0)
                   + jnp.where(ki == y1, wy, 0.0))
        for k in range(cb):
            h_row = jnp.sum(p_ref[:, k * BINS:(k + 1) * BINS],
                            axis=0, keepdims=True)
            vals = jnp.sum(stencil * h_row, axis=1, keepdims=True)
            o_ref[k] = jnp.broadcast_to(vals, (out_h, out_w))

    return pl.pallas_call(
        body,
        grid=(steps,),
        in_specs=[pl.BlockSpec((NW, cb * BINS), lambda g: (0, g))],
        out_specs=pl.BlockSpec((cb, out_h, out_w), lambda g: (g, 0, 0)),
        out_shape=jax.ShapeDtypeStruct((ch, out_h, out_w), jnp.float32),
    )(partials)


def kernel(x):
    b, c, h, w = x.shape
    ch = b * c
    x3 = x.reshape(ch, h, w)
    partials = _sc_partial_hists(x3, ch, h, w)
    out = _tc_expand(partials, ch, h, w)
    return out.reshape(b, c, h, w)

# --- scband reference (transcript-rebuilt; emitter-appended) ---
"""Pipeline reference for scband-histogram-block-31799937859956 (READ-ONLY COPY).

The authoritative reference and input builder live on the scoring server;
editing this copy changes nothing except your own understanding.
"""

import jax, jax.numpy as jnp
import numpy as np


def setup_inputs(seed: int = 0) -> dict:
    key = jax.random.key(seed)
    x = jax.random.uniform(key, (8, 3, 512, 512), dtype=jnp.float32)
    return {"x": x}


def _histc256(v):
    # torch.histc(v, bins=256, min=0, max=1): values outside [0,1] ignored,
    # value == max goes into the last bin. Non-differentiable in torch.
    v = jax.lax.stop_gradient(v)
    idx = jnp.clip(jnp.floor(v * 256.0).astype(jnp.int32), 0, 255)
    valid = ((v >= 0.0) & (v <= 1.0)).astype(jnp.float32)
    return jax.ops.segment_sum(valid, idx, num_segments=256)


def _bilinear_resize(img, out_h, out_w):
    # img: (C, in_h, in_w); matches torch F.interpolate(mode='bilinear', align_corners=False)
    c, in_h, in_w = img.shape
    sh = in_h / out_h
    sw = in_w / out_w
    ys = jnp.maximum((jnp.arange(out_h, dtype=jnp.float32) + 0.5) * sh - 0.5, 0.0)
    xs = jnp.maximum((jnp.arange(out_w, dtype=jnp.float32) + 0.5) * sw - 0.5, 0.0)
    y0 = jnp.floor(ys).astype(jnp.int32)
    y1 = jnp.minimum(y0 + 1, in_h - 1)
    x0 = jnp.floor(xs).astype(jnp.int32)
    x1 = jnp.minimum(x0 + 1, in_w - 1)
    wy = (ys - y0.astype(jnp.float32))[None, :, None]
    wx = (xs - x0.astype(jnp.float32))[None, None, :]
    v00 = img[:, y0[:, None], x0[None, :]]
    v01 = img[:, y0[:, None], x1[None, :]]
    v10 = img[:, y1[:, None], x0[None, :]]
    v11 = img[:, y1[:, None], x1[None, :]]
    top = v00 * (1.0 - wx) + v01 * wx
    bot = v10 * (1.0 - wx) + v11 * wx
    return top * (1.0 - wy) + bot * wy


def reference(x):
    b, c, h, w = x.shape
    flat = x[:, :3, :, :].reshape(b, 3, h * w)
    hists = jax.vmap(jax.vmap(_histc256))(flat)          # (b, 3, 256)
    hist_img = hists[:, :, :, None]                       # (b, 3, 256, 1)
    out = jax.vmap(lambda im: _bilinear_resize(im, h, w))(hist_img)  # (b, 3, h, w)
    return out

if __name__ == "__main__":
    import jax
    _d = setup_inputs()
    print(jax.jit(kernel)(*tuple(_d.values())))

</pallas_src>

<mosaic_0001>
#map = affine_map<(d0, d1) -> (0, 0, 0)>
#map1 = affine_map<(d0, d1) -> (0, 0)>
module attributes {stable_mosaic.version = 14 : i64} {
  func.func @hist_kernel(%arg0: i32, %arg1: i32, %arg2: memref<24x512x512xf32, #tpu.memory_space<hbm>>, %arg3: memref<32x6144xf32, #tpu.memory_space<hbm>>, %arg4: memref<16x512xf32, #tpu.memory_space<vmem>>, %arg5: memref<16x512xf32, #tpu.memory_space<vmem>>, %arg6: memref<4096xf32, #tpu.memory_space<vmem>>, %arg7: memref<6144xf32, #tpu.memory_space<vmem>>, %arg8: memref<!tpu.dma_semaphore, #tpu.memory_space<semaphore_mem>>, %arg9: memref<!tpu.dma_semaphore, #tpu.memory_space<semaphore_mem>>) attributes {dimension_semantics = [#tpu.dimension_semantics<core_parallel>, #tpu.dimension_semantics<subcore_parallel>], iteration_bounds = array<i64: 2, 16>, scalar_prefetch = 0 : i64, scratch_operands = 6 : i64, tpu.core_type = #tpu.core_type<sc_vector_subcore>, window_params = [{transform_indices = #map}, {transform_indices = #map1}]} {
    %mul3A = arith.constant 2 : i32
    %mul3A_0 = arith.muli %arg1, %mul3A : i32
    %add3A = arith.addi %mul3A_0, %arg0 : i32
    %iota3A = tpu.iota {dimensions = array<i32: 0>} : vector<16xi32>
    %mul3A_1 = arith.constant 256 : i32
    %mul3A_2 = vector.broadcast %mul3A_1 : i32 to vector<16xi32>
    %mul3A_3 = arith.muli %iota3A, %mul3A_2 : vector<16xi32>
    %broadcast_in_dim3A = arith.constant 1.000000e+00 : f32
    %broadcast_in_dim3A_4 = vector.broadcast %broadcast_in_dim3A : f32 to vector<16xf32>
    %broadcast_in_dim3A_5 = arith.constant 0.000000e+00 : f32
    %broadcast_in_dim3A_6 = vector.broadcast %broadcast_in_dim3A_5 : f32 to vector<16xf32>
    %parallel_loop3A = arith.constant 0 : i32
    %parallel_loop3A_7 = arith.constant 4096 : i32
    %parallel_loop3A_8 = arith.constant 16 : i32
    scf.for %parallel_loop3A_21 = %parallel_loop3A to %parallel_loop3A_7 step %parallel_loop3A_8  : i32 {
      %parallel_loop3A_22 = arith.index_cast %parallel_loop3A_21 : i32 to index
      %parallel_loop3A_23 = tpu.vector_load %arg6[%parallel_loop3A_22] {strides = array<i32>} : memref<4096xf32, #tpu.memory_space<vmem>>, vector<16xf32>,
      tpu.vector_store %arg6[%parallel_loop3A_22], %broadcast_in_dim3A_6 {strides = array<i32>} : memref<4096xf32, #tpu.memory_space<vmem>>, vector<16xf32>,
    } {sc.loop_unroll_factor = 4 : i64, sc.parallel_access}
    %mul3A_9 = arith.constant 16 : i32
    %mul3A_10 = arith.muli %add3A, %mul3A_9 : i32
    %dma_start3A = arith.constant 0 : i32
    %dma_start3A_11 = arith.constant 0 : i32
    %dma_start3A_12 = tpu.memref_slice %arg2[%dma_start3A, %mul3A_10, %dma_start3A_11] : memref<24x512x512xf32, #tpu.memory_space<hbm>> -> memref<1x16x512xf32, #tpu.memory_space<hbm>>
    %dma_start3A_13 = tpu.memref_squeeze %dma_start3A_12 : memref<1x16x512xf32, #tpu.memory_space<hbm>> -> memref<16x512xf32, #tpu.memory_space<hbm>>
    %dma_start3A_14 = arith.constant 0 : i32
    %dma_start3A_15 = tpu.memref_slice %arg2[%dma_start3A, %mul3A_10, %dma_start3A_14] : memref<24x512x512xf32, #tpu.memory_space<hbm>> -> memref<1x16x512xf32, #tpu.memory_space<hbm>>
    %dma_start3A_16 = tpu.memref_squeeze %dma_start3A_15 : memref<1x16x512xf32, #tpu.memory_space<hbm>> -> memref<16x512xf32, #tpu.memory_space<hbm>>
    tpu.enqueue_dma source(%dma_start3A_16 : memref<16x512xf32, #tpu.memory_space<hbm>>) target(%arg4 : memref<16x512xf32, #tpu.memory_space<vmem>>) target_semaphore(%arg8 : memref<!tpu.dma_semaphore, #tpu.memory_space<semaphore_mem>>)
    %scan3A = arith.constant 0 : i32
    %scan3A_17 = arith.constant 12 : i32
    %scan3A_18 = arith.addi %scan3A, %scan3A_17 : i32
    %scan3A_19 = arith.constant 1 : i32
    scf.for %scan3A_21 = %scan3A to %scan3A_18 step %scan3A_19  : i32 {
      %mul3A_22 = arith.constant 2 : i32
      %mul3A_23 = arith.muli %mul3A_22, %scan3A_21 : i32
      %add3A_24 = arith.constant 1 : i32
      %add3A_25 = arith.addi %mul3A_23, %add3A_24 : i32
      %mul3A_26 = arith.constant 16 : i32
      %mul3A_27 = arith.muli %add3A, %mul3A_26 : i32
      %dma_start3A_28 = arith.constant 0 : i32
      %dma_start3A_29 = tpu.memref_slice %arg2[%add3A_25, %mul3A_27, %dma_start3A_28] : memref<24x512x512xf32, #tpu.memory_space<hbm>> -> memref<1x16x512xf32, #tpu.memory_space<hbm>>
      %dma_start3A_30 = tpu.memref_squeeze %dma_start3A_29 : memref<1x16x512xf32, #tpu.memory_space<hbm>> -> memref<16x512xf32, #tpu.memory_space<hbm>>
      %dma_start3A_31 = arith.constant 0 : i32
      %dma_start3A_32 = tpu.memref_slice %arg2[%add3A_25, %mul3A_27, %dma_start3A_31] : memref<24x512x512xf32, #tpu.memory_space<hbm>> -> memref<1x16x512xf32, #tpu.memory_space<hbm>>
      %dma_start3A_33 = tpu.memref_squeeze %dma_start3A_32 : memref<1x16x512xf32, #tpu.memory_space<hbm>> -> memref<16x512xf32, #tpu.memory_space<hbm>>
      tpu.enqueue_dma source(%dma_start3A_33 : memref<16x512xf32, #tpu.memory_space<hbm>>) target(%arg5 : memref<16x512xf32, #tpu.memory_space<vmem>>) target_semaphore(%arg9 : memref<!tpu.dma_semaphore, #tpu.memory_space<semaphore_mem>>)
      %dma_wait3A = arith.constant 0 : i32
      %dma_wait3A_34 = arith.constant 0 : i32
      %dma_wait3A_35 = arith.constant 0 : i32
      %dma_wait3A_36 = tpu.memref_slice %arg2[%dma_wait3A, %dma_wait3A_34, %dma_wait3A_35] : memref<24x512x512xf32, #tpu.memory_space<hbm>> -> memref<1x16x512xf32, #tpu.memory_space<hbm>>
      %dma_wait3A_37 = tpu.memref_squeeze %dma_wait3A_36 : memref<1x16x512xf32, #tpu.memory_space<hbm>> -> memref<16x512xf32, #tpu.memory_space<hbm>>
      %dma_wait3A_38 = arith.constant 0 : i32
      %dma_wait3A_39 = arith.constant 0 : i32
      %dma_wait3A_40 = tpu.memref_slice %arg2[%dma_wait3A, %dma_wait3A_38, %dma_wait3A_39] : memref<24x512x512xf32, #tpu.memory_space<hbm>> -> memref<1x16x512xf32, #tpu.memory_space<hbm>>
      %dma_wait3A_41 = tpu.memref_squeeze %dma_wait3A_40 : memref<1x16x512xf32, #tpu.memory_space<hbm>> -> memref<16x512xf32, #tpu.memory_space<hbm>>
      tpu.wait_dma2 semaphore(%arg8 : memref<!tpu.dma_semaphore, #tpu.memory_space<semaphore_mem>>) src(%dma_wait3A_41 : memref<16x512xf32, #tpu.memory_space<hbm>>) dst(%arg4 : memref<16x512xf32, #tpu.memory_space<vmem>>)
      %parallel_loop3A_42 = arith.constant 0 : i32
      %parallel_loop3A_43 = arith.constant 512 : i32
      %parallel_loop3A_44 = arith.constant 16 : i32
      scf.for %parallel_loop3A_67 = %parallel_loop3A_42 to %parallel_loop3A_43 step %parallel_loop3A_44  : i32 {
        %parallel_loop3A_68 = arith.constant 0 : i32
        %parallel_loop3A_69 = arith.index_cast %parallel_loop3A_68 : i32 to index
        %parallel_loop3A_70 = arith.index_cast %parallel_loop3A_67 : i32 to index
        %parallel_loop3A_71 = tpu.vector_load %arg4[%parallel_loop3A_69, %parallel_loop3A_70] {strides = array<i32>} : memref<16x512xf32, #tpu.memory_space<vmem>>, vector<16xf32>,
        %parallel_loop3A_72 = arith.constant 2.560000e+02 : f32
        %parallel_loop3A_73 = vector.broadcast %parallel_loop3A_72 : f32 to vector<16xf32>
        %parallel_loop3A_74 = arith.mulf %parallel_loop3A_71, %parallel_loop3A_73 : vector<16xf32>
        %parallel_loop3A_75 = arith.fptosi %parallel_loop3A_74 : vector<16xf32> to vector<16xi32>
        %parallel_loop3A_76 = arith.addi %mul3A_3, %parallel_loop3A_75 : vector<16xi32>
        tpu.vector_store_idx %arg6[%parallel_loop3A_76], %broadcast_in_dim3A_4 {add = true} : memref<4096xf32, #tpu.memory_space<vmem>>[vector<16xi32>], vector<16xf32>,
        %parallel_loop3A_77 = arith.constant 1 : i32
        %parallel_loop3A_78 = arith.index_cast %parallel_loop3A_77 : i32 to index
        %parallel_loop3A_79 = arith.index_cast %parallel_loop3A_67 : i32 to index
        %parallel_loop3A_80 = tpu.vector_load %arg4[%parallel_loop3A_78, %parallel_loop3A_79] {strides = array<i32>} : memref<16x512xf32, #tpu.memory_space<vmem>>, vector<16xf32>,
        %parallel_loop3A_81 = arith.constant 2.560000e+02 : f32
        %parallel_loop3A_82 = vector.broadcast %parallel_loop3A_81 : f32 to vector<16xf32>
        %parallel_loop3A_83 = arith.mulf %parallel_loop3A_80, %parallel_loop3A_82 : vector<16xf32>
        %parallel_loop3A_84 = arith.fptosi %parallel_loop3A_83 : vector<16xf32> to vector<16xi32>
        %parallel_loop3A_85 = arith.addi %mul3A_3, %parallel_loop3A_84 : vector<16xi32>
        tpu.vector_store_idx %arg6[%parallel_loop3A_85], %broadcast_in_dim3A_4 {add = true} : memref<4096xf32, #tpu.memory_space<vmem>>[vector<16xi32>], vector<16xf32>,
        %parallel_loop3A_86 = arith.constant 2 : i32
        %parallel_loop3A_87 = arith.index_cast %parallel_loop3A_86 : i32 to index
        %parallel_loop3A_88 = arith.index_cast %parallel_loop3A_67 : i32 to index
        %parallel_loop3A_89 = tpu.vector_load %arg4[%parallel_loop3A_87, %parallel_loop3A_88] {strides = array<i32>} : memref<16x512xf32, #tpu.memory_space<vmem>>, vector<16xf32>,
        %parallel_loop3A_90 = arith.constant 2.560000e+02 : f32
        %parallel_loop3A_91 = vector.broadcast %parallel_loop3A_90 : f32 to vector<16xf32>
        %parallel_loop3A_92 = arith.mulf %parallel_loop3A_89, %parallel_loop3A_91 : vector<16xf32>
        %parallel_loop3A_93 = arith.fptosi %parallel_loop3A_92 : vector<16xf32> to vector<16xi32>
        %parallel_loop3A_94 = arith.addi %mul3A_3, %parallel_loop3A_93 : vector<16xi32>
        tpu.vector_store_idx %arg6[%parallel_loop3A_94], %broadcast_in_dim3A_4 {add = true} : memref<4096xf32, #tpu.memory_space<vmem>>[vector<16xi32>], vector<16xf32>,
        %parallel_loop3A_95 = arith.constant 3 : i32
        %parallel_loop3A_96 = arith.index_cast %parallel_loop3A_95 : i32 to index
        %parallel_loop3A_97 = arith.index_cast %parallel_loop3A_67 : i32 to index
        %parallel_loop3A_98 = tpu.vector_load %arg4[%parallel_loop3A_96, %parallel_loop3A_97] {strides = array<i32>} : memref<16x512xf32, #tpu.memory_space<vmem>>, vector<16xf32>,
        %parallel_loop3A_99 = arith.constant 2.560000e+02 : f32
        %parallel_loop3A_100 = vector.broadcast %parallel_loop3A_99 : f32 to vector<16xf32>
        %parallel_loop3A_101 = arith.mulf %parallel_loop3A_98, %parallel_loop3A_100 : vector<16xf32>
        %parallel_loop3A_102 = arith.fptosi %parallel_loop3A_101 : vector<16xf32> to vector<16xi32>
        %parallel_loop3A_103 = arith.addi %mul3A_3, %parallel_loop3A_102 : vector<16xi32>
        tpu.vector_store_idx %arg6[%parallel_loop3A_103], %broadcast_in_dim3A_4 {add = true} : memref<4096xf32, #tpu.memory_space<vmem>>[vector<16xi32>], vector<16xf32>,
        %parallel_loop3A_104 = arith.constant 4 : i32
        %parallel_loop3A_105 = arith.index_cast %parallel_loop3A_104 : i32 to index
        %parallel_loop3A_106 = arith.index_cast %parallel_loop3A_67 : i32 to index
        %parallel_loop3A_107 = tpu.vector_load %arg4[%parallel_loop3A_105, %parallel_loop3A_106] {strides = array<i32>} : memref<16x512xf32, #tpu.memory_space<vmem>>, vector<16xf32>,
        %parallel_loop3A_108 = arith.constant 2.560000e+02 : f32
        %parallel_loop3A_109 = vector.broadcast %parallel_loop3A_108 : f32 to vector<16xf32>
        %parallel_loop3A_110 = arith.mulf %parallel_loop3A_107, %parallel_loop3A_109 : vector<16xf32>
        %parallel_loop3A_111 = arith.fptosi %parallel_loop3A_110 : vector<16xf32> to vector<16xi32>
        %parallel_loop3A_112 = arith.addi %mul3A_3, %parallel_loop3A_111 : vector<16xi32>
        tpu.vector_store_idx %arg6[%parallel_loop3A_112], %broadcast_in_dim3A_4 {add = true} : memref<4096xf32, #tpu.memory_space<vmem>>[vector<16xi32>], vector<16xf32>,
        %parallel_loop3A_113 = arith.constant 5 : i32
        %parallel_loop3A_114 = arith.index_cast %parallel_loop3A_113 : i32 to index
        %parallel_loop3A_115 = arith.index_cast %parallel_loop3A_67 : i32 to index
        %parallel_loop3A_116 = tpu.vector_load %arg4[%parallel_loop3A_114, %parallel_loop3A_115] {strides = array<i32>} : memref<16x512xf32, #tpu.memory_space<vmem>>, vector<16xf32>,
        %parallel_loop3A_117 = arith.constant 2.560000e+02 : f32
        %parallel_loop3A_118 = vector.broadcast %parallel_loop3A_117 : f32 to vector<16xf32>
        %parallel_loop3A_119 = arith.mulf %parallel_loop3A_116, %parallel_loop3A_118 : vector<16xf32>
        %parallel_loop3A_120 = arith.fptosi %parallel_loop3A_119 : vector<16xf32> to vector<16xi32>
        %parallel_loop3A_121 = arith.addi %mul3A_3, %parallel_loop3A_120 : vector<16xi32>
        tpu.vector_store_idx %arg6[%parallel_loop3A_121], %broadcast_in_dim3A_4 {add = true} : memref<4096xf32, #tpu.memory_space<vmem>>[vector<16xi32>], vector<16xf32>,
        %parallel_loop3A_122 = arith.constant 6 : i32
        %parallel_loop3A_123 = arith.index_cast %parallel_loop3A_122 : i32 to index
        %parallel_loop3A_124 = arith.index_cast %parallel_loop3A_67 : i32 to index
        %parallel_loop3A_125 = tpu.vector_load %arg4[%parallel_loop3A_123, %parallel_loop3A_124] {strides = array<i32>} : memref<16x512xf32, #tpu.memory_space<vmem>>, vector<16xf32>,
        %parallel_loop3A_126 = arith.constant 2.560000e+02 : f32
        %parallel_loop3A_127 = vector.broadcast %parallel_loop3A_126 : f32 to vector<16xf32>
        %parallel_loop3A_128 = arith.mulf %parallel_loop3A_125, %parallel_loop3A_127 : vector<16xf32>
        %parallel_loop3A_129 = arith.fptosi %parallel_loop3A_128 : vector<16xf32> to vector<16xi32>
        %parallel_loop3A_130 = arith.addi %mul3A_3, %parallel_loop3A_129 : vector<16xi32>
        tpu.vector_store_idx %arg6[%parallel_loop3A_130], %broadcast_in_dim3A_4 {add = true} : memref<4096xf32, #tpu.memory_space<vmem>>[vector<16xi32>], vector<16xf32>,
        %parallel_loop3A_131 = arith.constant 7 : i32
        %parallel_loop3A_132 = arith.index_cast %parallel_loop3A_131 : i32 to index
        %parallel_loop3A_133 = arith.index_cast %parallel_loop3A_67 : i32 to index
        %parallel_loop3A_134 = tpu.vector_load %arg4[%parallel_loop3A_132, %parallel_loop3A_133] {strides = array<i32>} : memref<16x512xf32, #tpu.memory_space<vmem>>, vector<16xf32>,
        %parallel_loop3A_135 = arith.constant 2.560000e+02 : f32
        %parallel_loop3A_136 = vector.broadcast %parallel_loop3A_135 : f32 to vector<16xf32>
        %parallel_loop3A_137 = arith.mulf %parallel_loop3A_134, %parallel_loop3A_136 : vector<16xf32>
        %parallel_loop3A_138 = arith.fptosi %parallel_loop3A_137 : vector<16xf32> to vector<16xi32>
        %parallel_loop3A_139 = arith.addi %mul3A_3, %parallel_loop3A_138 : vector<16xi32>
        tpu.vector_store_idx %arg6[%parallel_loop3A_139], %broadcast_in_dim3A_4 {add = true} : memref<4096xf32, #tpu.memory_space<vmem>>[vector<16xi32>], vector<16xf32>,
        %parallel_loop3A_140 = arith.constant 8 : i32
        %parallel_loop3A_141 = arith.index_cast %parallel_loop3A_140 : i32 to index
        %parallel_loop3A_142 = arith.index_cast %parallel_loop3A_67 : i32 to index
        %parallel_loop3A_143 = tpu.vector_load %arg4[%parallel_loop3A_141, %parallel_loop3A_142] {strides = array<i32>} : memref<16x512xf32, #tpu.memory_space<vmem>>, vector<16xf32>,
        %parallel_loop3A_144 = arith.constant 2.560000e+02 : f32
        %parallel_loop3A_145 = vector.broadcast %parallel_loop3A_144 : f32 to vector<16xf32>
        %parallel_loop3A_146 = arith.mulf %parallel_loop3A_143, %parallel_loop3A_145 : vector<16xf32>
        %parallel_loop3A_147 = arith.fptosi %parallel_loop3A_146 : vector<16xf32> to vector<16xi32>
        %parallel_loop3A_148 = arith.addi %mul3A_3, %parallel_loop3A_147 : vector<16xi32>
        tpu.vector_store_idx %arg6[%parallel_loop3A_148], %broadcast_in_dim3A_4 {add = true} : memref<4096xf32, #tpu.memory_space<vmem>>[vector<16xi32>], vector<16xf32>,
        %parallel_loop3A_149 = arith.constant 9 : i32
        %parallel_loop3A_150 = arith.index_cast %parallel_loop3A_149 : i32 to index
        %parallel_loop3A_151 = arith.index_cast %parallel_loop3A_67 : i32 to index
        %parallel_loop3A_152 = tpu.vector_load %arg4[%parallel_loop3A_150, %parallel_loop3A_151] {strides = array<i32>} : memref<16x512xf32, #tpu.memory_space<vmem>>, vector<16xf32>,
        %parallel_loop3A_153 = arith.constant 2.560000e+02 : f32
        %parallel_loop3A_154 = vector.broadcast %parallel_loop3A_153 : f32 to vector<16xf32>
        %parallel_loop3A_155 = arith.mulf %parallel_loop3A_152, %parallel_loop3A_154 : vector<16xf32>
        %parallel_loop3A_156 = arith.fptosi %parallel_loop3A_155 : vector<16xf32> to vector<16xi32>
        %parallel_loop3A_157 = arith.addi %mul3A_3, %parallel_loop3A_156 : vector<16xi32>
        tpu.vector_store_idx %arg6[%parallel_loop3A_157], %broadcast_in_dim3A_4 {add = true} : memref<4096xf32, #tpu.memory_space<vmem>>[vector<16xi32>], vector<16xf32>,
        %parallel_loop3A_158 = arith.constant 10 : i32
        %parallel_loop3A_159 = arith.index_cast %parallel_loop3A_158 : i32 to index
        %parallel_loop3A_160 = arith.index_cast %parallel_loop3A_67 : i32 to index
        %parallel_loop3A_161 = tpu.vector_load %arg4[%parallel_loop3A_159, %parallel_loop3A_160] {strides = array<i32>} : memref<16x512xf32, #tpu.memory_space<vmem>>, vector<16xf32>,
        %parallel_loop3A_162 = arith.constant 2.560000e+02 : f32
        %parallel_loop3A_163 = vector.broadcast %parallel_loop3A_162 : f32 to vector<16xf32>
        %parallel_loop3A_164 = arith.mulf %parallel_loop3A_161, %parallel_loop3A_163 : vector<16xf32>
        %parallel_loop3A_165 = arith.fptosi %parallel_loop3A_164 : vector<16xf32> to vector<16xi32>
        %parallel_loop3A_166 = arith.addi %mul3A_3, %parallel_loop3A_165 : vector<16xi32>
        tpu.vector_store_idx %arg6[%parallel_loop3A_166], %broadcast_in_dim3A_4 {add = true} : memref<4096xf32, #tpu.memory_space<vmem>>[vector<16xi32>], vector<16xf32>,
        %parallel_loop3A_167 = arith.constant 11 : i32
        %parallel_loop3A_168 = arith.index_cast %parallel_loop3A_167 : i32 to index
        %parallel_loop3A_169 = arith.index_cast %parallel_loop3A_67 : i32 to index
        %parallel_loop3A_170 = tpu.vector_load %arg4[%parallel_loop3A_168, %parallel_loop3A_169] {strides = array<i32>} : memref<16x512xf32, #tpu.memory_space<vmem>>, vector<16xf32>,
        %parallel_loop3A_171 = arith.constant 2.560000e+02 : f32
        %parallel_loop3A_172 = vector.broadcast %parallel_loop3A_171 : f32 to vector<16xf32>
        %parallel_loop3A_173 = arith.mulf %parallel_loop3A_170, %parallel_loop3A_172 : vector<16xf32>
        %parallel_loop3A_174 = arith.fptosi %parallel_loop3A_173 : vector<16xf32> to vector<16xi32>
        %parallel_loop3A_175 = arith.addi %mul3A_3, %parallel_loop3A_174 : vector<16xi32>
        tpu.vector_store_idx %arg6[%parallel_loop3A_175], %broadcast_in_dim3A_4 {add = true} : memref<4096xf32, #tpu.memory_space<vmem>>[vector<16xi32>], vector<16xf32>,
        %parallel_loop3A_176 = arith.constant 12 : i32
        %parallel_loop3A_177 = arith.index_cast %parallel_loop3A_176 : i32 to index
        %parallel_loop3A_178 = arith.index_cast %parallel_loop3A_67 : i32 to index
        %parallel_loop3A_179 = tpu.vector_load %arg4[%parallel_loop3A_177, %parallel_loop3A_178] {strides = array<i32>} : memref<16x512xf32, #tpu.memory_space<vmem>>, vector<16xf32>,
        %parallel_loop3A_180 = arith.constant 2.560000e+02 : f32
        %parallel_loop3A_181 = vector.broadcast %parallel_loop3A_180 : f32 to vector<16xf32>
        %parallel_loop3A_182 = arith.mulf %parallel_loop3A_179, %parallel_loop3A_181 : vector<16xf32>
        %parallel_loop3A_183 = arith.fptosi %parallel_loop3A_182 : vector<16xf32> to vector<16xi32>
        %parallel_loop3A_184 = arith.addi %mul3A_3, %parallel_loop3A_183 : vector<16xi32>
        tpu.vector_store_idx %arg6[%parallel_loop3A_184], %broadcast_in_dim3A_4 {add = true} : memref<4096xf32, #tpu.memory_space<vmem>>[vector<16xi32>], vector<16xf32>,
        %parallel_loop3A_185 = arith.constant 13 : i32
        %parallel_loop3A_186 = arith.index_cast %parallel_loop3A_185 : i32 to index
        %parallel_loop3A_187 = arith.index_cast %parallel_loop3A_67 : i32 to index
        %parallel_loop3A_188 = tpu.vector_load %arg4[%parallel_loop3A_186, %parallel_loop3A_187] {strides = array<i32>} : memref<16x512xf32, #tpu.memory_space<vmem>>, vector<16xf32>,
        %parallel_loop3A_189 = arith.constant 2.560000e+02 : f32
        %parallel_loop3A_190 = vector.broadcast %parallel_loop3A_189 : f32 to vector<16xf32>
        %parallel_loop3A_191 = arith.mulf %parallel_loop3A_188, %parallel_loop3A_190 : vector<16xf32>
        %parallel_loop3A_192 = arith.fptosi %parallel_loop3A_191 : vector<16xf32> to vector<16xi32>
        %parallel_loop3A_193 = arith.addi %mul3A_3, %parallel_loop3A_192 : vector<16xi32>
        tpu.vector_store_idx %arg6[%parallel_loop3A_193], %broadcast_in_dim3A_4 {add = true} : memref<4096xf32, #tpu.memory_space<vmem>>[vector<16xi32>], vector<16xf32>,
        %parallel_loop3A_194 = arith.constant 14 : i32
        %parallel_loop3A_195 = arith.index_cast %parallel_loop3A_194 : i32 to index
        %parallel_loop3A_196 = arith.index_cast %parallel_loop3A_67 : i32 to index
        %parallel_loop3A_197 = tpu.vector_load %arg4[%parallel_loop3A_195, %parallel_loop3A_196] {strides = array<i32>} : memref<16x512xf32, #tpu.memory_space<vmem>>, vector<16xf32>,
        %parallel_loop3A_198 = arith.constant 2.560000e+02 : f32
        %parallel_loop3A_199 = vector.broadcast %parallel_loop3A_198 : f32 to vector<16xf32>
        %parallel_loop3A_200 = arith.mulf %parallel_loop3A_197, %parallel_loop3A_199 : vector<16xf32>
        %parallel_loop3A_201 = arith.fptosi %parallel_loop3A_200 : vector<16xf32> to vector<16xi32>
        %parallel_loop3A_202 = arith.addi %mul3A_3, %parallel_loop3A_201 : vector<16xi32>
        tpu.vector_store_idx %arg6[%parallel_loop3A_202], %broadcast_in_dim3A_4 {add = true} : memref<4096xf32, #tpu.memory_space<vmem>>[vector<16xi32>], vector<16xf32>,
        %parallel_loop3A_203 = arith.constant 15 : i32
        %parallel_loop3A_204 = arith.index_cast %parallel_loop3A_203 : i32 to index
        %parallel_loop3A_205 = arith.index_cast %parallel_loop3A_67 : i32 to index
        %parallel_loop3A_206 = tpu.vector_load %arg4[%parallel_loop3A_204, %parallel_loop3A_205] {strides = array<i32>} : memref<16x512xf32, #tpu.memory_space<vmem>>, vector<16xf32>,
        %parallel_loop3A_207 = arith.constant 2.560000e+02 : f32
        %parallel_loop3A_208 = vector.broadcast %parallel_loop3A_207 : f32 to vector<16xf32>
        %parallel_loop3A_209 = arith.mulf %parallel_loop3A_206, %parallel_loop3A_208 : vector<16xf32>
        %parallel_loop3A_210 = arith.fptosi %parallel_loop3A_209 : vector<16xf32> to vector<16xi32>
        %parallel_loop3A_211 = arith.addi %mul3A_3, %parallel_loop3A_210 : vector<16xi32>
        tpu.vector_store_idx %arg6[%parallel_loop3A_211], %broadcast_in_dim3A_4 {add = true} : memref<4096xf32, #tpu.memory_space<vmem>>[vector<16xi32>], vector<16xf32>,
      } {sc.loop_unroll_factor = 2 : i64, sc.parallel_access}
      %parallel_loop3A_45 = arith.constant 0 : i32
      %parallel_loop3A_46 = arith.constant 256 : i32
      %parallel_loop3A_47 = arith.constant 16 : i32
      scf.for %parallel_loop3A_67 = %parallel_loop3A_45 to %parallel_loop3A_46 step %parallel_loop3A_47  : i32 {
        %parallel_loop3A_68 = arith.constant 0 : i32
        %parallel_loop3A_69 = arith.addi %parallel_loop3A_68, %parallel_loop3A_67 : i32
        %parallel_loop3A_70 = arith.index_cast %parallel_loop3A_69 : i32 to index
        %parallel_loop3A_71 = tpu.vector_load %arg6[%parallel_loop3A_70] {strides = array<i32>} : memref<4096xf32, #tpu.memory_space<vmem>>, vector<16xf32>,
        %parallel_loop3A_72 = arith.index_cast %parallel_loop3A_69 : i32 to index
        %parallel_loop3A_73 = tpu.vector_load %arg6[%parallel_loop3A_72] {strides = array<i32>} : memref<4096xf32, #tpu.memory_space<vmem>>, vector<16xf32>,
        tpu.vector_store %arg6[%parallel_loop3A_72], %broadcast_in_dim3A_6 {strides = array<i32>} : memref<4096xf32, #tpu.memory_space<vmem>>, vector<16xf32>,
        %parallel_loop3A_74 = arith.constant 256 : i32
        %parallel_loop3A_75 = arith.addi %parallel_loop3A_74, %parallel_loop3A_67 : i32
        %parallel_loop3A_76 = arith.index_cast %parallel_loop3A_75 : i32 to index
        %parallel_loop3A_77 = tpu.vector_load %arg6[%parallel_loop3A_76] {strides = array<i32>} : memref<4096xf32, #tpu.memory_space<vmem>>, vector<16xf32>,
        %parallel_loop3A_78 = arith.index_cast %parallel_loop3A_75 : i32 to index
        %parallel_loop3A_79 = tpu.vector_load %arg6[%parallel_loop3A_78] {strides = array<i32>} : memref<4096xf32, #tpu.memory_space<vmem>>, vector<16xf32>,
        tpu.vector_store %arg6[%parallel_loop3A_78], %broadcast_in_dim3A_6 {strides = array<i32>} : memref<4096xf32, #tpu.memory_space<vmem>>, vector<16xf32>,
        %parallel_loop3A_80 = arith.constant 512 : i32
        %parallel_loop3A_81 = arith.addi %parallel_loop3A_80, %parallel_loop3A_67 : i32
        %parallel_loop3A_82 = arith.index_cast %parallel_loop3A_81 : i32 to index
        %parallel_loop3A_83 = tpu.vector_load %arg6[%parallel_loop3A_82] {strides = array<i32>} : memref<4096xf32, #tpu.memory_space<vmem>>, vector<16xf32>,
        %parallel_loop3A_84 = arith.index_cast %parallel_loop3A_81 : i32 to index
        %parallel_loop3A_85 = tpu.vector_load %arg6[%parallel_loop3A_84] {strides = array<i32>} : memref<4096xf32, #tpu.memory_space<vmem>>, vector<16xf32>,
        tpu.vector_store %arg6[%parallel_loop3A_84], %broadcast_in_dim3A_6 {strides = array<i32>} : memref<4096xf32, #tpu.memory_space<vmem>>, vector<16xf32>,
        %parallel_loop3A_86 = arith.constant 768 : i32
        %parallel_loop3A_87 = arith.addi %parallel_loop3A_86, %parallel_loop3A_67 : i32
        %parallel_loop3A_88 = arith.index_cast %parallel_loop3A_87 : i32 to index
        %parallel_loop3A_89 = tpu.vector_load %arg6[%parallel_loop3A_88] {strides = array<i32>} : memref<4096xf32, #tpu.memory_space<vmem>>, vector<16xf32>,
        %parallel_loop3A_90 = arith.index_cast %parallel_loop3A_87 : i32 to index
        %parallel_loop3A_91 = tpu.vector_load %arg6[%parallel_loop3A_90] {strides = array<i32>} : memref<4096xf32, #tpu.memory_space<vmem>>, vector<16xf32>,
        tpu.vector_store %arg6[%parallel_loop3A_90], %broadcast_in_dim3A_6 {strides = array<i32>} : memref<4096xf32, #tpu.memory_space<vmem>>, vector<16xf32>,
        %parallel_loop3A_92 = arith.constant 1024 : i32
        %parallel_loop3A_93 = arith.addi %parallel_loop3A_92, %parallel_loop3A_67 : i32
        %parallel_loop3A_94 = arith.index_cast %parallel_loop3A_93 : i32 to index
        %parallel_loop3A_95 = tpu.vector_load %arg6[%parallel_loop3A_94] {strides = array<i32>} : memref<4096xf32, #tpu.memory_space<vmem>>, vector<16xf32>,
        %parallel_loop3A_96 = arith.index_cast %parallel_loop3A_93 : i32 to index
        %parallel_loop3A_97 = tpu.vector_load %arg6[%parallel_loop3A_96] {strides = array<i32>} : memref<4096xf32, #tpu.memory_space<vmem>>, vector<16xf32>,
        tpu.vector_store %arg6[%parallel_loop3A_96], %broadcast_in_dim3A_6 {strides = array<i32>} : memref<4096xf32, #tpu.memory_space<vmem>>, vector<16xf32>,
        %parallel_loop3A_98 = arith.constant 1280 : i32
        %parallel_loop3A_99 = arith.addi %parallel_loop3A_98, %parallel_loop3A_67 : i32
        %parallel_loop3A_100 = arith.index_cast %parallel_loop3A_99 : i32 to index
        %parallel_loop3A_101 = tpu.vector_load %arg6[%parallel_loop3A_100] {strides = array<i32>} : memref<4096xf32, #tpu.memory_space<vmem>>, vector<16xf32>,
        %parallel_loop3A_102 = arith.index_cast %parallel_loop3A_99 : i32 to index
        %parallel_loop3A_103 = tpu.vector_load %arg6[%parallel_loop3A_102] {strides = array<i32>} : memref<4096xf32, #tpu.memory_space<vmem>>, vector<16xf32>,
        tpu.vector_store %arg6[%parallel_loop3A_102], %broadcast_in_dim3A_6 {strides = array<i32>} : memref<4096xf32, #tpu.memory_space<vmem>>, vector<16xf32>,
        %parallel_loop3A_104 = arith.constant 1536 : i32
        %parallel_loop3A_105 = arith.addi %parallel_loop3A_104, %parallel_loop3A_67 : i32
        %parallel_loop3A_106 = arith.index_cast %parallel_loop3A_105 : i32 to index
        %parallel_loop3A_107 = tpu.vector_load %arg6[%parallel_loop3A_106] {strides = array<i32>} : memref<4096xf32, #tpu.memory_space<vmem>>, vector<16xf32>,
        %parallel_loop3A_108 = arith.index_cast %parallel_loop3A_105 : i32 to index
        %parallel_loop3A_109 = tpu.vector_load %arg6[%parallel_loop3A_108] {strides = array<i32>} : memref<4096xf32, #tpu.memory_space<vmem>>, vector<16xf32>,
        tpu.vector_store %arg6[%parallel_loop3A_108], %broadcast_in_dim3A_6 {strides = array<i32>} : memref<4096xf32, #tpu.memory_space<vmem>>, vector<16xf32>,
        %parallel_loop3A_110 = arith.constant 1792 : i32
        %parallel_loop3A_111 = arith.addi %parallel_loop3A_110, %parallel_loop3A_67 : i32
        %parallel_loop3A_112 = arith.index_cast %parallel_loop3A_111 : i32 to index
        %parallel_loop3A_113 = tpu.vector_load %arg6[%parallel_loop3A_112] {strides = array<i32>} : memref<4096xf32, #tpu.memory_space<vmem>>, vector<16xf32>,
        %parallel_loop3A_114 = arith.index_cast %parallel_loop3A_111 : i32 to index
        %parallel_loop3A_115 = tpu.vector_load %arg6[%parallel_loop3A_114] {strides = array<i32>} : memref<4096xf32, #tpu.memory_space<vmem>>, vector<16xf32>,
        tpu.vector_store %arg6[%parallel_loop3A_114], %broadcast_in_dim3A_6 {strides = array<i32>} : memref<4096xf32, #tpu.memory_space<vmem>>, vector<16xf32>,
        %parallel_loop3A_116 = arith.constant 2048 : i32
        %parallel_loop3A_117 = arith.addi %parallel_loop3A_116, %parallel_loop3A_67 : i32
        %parallel_loop3A_118 = arith.index_cast %parallel_loop3A_117 : i32 to index
        %parallel_loop3A_119 = tpu.vector_load %arg6[%parallel_loop3A_118] {strides = array<i32>} : memref<4096xf32, #tpu.memory_space<vmem>>, vector<16xf32>,
        %parallel_loop3A_120 = arith.index_cast %parallel_loop3A_117 : i32 to index
        %parallel_loop3A_121 = tpu.vector_load %arg6[%parallel_loop3A_120] {strides = array<i32>} : memref<4096xf32, #tpu.memory_space<vmem>>, vector<16xf32>,
        tpu.vector_store %arg6[%parallel_loop3A_120], %broadcast_in_dim3A_6 {strides = array<i32>} : memref<4096xf32, #tpu.memory_space<vmem>>, vector<16xf32>,
        %parallel_loop3A_122 = arith.constant 2304 : i32
        %parallel_loop3A_123 = arith.addi %parallel_loop3A_122, %parallel_loop3A_67 : i32
        %parallel_loop3A_124 = arith.index_cast %parallel_loop3A_123 : i32 to index
        %parallel_loop3A_125 = tpu.vector_load %arg6[%parallel_loop3A_124] {strides = array<i32>} : memref<4096xf32, #tpu.memory_space<vmem>>, vector<16xf32>,
        %parallel_loop3A_126 = arith.index_cast %parallel_loop3A_123 : i32 to index
        %parallel_loop3A_127 = tpu.vector_load %arg6[%parallel_loop3A_126] {strides = array<i32>} : memref<4096xf32, #tpu.memory_space<vmem>>, vector<16xf32>,
        tpu.vector_store %arg6[%parallel_loop3A_126], %broadcast_in_dim3A_6 {strides = array<i32>} : memref<4096xf32, #tpu.memory_space<vmem>>, vector<16xf32>,
        %parallel_loop3A_128 = arith.constant 2560 : i32
        %parallel_loop3A_129 = arith.addi %parallel_loop3A_128, %parallel_loop3A_67 : i32
        %parallel_loop3A_130 = arith.index_cast %parallel_loop3A_129 : i32 to index
        %parallel_loop3A_131 = tpu.vector_load %arg6[%parallel_loop3A_130] {strides = array<i32>} : memref<4096xf32, #tpu.memory_space<vmem>>, vector<16xf32>,
        %parallel_loop3A_132 = arith.index_cast %parallel_loop3A_129 : i32 to index
        %parallel_loop3A_133 = tpu.vector_load %arg6[%parallel_loop3A_132] {strides = array<i32>} : memref<4096xf32, #tpu.memory_space<vmem>>, vector<16xf32>,
        tpu.vector_store %arg6[%parallel_loop3A_132], %broadcast_in_dim3A_6 {strides = array<i32>} : memref<4096xf32, #tpu.memory_space<vmem>>, vector<16xf32>,
        %parallel_loop3A_134 = arith.constant 2816 : i32
        %parallel_loop3A_135 = arith.addi %parallel_loop3A_134, %parallel_loop3A_67 : i32
        %parallel_loop3A_136 = arith.index_cast %parallel_loop3A_135 : i32 to index
        %parallel_loop3A_137 = tpu.vector_load %arg6[%parallel_loop3A_136] {strides = array<i32>} : memref<4096xf32, #tpu.memory_space<vmem>>, vector<16xf32>,
        %parallel_loop3A_138 = arith.index_cast %parallel_loop3A_135 : i32 to index
        %parallel_loop3A_139 = tpu.vector_load %arg6[%parallel_loop3A_138] {strides = array<i32>} : memref<4096xf32, #tpu.memory_space<vmem>>, vector<16xf32>,
        tpu.vector_store %arg6[%parallel_loop3A_138], %broadcast_in_dim3A_6 {strides = array<i32>} : memref<4096xf32, #tpu.memory_space<vmem>>, vector<16xf32>,
        %parallel_loop3A_140 = arith.constant 3072 : i32
        %parallel_loop3A_141 = arith.addi %parallel_loop3A_140, %parallel_loop3A_67 : i32
        %parallel_loop3A_142 = arith.index_cast %parallel_loop3A_141 : i32 to index
        %parallel_loop3A_143 = tpu.vector_load %arg6[%parallel_loop3A_142] {strides = array<i32>} : memref<4096xf32, #tpu.memory_space<vmem>>, vector<16xf32>,
        %parallel_loop3A_144 = arith.index_cast %parallel_loop3A_141 : i32 to index
        %parallel_loop3A_145 = tpu.vector_load %arg6[%parallel_loop3A_144] {strides = array<i32>} : memref<4096xf32, #tpu.memory_space<vmem>>, vector<16xf32>,
        tpu.vector_store %arg6[%parallel_loop3A_144], %broadcast_in_dim3A_6 {strides = array<i32>} : memref<4096xf32, #tpu.memory_space<vmem>>, vector<16xf32>,
        %parallel_loop3A_146 = arith.constant 3328 : i32
        %parallel_loop3A_147 = arith.addi %parallel_loop3A_146, %parallel_loop3A_67 : i32
        %parallel_loop3A_148 = arith.index_cast %parallel_loop3A_147 : i32 to index
        %parallel_loop3A_149 = tpu.vector_load %arg6[%parallel_loop3A_148] {strides = array<i32>} : memref<4096xf32, #tpu.memory_space<vmem>>, vector<16xf32>,
        %parallel_loop3A_150 = arith.index_cast %parallel_loop3A_147 : i32 to index
        %parallel_loop3A_151 = tpu.vector_load %arg6[%parallel_loop3A_150] {strides = array<i32>} : memref<4096xf32, #tpu.memory_space<vmem>>, vector<16xf32>,
        tpu.vector_store %arg6[%parallel_loop3A_150], %broadcast_in_dim3A_6 {strides = array<i32>} : memref<4096xf32, #tpu.memory_space<vmem>>, vector<16xf32>,
        %parallel_loop3A_152 = arith.constant 3584 : i32
        %parallel_loop3A_153 = arith.addi %parallel_loop3A_152, %parallel_loop3A_67 : i32
        %parallel_loop3A_154 = arith.index_cast %parallel_loop3A_153 : i32 to index
        %parallel_loop3A_155 = tpu.vector_load %arg6[%parallel_loop3A_154] {strides = array<i32>} : memref<4096xf32, #tpu.memory_space<vmem>>, vector<16xf32>,
        %parallel_loop3A_156 = arith.index_cast %parallel_loop3A_153 : i32 to index
        %parallel_loop3A_157 = tpu.vector_load %arg6[%parallel_loop3A_156] {strides = array<i32>} : memref<4096xf32, #tpu.memory_space<vmem>>, vector<16xf32>,
        tpu.vector_store %arg6[%parallel_loop3A_156], %broadcast_in_dim3A_6 {strides = array<i32>} : memref<4096xf32, #tpu.memory_space<vmem>>, vector<16xf32>,
        %parallel_loop3A_158 = arith.constant 3840 : i32
        %parallel_loop3A_159 = arith.addi %parallel_loop3A_158, %parallel_loop3A_67 : i32
        %parallel_loop3A_160 = arith.index_cast %parallel_loop3A_159 : i32 to index
        %parallel_loop3A_161 = tpu.vector_load %arg6[%parallel_loop3A_160] {strides = array<i32>} : memref<4096xf32, #tpu.memory_space<vmem>>, vector<16xf32>,
        %parallel_loop3A_162 = arith.index_cast %parallel_loop3A_159 : i32 to index
        %parallel_loop3A_163 = tpu.vector_load %arg6[%parallel_loop3A_162] {strides = array<i32>} : memref<4096xf32, #tpu.memory_space<vmem>>, vector<16xf32>,
        tpu.vector_store %arg6[%parallel_loop3A_162], %broadcast_in_dim3A_6 {strides = array<i32>} : memref<4096xf32, #tpu.memory_space<vmem>>, vector<16xf32>,
        %parallel_loop3A_164 = arith.addf %parallel_loop3A_71, %parallel_loop3A_77 : vector<16xf32>
        %parallel_loop3A_165 = arith.addf %parallel_loop3A_83, %parallel_loop3A_89 : vector<16xf32>
        %parallel_loop3A_166 = arith.addf %parallel_loop3A_95, %parallel_loop3A_101 : vector<16xf32>
        %parallel_loop3A_167 = arith.addf %parallel_loop3A_107, %parallel_loop3A_113 : vector<16xf32>
        %parallel_loop3A_168 = arith.addf %parallel_loop3A_119, %parallel_loop3A_125 : vector<16xf32>
        %parallel_loop3A_169 = arith.addf %parallel_loop3A_131, %parallel_loop3A_137 : vector<16xf32>
        %parallel_loop3A_170 = arith.addf %parallel_loop3A_143, %parallel_loop3A_149 : vector<16xf32>
        %parallel_loop3A_171 = arith.addf %parallel_loop3A_155, %parallel_loop3A_161 : vector<16xf32>
        %parallel_loop3A_172 = arith.addf %parallel_loop3A_164, %parallel_loop3A_165 : vector<16xf32>
        %parallel_loop3A_173 = arith.addf %parallel_loop3A_166, %parallel_loop3A_167 : vector<16xf32>
        %parallel_loop3A_174 = arith.addf %parallel_loop3A_168, %parallel_loop3A_169 : vector<16xf32>
        %parallel_loop3A_175 = arith.addf %parallel_loop3A_170, %parallel_loop3A_171 : vector<16xf32>
        %parallel_loop3A_176 = arith.addf %parallel_loop3A_172, %parallel_loop3A_173 : vector<16xf32>
        %parallel_loop3A_177 = arith.addf %parallel_loop3A_174, %parallel_loop3A_175 : vector<16xf32>
        %parallel_loop3A_178 = arith.addf %parallel_loop3A_176, %parallel_loop3A_177 : vector<16xf32>
        %parallel_loop3A_179 = arith.constant 256 : i32
        %parallel_loop3A_180 = arith.muli %mul3A_23, %parallel_loop3A_179 : i32
        %parallel_loop3A_181 = arith.addi %parallel_loop3A_180, %parallel_loop3A_67 : i32
        %parallel_loop3A_182 = arith.index_cast %parallel_loop3A_181 : i32 to index
        %parallel_loop3A_183 = tpu.vector_load %arg7[%parallel_loop3A_182] {strides = array<i32>} : memref<6144xf32, #tpu.memory_space<vmem>>, vector<16xf32>,
        tpu.vector_store %arg7[%parallel_loop3A_182], %parallel_loop3A_178 {strides = array<i32>} : memref<6144xf32, #tpu.memory_space<vmem>>, vector<16xf32>,
      } {sc.loop_unroll_factor = 2 : i64, sc.parallel_access}
      %lt3A = arith.constant 11 : i32
      %lt3A_48 = arith.cmpi slt, %scan3A_21, %lt3A : i32
      %convert_element_type3A = arith.extui %lt3A_48 : i1 to i32
      %cond3A = arith.constant 0 : i32
      %cond3A_49 = arith.cmpi ne, %convert_element_type3A, %cond3A : i32
      scf.if %cond3A_49 {
        %add3A_67 = arith.constant 2 : i32
        %add3A_68 = arith.addi %mul3A_23, %add3A_67 : i32
        %mul3A_69 = arith.constant 16 : i32
        %mul3A_70 = arith.muli %add3A, %mul3A_69 : i32
        %dma_start3A_71 = arith.constant 0 : i32
        %dma_start3A_72 = tpu.memref_slice %arg2[%add3A_68, %mul3A_70, %dma_start3A_71] : memref<24x512x512xf32, #tpu.memory_space<hbm>> -> memref<1x16x512xf32, #tpu.memory_space<hbm>>
        %dma_start3A_73 = tpu.memref_squeeze %dma_start3A_72 : memref<1x16x512xf32, #tpu.memory_space<hbm>> -> memref<16x512xf32, #tpu.memory_space<hbm>>
        %dma_start3A_74 = arith.constant 0 : i32
        %dma_start3A_75 = tpu.memref_slice %arg2[%add3A_68, %mul3A_70, %dma_start3A_74] : memref<24x512x512xf32, #tpu.memory_space<hbm>> -> memref<1x16x512xf32, #tpu.memory_space<hbm>>
        %dma_start3A_76 = tpu.memref_squeeze %dma_start3A_75 : memref<1x16x512xf32, #tpu.memory_space<hbm>> -> memref<16x512xf32, #tpu.memory_space<hbm>>
        tpu.enqueue_dma source(%dma_start3A_76 : memref<16x512xf32, #tpu.memory_space<hbm>>) target(%arg4 : memref<16x512xf32, #tpu.memory_space<vmem>>) target_semaphore(%arg8 : memref<!tpu.dma_semaphore, #tpu.memory_space<semaphore_mem>>)
      } else {
      }
      %dma_wait3A_50 = arith.constant 0 : i32
      %dma_wait3A_51 = arith.constant 0 : i32
      %dma_wait3A_52 = arith.constant 0 : i32
      %dma_wait3A_53 = tpu.memref_slice %arg2[%dma_wait3A_50, %dma_wait3A_51, %dma_wait3A_52] : memref<24x512x512xf32, #tpu.memory_space<hbm>> -> memref<1x16x512xf32, #tpu.memory_space<hbm>>
      %dma_wait3A_54 = tpu.memref_squeeze %dma_wait3A_53 : memref<1x16x512xf32, #tpu.memory_space<hbm>> -> memref<16x512xf32, #tpu.memory_space<hbm>>
      %dma_wait3A_55 = arith.constant 0 : i32
      %dma_wait3A_56 = arith.constant 0 : i32
      %dma_wait3A_57 = tpu.memref_slice %arg2[%dma_wait3A_50, %dma_wait3A_55, %dma_wait3A_56] : memref<24x512x512xf32, #tpu.memory_space<hbm>> -> memref<1x16x512xf32, #tpu.memory_space<hbm>>
      %dma_wait3A_58 = tpu.memref_squeeze %dma_wait3A_57 : memref<1x16x512xf32, #tpu.memory_space<hbm>> -> memref<16x512xf32, #tpu.memory_space<hbm>>
      tpu.wait_dma2 semaphore(%arg9 : memref<!tpu.dma_semaphore, #tpu.memory_space<semaphore_mem>>) src(%dma_wait3A_58 : memref<16x512xf32, #tpu.memory_space<hbm>>) dst(%arg5 : memref<16x512xf32, #tpu.memory_space<vmem>>)
      %add3A_59 = arith.constant 1 : i32
      %add3A_60 = arith.addi %mul3A_23, %add3A_59 : i32
      %parallel_loop3A_61 = arith.constant 0 : i32
      %parallel_loop3A_62 = arith.constant 512 : i32
      %parallel_loop3A_63 = arith.constant 16 : i32
      scf.for %parallel_loop3A_67 = %parallel_loop3A_61 to %parallel_loop3A_62 step %parallel_loop3A_63  : i32 {
        %parallel_loop3A_68 = arith.constant 0 : i32
        %parallel_loop3A_69 = arith.index_cast %parallel_loop3A_68 : i32 to index
        %parallel_loop3A_70 = arith.index_cast %parallel_loop3A_67 : i32 to index
        %parallel_loop3A_71 = tpu.vector_load %arg5[%parallel_loop3A_69, %parallel_loop3A_70] {strides = array<i32>} : memref<16x512xf32, #tpu.memory_space<vmem>>, vector<16xf32>,
        %parallel_loop3A_72 = arith.constant 2.560000e+02 : f32
        %parallel_loop3A_73 = vector.broadcast %parallel_loop3A_72 : f32 to vector<16xf32>
        %parallel_loop3A_74 = arith.mulf %parallel_loop3A_71, %parallel_loop3A_73 : vector<16xf32>
        %parallel_loop3A_75 = arith.fptosi %parallel_loop3A_74 : vector<16xf32> to vector<16xi32>
        %parallel_loop3A_76 = arith.addi %mul3A_3, %parallel_loop3A_75 : vector<16xi32>
        tpu.vector_store_idx %arg6[%parallel_loop3A_76], %broadcast_in_dim3A_4 {add = true} : memref<4096xf32, #tpu.memory_space<vmem>>[vector<16xi32>], vector<16xf32>,
        %parallel_loop3A_77 = arith.constant 1 : i32
        %parallel_loop3A_78 = arith.index_cast %parallel_loop3A_77 : i32 to index
        %parallel_loop3A_79 = arith.index_cast %parallel_loop3A_67 : i32 to index
        %parallel_loop3A_80 = tpu.vector_load %arg5[%parallel_loop3A_78, %parallel_loop3A_79] {strides = array<i32>} : memref<16x512xf32, #tpu.memory_space<vmem>>, vector<16xf32>,
        %parallel_loop3A_81 = arith.constant 2.560000e+02 : f32
        %parallel_loop3A_82 = vector.broadcast %parallel_loop3A_81 : f32 to vector<16xf32>
        %parallel_loop3A_83 = arith.mulf %parallel_loop3A_80, %parallel_loop3A_82 : vector<16xf32>
        %parallel_loop3A_84 = arith.fptosi %parallel_loop3A_83 : vector<16xf32> to vector<16xi32>
        %parallel_loop3A_85 = arith.addi %mul3A_3, %parallel_loop3A_84 : vector<16xi32>
        tpu.vector_store_idx %arg6[%parallel_loop3A_85], %broadcast_in_dim3A_4 {add = true} : memref<4096xf32, #tpu.memory_space<vmem>>[vector<16xi32>], vector<16xf32>,
        %parallel_loop3A_86 = arith.constant 2 : i32
        %parallel_loop3A_87 = arith.index_cast %parallel_loop3A_86 : i32 to index
        %parallel_loop3A_88 = arith.index_cast %parallel_loop3A_67 : i32 to index
        %parallel_loop3A_89 = tpu.vector_load %arg5[%parallel_loop3A_87, %parallel_loop3A_88] {strides = array<i32>} : memref<16x512xf32, #tpu.memory_space<vmem>>, vector<16xf32>,
        %parallel_loop3A_90 = arith.constant 2.560000e+02 : f32
        %parallel_loop3A_91 = vector.broadcast %parallel_loop3A_90 : f32 to vector<16xf32>
        %parallel_loop3A_92 = arith.mulf %parallel_loop3A_89, %parallel_loop3A_91 : vector<16xf32>
        %parallel_loop3A_93 = arith.fptosi %parallel_loop3A_92 : vector<16xf32> to vector<16xi32>
        %parallel_loop3A_94 = arith.addi %mul3A_3, %parallel_loop3A_93 : vector<16xi32>
        tpu.vector_store_idx %arg6[%parallel_loop3A_94], %broadcast_in_dim3A_4 {add = true} : memref<4096xf32, #tpu.memory_space<vmem>>[vector<16xi32>], vector<16xf32>,
        %parallel_loop3A_95 = arith.constant 3 : i32
        %parallel_loop3A_96 = arith.index_cast %parallel_loop3A_95 : i32 to index
        %parallel_loop3A_97 = arith.index_cast %parallel_loop3A_67 : i32 to index
        %parallel_loop3A_98 = tpu.vector_load %arg5[%parallel_loop3A_96, %parallel_loop3A_97] {strides = array<i32>} : memref<16x512xf32, #tpu.memory_space<vmem>>, vector<16xf32>,
        %parallel_loop3A_99 = arith.constant 2.560000e+02 : f32
        %parallel_loop3A_100 = vector.broadcast %parallel_loop3A_99 : f32 to vector<16xf32>
        %parallel_loop3A_101 = arith.mulf %parallel_loop3A_98, %parallel_loop3A_100 : vector<16xf32>
        %parallel_loop3A_102 = arith.fptosi %parallel_loop3A_101 : vector<16xf32> to vector<16xi32>
        %parallel_loop3A_103 = arith.addi %mul3A_3, %parallel_loop3A_102 : vector<16xi32>
        tpu.vector_store_idx %arg6[%parallel_loop3A_103], %broadcast_in_dim3A_4 {add = true} : memref<4096xf32, #tpu.memory_space<vmem>>[vector<16xi32>], vector<16xf32>,
        %parallel_loop3A_104 = arith.constant 4 : i32
        %parallel_loop3A_105 = arith.index_cast %parallel_loop3A_104 : i32 to index
        %parallel_loop3A_106 = arith.index_cast %parallel_loop3A_67 : i32 to index
        %parallel_loop3A_107 = tpu.vector_load %arg5[%parallel_loop3A_105, %parallel_loop3A_106] {strides = array<i32>} : memref<16x512xf32, #tpu.memory_space<vmem>>, vector<16xf32>,
        %parallel_loop3A_108 = arith.constant 2.560000e+02 : f32
        %parallel_loop3A_109 = vector.broadcast %parallel_loop3A_108 : f32 to vector<16xf32>
        %parallel_loop3A_110 = arith.mulf %parallel_loop3A_107, %parallel_loop3A_109 : vector<16xf32>
        %parallel_loop3A_111 = arith.fptosi %parallel_loop3A_110 : vector<16xf32> to vector<16xi32>
        %parallel_loop3A_112 = arith.addi %mul3A_3, %parallel_loop3A_111 : vector<16xi32>
        tpu.vector_store_idx %arg6[%parallel_loop3A_112], %broadcast_in_dim3A_4 {add = true} : memref<4096xf32, #tpu.memory_space<vmem>>[vector<16xi32>], vector<16xf32>,
        %parallel_loop3A_113 = arith.constant 5 : i32
        %parallel_loop3A_114 = arith.index_cast %parallel_loop3A_113 : i32 to index
        %parallel_loop3A_115 = arith.index_cast %parallel_loop3A_67 : i32 to index
        %parallel_loop3A_116 = tpu.vector_load %arg5[%parallel_loop3A_114, %parallel_loop3A_115] {strides = array<i32>} : memref<16x512xf32, #tpu.memory_space<vmem>>, vector<16xf32>,
        %parallel_loop3A_117 = arith.constant 2.560000e+02 : f32
        %parallel_loop3A_118 = vector.broadcast %parallel_loop3A_117 : f32 to vector<16xf32>
        %parallel_loop3A_119 = arith.mulf %parallel_loop3A_116, %parallel_loop3A_118 : vector<16xf32>
        %parallel_loop3A_120 = arith.fptosi %parallel_loop3A_119 : vector<16xf32> to vector<16xi32>
        %parallel_loop3A_121 = arith.addi %mul3A_3, %parallel_loop3A_120 : vector<16xi32>
        tpu.vector_store_idx %arg6[%parallel_loop3A_121], %broadcast_in_dim3A_4 {add = true} : memref<4096xf32, #tpu.memory_space<vmem>>[vector<16xi32>], vector<16xf32>,
        %parallel_loop3A_122 = arith.constant 6 : i32
        %parallel_loop3A_123 = arith.index_cast %parallel_loop3A_122 : i32 to index
        %parallel_loop3A_124 = arith.index_cast %parallel_loop3A_67 : i32 to index
        %parallel_loop3A_125 = tpu.vector_load %arg5[%parallel_loop3A_123, %parallel_loop3A_124] {strides = array<i32>} : memref<16x512xf32, #tpu.memory_space<vmem>>, vector<16xf32>,
        %parallel_loop3A_126 = arith.constant 2.560000e+02 : f32
        %parallel_loop3A_127 = vector.broadcast %parallel_loop3A_126 : f32 to vector<16xf32>
        %parallel_loop3A_128 = arith.mulf %parallel_loop3A_125, %parallel_loop3A_127 : vector<16xf32>
        %parallel_loop3A_129 = arith.fptosi %parallel_loop3A_128 : vector<16xf32> to vector<16xi32>
        %parallel_loop3A_130 = arith.addi %mul3A_3, %parallel_loop3A_129 : vector<16xi32>
        tpu.vector_store_idx %arg6[%parallel_loop3A_130], %broadcast_in_dim3A_4 {add = true} : memref<4096xf32, #tpu.memory_space<vmem>>[vector<16xi32>], vector<16xf32>,
        %parallel_loop3A_131 = arith.constant 7 : i32
        %parallel_loop3A_132 = arith.index_cast %parallel_loop3A_131 : i32 to index
        %parallel_loop3A_133 = arith.index_cast %parallel_loop3A_67 : i32 to index
        %parallel_loop3A_134 = tpu.vector_load %arg5[%parallel_loop3A_132, %parallel_loop3A_133] {strides = array<i32>} : memref<16x512xf32, #tpu.memory_space<vmem>>, vector<16xf32>,
        %parallel_loop3A_135 = arith.constant 2.560000e+02 : f32
        %parallel_loop3A_136 = vector.broadcast %parallel_loop3A_135 : f32 to vector<16xf32>
        %parallel_loop3A_137 = arith.mulf %parallel_loop3A_134, %parallel_loop3A_136 : vector<16xf32>
        %parallel_loop3A_138 = arith.fptosi %parallel_loop3A_137 : vector<16xf32> to vector<16xi32>
        %parallel_loop3A_139 = arith.addi %mul3A_3, %parallel_loop3A_138 : vector<16xi32>
        tpu.vector_store_idx %arg6[%parallel_loop3A_139], %broadcast_in_dim3A_4 {add = true} : memref<4096xf32, #tpu.memory_space<vmem>>[vector<16xi32>], vector<16xf32>,
        %parallel_loop3A_140 = arith.constant 8 : i32
        %parallel_loop3A_141 = arith.index_cast %parallel_loop3A_140 : i32 to index
        %parallel_loop3A_142 = arith.index_cast %parallel_loop3A_67 : i32 to index
        %parallel_loop3A_143 = tpu.vector_load %arg5[%parallel_loop3A_141, %parallel_loop3A_142] {strides = array<i32>} : memref<16x512xf32, #tpu.memory_space<vmem>>, vector<16xf32>,
        %parallel_loop3A_144 = arith.constant 2.560000e+02 : f32
        %parallel_loop3A_145 = vector.broadcast %parallel_loop3A_144 : f32 to vector<16xf32>
        %parallel_loop3A_146 = arith.mulf %parallel_loop3A_143, %parallel_loop3A_145 : vector<16xf32>
        %parallel_loop3A_147 = arith.fptosi %parallel_loop3A_146 : vector<16xf32> to vector<16xi32>
        %parallel_loop3A_148 = arith.addi %mul3A_3, %parallel_loop3A_147 : vector<16xi32>
        tpu.vector_store_idx %arg6[%parallel_loop3A_148], %broadcast_in_dim3A_4 {add = true} : memref<4096xf32, #tpu.memory_space<vmem>>[vector<16xi32>], vector<16xf32>,
        %parallel_loop3A_149 = arith.constant 9 : i32
        %parallel_loop3A_150 = arith.index_cast %parallel_loop3A_149 : i32 to index
        %parallel_loop3A_151 = arith.index_cast %parallel_loop3A_67 : i32 to index
        %parallel_loop3A_152 = tpu.vector_load %arg5[%parallel_loop3A_150, %parallel_loop3A_151] {strides = array<i32>} : memref<16x512xf32, #tpu.memory_space<vmem>>, vector<16xf32>,
        %parallel_loop3A_153 = arith.constant 2.560000e+02 : f32
        %parallel_loop3A_154 = vector.broadcast %parallel_loop3A_153 : f32 to vector<16xf32>
        %parallel_loop3A_155 = arith.mulf %parallel_loop3A_152, %parallel_loop3A_154 : vector<16xf32>
        %parallel_loop3A_156 = arith.fptosi %parallel_loop3A_155 : vector<16xf32> to vector<16xi32>
        %parallel_loop3A_157 = arith.addi %mul3A_3, %parallel_loop3A_156 : vector<16xi32>
        tpu.vector_store_idx %arg6[%parallel_loop3A_157], %broadcast_in_dim3A_4 {add = true} : memref<4096xf32, #tpu.memory_space<vmem>>[vector<16xi32>], vector<16xf32>,
        %parallel_loop3A_158 = arith.constant 10 : i32
        %parallel_loop3A_159 = arith.index_cast %parallel_loop3A_158 : i32 to index
        %parallel_loop3A_160 = arith.index_cast %parallel_loop3A_67 : i32 to index
        %parallel_loop3A_161 = tpu.vector_load %arg5[%parallel_loop3A_159, %parallel_loop3A_160] {strides = array<i32>} : memref<16x512xf32, #tpu.memory_space<vmem>>, vector<16xf32>,
        %parallel_loop3A_162 = arith.constant 2.560000e+02 : f32
        %parallel_loop3A_163 = vector.broadcast %parallel_loop3A_162 : f32 to vector<16xf32>
        %parallel_loop3A_164 = arith.mulf %parallel_loop3A_161, %parallel_loop3A_163 : vector<16xf32>
        %parallel_loop3A_165 = arith.fptosi %parallel_loop3A_164 : vector<16xf32> to vector<16xi32>
        %parallel_loop3A_166 = arith.addi %mul3A_3, %parallel_loop3A_165 : vector<16xi32>
        tpu.vector_store_idx %arg6[%parallel_loop3A_166], %broadcast_in_dim3A_4 {add = true} : memref<4096xf32, #tpu.memory_space<vmem>>[vector<16xi32>], vector<16xf32>,
        %parallel_loop3A_167 = arith.constant 11 : i32
        %parallel_loop3A_168 = arith.index_cast %parallel_loop3A_167 : i32 to index
        %parallel_loop3A_169 = arith.index_cast %parallel_loop3A_67 : i32 to index
        %parallel_loop3A_170 = tpu.vector_load %arg5[%parallel_loop3A_168, %parallel_loop3A_169] {strides = array<i32>} : memref<16x512xf32, #tpu.memory_space<vmem>>, vector<16xf32>,
        %parallel_loop3A_171 = arith.constant 2.560000e+02 : f32
        %parallel_loop3A_172 = vector.broadcast %parallel_loop3A_171 : f32 to vector<16xf32>
        %parallel_loop3A_173 = arith.mulf %parallel_loop3A_170, %parallel_loop3A_172 : vector<16xf32>
        %parallel_loop3A_174 = arith.fptosi %parallel_loop3A_173 : vector<16xf32> to vector<16xi32>
        %parallel_loop3A_175 = arith.addi %mul3A_3, %parallel_loop3A_174 : vector<16xi32>
        tpu.vector_store_idx %arg6[%parallel_loop3A_175], %broadcast_in_dim3A_4 {add = true} : memref<4096xf32, #tpu.memory_space<vmem>>[vector<16xi32>], vector<16xf32>,
        %parallel_loop3A_176 = arith.constant 12 : i32
        %parallel_loop3A_177 = arith.index_cast %parallel_loop3A_176 : i32 to index
        %parallel_loop3A_178 = arith.index_cast %parallel_loop3A_67 : i32 to index
        %parallel_loop3A_179 = tpu.vector_load %arg5[%parallel_loop3A_177, %parallel_loop3A_178] {strides = array<i32>} : memref<16x512xf32, #tpu.memory_space<vmem>>, vector<16xf32>,
        %parallel_loop3A_180 = arith.constant 2.560000e+02 : f32
        %parallel_loop3A_181 = vector.broadcast %parallel_loop3A_180 : f32 to vector<16xf32>
        %parallel_loop3A_182 = arith.mulf %parallel_loop3A_179, %parallel_loop3A_181 : vector<16xf32>
        %parallel_loop3A_183 = arith.fptosi %parallel_loop3A_182 : vector<16xf32> to vector<16xi32>
        %parallel_loop3A_184 = arith.addi %mul3A_3, %parallel_loop3A_183 : vector<16xi32>
        tpu.vector_store_idx %arg6[%parallel_loop3A_184], %broadcast_in_dim3A_4 {add = true} : memref<4096xf32, #tpu.memory_space<vmem>>[vector<16xi32>], vector<16xf32>,
        %parallel_loop3A_185 = arith.constant 13 : i32
        %parallel_loop3A_186 = arith.index_cast %parallel_loop3A_185 : i32 to index
        %parallel_loop3A_187 = arith.index_cast %parallel_loop3A_67 : i32 to index
        %parallel_loop3A_188 = tpu.vector_load %arg5[%parallel_loop3A_186, %parallel_loop3A_187] {strides = array<i32>} : memref<16x512xf32, #tpu.memory_space<vmem>>, vector<16xf32>,
        %parallel_loop3A_189 = arith.constant 2.560000e+02 : f32
        %parallel_loop3A_190 = vector.broadcast %parallel_loop3A_189 : f32 to vector<16xf32>
        %parallel_loop3A_191 = arith.mulf %parallel_loop3A_188, %parallel_loop3A_190 : vector<16xf32>
        %parallel_loop3A_192 = arith.fptosi %parallel_loop3A_191 : vector<16xf32> to vector<16xi32>
        %parallel_loop3A_193 = arith.addi %mul3A_3, %parallel_loop3A_192 : vector<16xi32>
        tpu.vector_store_idx %arg6[%parallel_loop3A_193], %broadcast_in_dim3A_4 {add = true} : memref<4096xf32, #tpu.memory_space<vmem>>[vector<16xi32>], vector<16xf32>,
        %parallel_loop3A_194 = arith.constant 14 : i32
        %parallel_loop3A_195 = arith.index_cast %parallel_loop3A_194 : i32 to index
        %parallel_loop3A_196 = arith.index_cast %parallel_loop3A_67 : i32 to index
        %parallel_loop3A_197 = tpu.vector_load %arg5[%parallel_loop3A_195, %parallel_loop3A_196] {strides = array<i32>} : memref<16x512xf32, #tpu.memory_space<vmem>>, vector<16xf32>,
        %parallel_loop3A_198 = arith.constant 2.560000e+02 : f32
        %parallel_loop3A_199 = vector.broadcast %parallel_loop3A_198 : f32 to vector<16xf32>
        %parallel_loop3A_200 = arith.mulf %parallel_loop3A_197, %parallel_loop3A_199 : vector<16xf32>
        %parallel_loop3A_201 = arith.fptosi %parallel_loop3A_200 : vector<16xf32> to vector<16xi32>
        %parallel_loop3A_202 = arith.addi %mul3A_3, %parallel_loop3A_201 : vector<16xi32>
        tpu.vector_store_idx %arg6[%parallel_loop3A_202], %broadcast_in_dim3A_4 {add = true} : memref<4096xf32, #tpu.memory_space<vmem>>[vector<16xi32>], vector<16xf32>,
        %parallel_loop3A_203 = arith.constant 15 : i32
        %parallel_loop3A_204 = arith.index_cast %parallel_loop3A_203 : i32 to index
        %parallel_loop3A_205 = arith.index_cast %parallel_loop3A_67 : i32 to index
        %parallel_loop3A_206 = tpu.vector_load %arg5[%parallel_loop3A_204, %parallel_loop3A_205] {strides = array<i32>} : memref<16x512xf32, #tpu.memory_space<vmem>>, vector<16xf32>,
        %parallel_loop3A_207 = arith.constant 2.560000e+02 : f32
        %parallel_loop3A_208 = vector.broadcast %parallel_loop3A_207 : f32 to vector<16xf32>
        %parallel_loop3A_209 = arith.mulf %parallel_loop3A_206, %parallel_loop3A_208 : vector<16xf32>
        %parallel_loop3A_210 = arith.fptosi %parallel_loop3A_209 : vector<16xf32> to vector<16xi32>
        %parallel_loop3A_211 = arith.addi %mul3A_3, %parallel_loop3A_210 : vector<16xi32>
        tpu.vector_store_idx %arg6[%parallel_loop3A_211], %broadcast_in_dim3A_4 {add = true} : memref<4096xf32, #tpu.memory_space<vmem>>[vector<16xi32>], vector<16xf32>,
      } {sc.loop_unroll_factor = 2 : i64, sc.parallel_access}
      %parallel_loop3A_64 = arith.constant 0 : i32
      %parallel_loop3A_65 = arith.constant 256 : i32
      %parallel_loop3A_66 = arith.constant 16 : i32
      scf.for %parallel_loop3A_67 = %parallel_loop3A_64 to %parallel_loop3A_65 step %parallel_loop3A_66  : i32 {
        %parallel_loop3A_68 = arith.constant 0 : i32
        %parallel_loop3A_69 = arith.addi %parallel_loop3A_68, %parallel_loop3A_67 : i32
        %parallel_loop3A_70 = arith.index_cast %parallel_loop3A_69 : i32 to index
        %parallel_loop3A_71 = tpu.vector_load %arg6[%parallel_loop3A_70] {strides = array<i32>} : memref<4096xf32, #tpu.memory_space<vmem>>, vector<16xf32>,
        %parallel_loop3A_72 = arith.index_cast %parallel_loop3A_69 : i32 to index
        %parallel_loop3A_73 = tpu.vector_load %arg6[%parallel_loop3A_72] {strides = array<i32>} : memref<4096xf32, #tpu.memory_space<vmem>>, vector<16xf32>,
        tpu.vector_store %arg6[%parallel_loop3A_72], %broadcast_in_dim3A_6 {strides = array<i32>} : memref<4096xf32, #tpu.memory_space<vmem>>, vector<16xf32>,
        %parallel_loop3A_74 = arith.constant 256 : i32
        %parallel_loop3A_75 = arith.addi %parallel_loop3A_74, %parallel_loop3A_67 : i32
        %parallel_loop3A_76 = arith.index_cast %parallel_loop3A_75 : i32 to index
        %parallel_loop3A_77 = tpu.vector_load %arg6[%parallel_loop3A_76] {strides = array<i32>} : memref<4096xf32, #tpu.memory_space<vmem>>, vector<16xf32>,
        %parallel_loop3A_78 = arith.index_cast %parallel_loop3A_75 : i32 to index
        %parallel_loop3A_79 = tpu.vector_load %arg6[%parallel_loop3A_78] {strides = array<i32>} : memref<4096xf32, #tpu.memory_space<vmem>>, vector<16xf32>,
        tpu.vector_store %arg6[%parallel_loop3A_78], %broadcast_in_dim3A_6 {strides = array<i32>} : memref<4096xf32, #tpu.memory_space<vmem>>, vector<16xf32>,
        %parallel_loop3A_80 = arith.constant 512 : i32
        %parallel_loop3A_81 = arith.addi %parallel_loop3A_80, %parallel_loop3A_67 : i32
        %parallel_loop3A_82 = arith.index_cast %parallel_loop3A_81 : i32 to index
        %parallel_loop3A_83 = tpu.vector_load %arg6[%parallel_loop3A_82] {strides = array<i32>} : memref<4096xf32, #tpu.memory_space<vmem>>, vector<16xf32>,
        %parallel_loop3A_84 = arith.index_cast %parallel_loop3A_81 : i32 to index
        %parallel_loop3A_85 = tpu.vector_load %arg6[%parallel_loop3A_84] {strides = array<i32>} : memref<4096xf32, #tpu.memory_space<vmem>>, vector<16xf32>,
        tpu.vector_store %arg6[%parallel_loop3A_84], %broadcast_in_dim3A_6 {strides = array<i32>} : memref<4096xf32, #tpu.memory_space<vmem>>, vector<16xf32>,
        %parallel_loop3A_86 = arith.constant 768 : i32
        %parallel_loop3A_87 = arith.addi %parallel_loop3A_86, %parallel_loop3A_67 : i32
        %parallel_loop3A_88 = arith.index_cast %parallel_loop3A_87 : i32 to index
        %parallel_loop3A_89 = tpu.vector_load %arg6[%parallel_loop3A_88] {strides = array<i32>} : memref<4096xf32, #tpu.memory_space<vmem>>, vector<16xf32>,
        %parallel_loop3A_90 = arith.index_cast %parallel_loop3A_87 : i32 to index
        %parallel_loop3A_91 = tpu.vector_load %arg6[%parallel_loop3A_90] {strides = array<i32>} : memref<4096xf32, #tpu.memory_space<vmem>>, vector<16xf32>,
        tpu.vector_store %arg6[%parallel_loop3A_90], %broadcast_in_dim3A_6 {strides = array<i32>} : memref<4096xf32, #tpu.memory_space<vmem>>, vector<16xf32>,
        %parallel_loop3A_92 = arith.constant 1024 : i32
        %parallel_loop3A_93 = arith.addi %parallel_loop3A_92, %parallel_loop3A_67 : i32
        %parallel_loop3A_94 = arith.index_cast %parallel_loop3A_93 : i32 to index
        %parallel_loop3A_95 = tpu.vector_load %arg6[%parallel_loop3A_94] {strides = array<i32>} : memref<4096xf32, #tpu.memory_space<vmem>>, vector<16xf32>,
        %parallel_loop3A_96 = arith.index_cast %parallel_loop3A_93 : i32 to index
        %parallel_loop3A_97 = tpu.vector_load %arg6[%parallel_loop3A_96] {strides = array<i32>} : memref<4096xf32, #tpu.memory_space<vmem>>, vector<16xf32>,
        tpu.vector_store %arg6[%parallel_loop3A_96], %broadcast_in_dim3A_6 {strides = array<i32>} : memref<4096xf32, #tpu.memory_space<vmem>>, vector<16xf32>,
        %parallel_loop3A_98 = arith.constant 1280 : i32
        %parallel_loop3A_99 = arith.addi %parallel_loop3A_98, %parallel_loop3A_67 : i32
        %parallel_loop3A_100 = arith.index_cast %parallel_loop3A_99 : i32 to index
        %parallel_loop3A_101 = tpu.vector_load %arg6[%parallel_loop3A_100] {strides = array<i32>} : memref<4096xf32, #tpu.memory_space<vmem>>, vector<16xf32>,
        %parallel_loop3A_102 = arith.index_cast %parallel_loop3A_99 : i32 to index
        %parallel_loop3A_103 = tpu.vector_load %arg6[%parallel_loop3A_102] {strides = array<i32>} : memref<4096xf32, #tpu.memory_space<vmem>>, vector<16xf32>,
        tpu.vector_store %arg6[%parallel_loop3A_102], %broadcast_in_dim3A_6 {strides = array<i32>} : memref<4096xf32, #tpu.memory_space<vmem>>, vector<16xf32>,
        %parallel_loop3A_104 = arith.constant 1536 : i32
        %parallel_loop3A_105 = arith.addi %parallel_loop3A_104, %parallel_loop3A_67 : i32
        %parallel_loop3A_106 = arith.index_cast %parallel_loop3A_105 : i32 to index
        %parallel_loop3A_107 = tpu.vector_load %arg6[%parallel_loop3A_106] {strides = array<i32>} : memref<4096xf32, #tpu.memory_space<vmem>>, vector<16xf32>,
        %parallel_loop3A_108 = arith.index_cast %parallel_loop3A_105 : i32 to index
        %parallel_loop3A_109 = tpu.vector_load %arg6[%parallel_loop3A_108] {strides = array<i32>} : memref<4096xf32, #tpu.memory_space<vmem>>, vector<16xf32>,
        tpu.vector_store %arg6[%parallel_loop3A_108], %broadcast_in_dim3A_6 {strides = array<i32>} : memref<4096xf32, #tpu.memory_space<vmem>>, vector<16xf32>,
        %parallel_loop3A_110 = arith.constant 1792 : i32
        %parallel_loop3A_111 = arith.addi %parallel_loop3A_110, %parallel_loop3A_67 : i32
        %parallel_loop3A_112 = arith.index_cast %parallel_loop3A_111 : i32 to index
        %parallel_loop3A_113 = tpu.vector_load %arg6[%parallel_loop3A_112] {strides = array<i32>} : memref<4096xf32, #tpu.memory_space<vmem>>, vector<16xf32>,
        %parallel_loop3A_114 = arith.index_cast %parallel_loop3A_111 : i32 to index
        %parallel_loop3A_115 = tpu.vector_load %arg6[%parallel_loop3A_114] {strides = array<i32>} : memref<4096xf32, #tpu.memory_space<vmem>>, vector<16xf32>,
        tpu.vector_store %arg6[%parallel_loop3A_114], %broadcast_in_dim3A_6 {strides = array<i32>} : memref<4096xf32, #tpu.memory_space<vmem>>, vector<16xf32>,
        %parallel_loop3A_116 = arith.constant 2048 : i32
        %parallel_loop3A_117 = arith.addi %parallel_loop3A_116, %parallel_loop3A_67 : i32
        %parallel_loop3A_118 = arith.index_cast %parallel_loop3A_117 : i32 to index
        %parallel_loop3A_119 = tpu.vector_load %arg6[%parallel_loop3A_118] {strides = array<i32>} : memref<4096xf32, #tpu.memory_space<vmem>>, vector<16xf32>,
        %parallel_loop3A_120 = arith.index_cast %parallel_loop3A_117 : i32 to index
        %parallel_loop3A_121 = tpu.vector_load %arg6[%parallel_loop3A_120] {strides = array<i32>} : memref<4096xf32, #tpu.memory_space<vmem>>, vector<16xf32>,
        tpu.vector_store %arg6[%parallel_loop3A_120], %broadcast_in_dim3A_6 {strides = array<i32>} : memref<4096xf32, #tpu.memory_space<vmem>>, vector<16xf32>,
        %parallel_loop3A_122 = arith.constant 2304 : i32
        %parallel_loop3A_123 = arith.addi %parallel_loop3A_122, %parallel_loop3A_67 : i32
        %parallel_loop3A_124 = arith.index_cast %parallel_loop3A_123 : i32 to index
        %parallel_loop3A_125 = tpu.vector_load %arg6[%parallel_loop3A_124] {strides = array<i32>} : memref<4096xf32, #tpu.memory_space<vmem>>, vector<16xf32>,
        %parallel_loop3A_126 = arith.index_cast %parallel_loop3A_123 : i32 to index
        %parallel_loop3A_127 = tpu.vector_load %arg6[%parallel_loop3A_126] {strides = array<i32>} : memref<4096xf32, #tpu.memory_space<vmem>>, vector<16xf32>,
        tpu.vector_store %arg6[%parallel_loop3A_126], %broadcast_in_dim3A_6 {strides = array<i32>} : memref<4096xf32, #tpu.memory_space<vmem>>, vector<16xf32>,
        %parallel_loop3A_128 = arith.constant 2560 : i32
        %parallel_loop3A_129 = arith.addi %parallel_loop3A_128, %parallel_loop3A_67 : i32
        %parallel_loop3A_130 = arith.index_cast %parallel_loop3A_129 : i32 to index
        %parallel_loop3A_131 = tpu.vector_load %arg6[%parallel_loop3A_130] {strides = array<i32>} : memref<4096xf32, #tpu.memory_space<vmem>>, vector<16xf32>,
        %parallel_loop3A_132 = arith.index_cast %parallel_loop3A_129 : i32 to index
        %parallel_loop3A_133 = tpu.vector_load %arg6[%parallel_loop3A_132] {strides = array<i32>} : memref<4096xf32, #tpu.memory_space<vmem>>, vector<16xf32>,
        tpu.vector_store %arg6[%parallel_loop3A_132], %broadcast_in_dim3A_6 {strides = array<i32>} : memref<4096xf32, #tpu.memory_space<vmem>>, vector<16xf32>,
        %parallel_loop3A_134 = arith.constant 2816 : i32
        %parallel_loop3A_135 = arith.addi %parallel_loop3A_134, %parallel_loop3A_67 : i32
        %parallel_loop3A_136 = arith.index_cast %parallel_loop3A_135 : i32 to index
        %parallel_loop3A_137 = tpu.vector_load %arg6[%parallel_loop3A_136] {strides = array<i32>} : memref<4096xf32, #tpu.memory_space<vmem>>, vector<16xf32>,
        %parallel_loop3A_138 = arith.index_cast %parallel_loop3A_135 : i32 to index
        %parallel_loop3A_139 = tpu.vector_load %arg6[%parallel_loop3A_138] {strides = array<i32>} : memref<4096xf32, #tpu.memory_space<vmem>>, vector<16xf32>,
        tpu.vector_store %arg6[%parallel_loop3A_138], %broadcast_in_dim3A_6 {strides = array<i32>} : memref<4096xf32, #tpu.memory_space<vmem>>, vector<16xf32>,
        %parallel_loop3A_140 = arith.constant 3072 : i32
        %parallel_loop3A_141 = arith.addi %parallel_loop3A_140, %parallel_loop3A_67 : i32
        %parallel_loop3A_142 = arith.index_cast %parallel_loop3A_141 : i32 to index
        %parallel_loop3A_143 = tpu.vector_load %arg6[%parallel_loop3A_142] {strides = array<i32>} : memref<4096xf32, #tpu.memory_space<vmem>>, vector<16xf32>,
        %parallel_loop3A_144 = arith.index_cast %parallel_loop3A_141 : i32 to index
        %parallel_loop3A_145 = tpu.vector_load %arg6[%parallel_loop3A_144] {strides = array<i32>} : memref<4096xf32, #tpu.memory_space<vmem>>, vector<16xf32>,
        tpu.vector_store %arg6[%parallel_loop3A_144], %broadcast_in_dim3A_6 {strides = array<i32>} : memref<4096xf32, #tpu.memory_space<vmem>>, vector<16xf32>,
        %parallel_loop3A_146 = arith.constant 3328 : i32
        %parallel_loop3A_147 = arith.addi %parallel_loop3A_146, %parallel_loop3A_67 : i32
        %parallel_loop3A_148 = arith.index_cast %parallel_loop3A_147 : i32 to index
        %parallel_loop3A_149 = tpu.vector_load %arg6[%parallel_loop3A_148] {strides = array<i32>} : memref<4096xf32, #tpu.memory_space<vmem>>, vector<16xf32>,
        %parallel_loop3A_150 = arith.index_cast %parallel_loop3A_147 : i32 to index
        %parallel_loop3A_151 = tpu.vector_load %arg6[%parallel_loop3A_150] {strides = array<i32>} : memref<4096xf32, #tpu.memory_space<vmem>>, vector<16xf32>,
        tpu.vector_store %arg6[%parallel_loop3A_150], %broadcast_in_dim3A_6 {strides = array<i32>} : memref<4096xf32, #tpu.memory_space<vmem>>, vector<16xf32>,
        %parallel_loop3A_152 = arith.constant 3584 : i32
        %parallel_loop3A_153 = arith.addi %parallel_loop3A_152, %parallel_loop3A_67 : i32
        %parallel_loop3A_154 = arith.index_cast %parallel_loop3A_153 : i32 to index
        %parallel_loop3A_155 = tpu.vector_load %arg6[%parallel_loop3A_154] {strides = array<i32>} : memref<4096xf32, #tpu.memory_space<vmem>>, vector<16xf32>,
        %parallel_loop3A_156 = arith.index_cast %parallel_loop3A_153 : i32 to index
        %parallel_loop3A_157 = tpu.vector_load %arg6[%parallel_loop3A_156] {strides = array<i32>} : memref<4096xf32, #tpu.memory_space<vmem>>, vector<16xf32>,
        tpu.vector_store %arg6[%parallel_loop3A_156], %broadcast_in_dim3A_6 {strides = array<i32>} : memref<4096xf32, #tpu.memory_space<vmem>>, vector<16xf32>,
        %parallel_loop3A_158 = arith.constant 3840 : i32
        %parallel_loop3A_159 = arith.addi %parallel_loop3A_158, %parallel_loop3A_67 : i32
        %parallel_loop3A_160 = arith.index_cast %parallel_loop3A_159 : i32 to index
        %parallel_loop3A_161 = tpu.vector_load %arg6[%parallel_loop3A_160] {strides = array<i32>} : memref<4096xf32, #tpu.memory_space<vmem>>, vector<16xf32>,
        %parallel_loop3A_162 = arith.index_cast %parallel_loop3A_159 : i32 to index
        %parallel_loop3A_163 = tpu.vector_load %arg6[%parallel_loop3A_162] {strides = array<i32>} : memref<4096xf32, #tpu.memory_space<vmem>>, vector<16xf32>,
        tpu.vector_store %arg6[%parallel_loop3A_162], %broadcast_in_dim3A_6 {strides = array<i32>} : memref<4096xf32, #tpu.memory_space<vmem>>, vector<16xf32>,
        %parallel_loop3A_164 = arith.addf %parallel_loop3A_71, %parallel_loop3A_77 : vector<16xf32>
        %parallel_loop3A_165 = arith.addf %parallel_loop3A_83, %parallel_loop3A_89 : vector<16xf32>
        %parallel_loop3A_166 = arith.addf %parallel_loop3A_95, %parallel_loop3A_101 : vector<16xf32>
        %parallel_loop3A_167 = arith.addf %parallel_loop3A_107, %parallel_loop3A_113 : vector<16xf32>
        %parallel_loop3A_168 = arith.addf %parallel_loop3A_119, %parallel_loop3A_125 : vector<16xf32>
        %parallel_loop3A_169 = arith.addf %parallel_loop3A_131, %parallel_loop3A_137 : vector<16xf32>
        %parallel_loop3A_170 = arith.addf %parallel_loop3A_143, %parallel_loop3A_149 : vector<16xf32>
        %parallel_loop3A_171 = arith.addf %parallel_loop3A_155, %parallel_loop3A_161 : vector<16xf32>
        %parallel_loop3A_172 = arith.addf %parallel_loop3A_164, %parallel_loop3A_165 : vector<16xf32>
        %parallel_loop3A_173 = arith.addf %parallel_loop3A_166, %parallel_loop3A_167 : vector<16xf32>
        %parallel_loop3A_174 = arith.addf %parallel_loop3A_168, %parallel_loop3A_169 : vector<16xf32>
        %parallel_loop3A_175 = arith.addf %parallel_loop3A_170, %parallel_loop3A_171 : vector<16xf32>
        %parallel_loop3A_176 = arith.addf %parallel_loop3A_172, %parallel_loop3A_173 : vector<16xf32>
        %parallel_loop3A_177 = arith.addf %parallel_loop3A_174, %parallel_loop3A_175 : vector<16xf32>
        %parallel_loop3A_178 = arith.addf %parallel_loop3A_176, %parallel_loop3A_177 : vector<16xf32>
        %parallel_loop3A_179 = arith.constant 256 : i32
        %parallel_loop3A_180 = arith.muli %add3A_60, %parallel_loop3A_179 : i32
        %parallel_loop3A_181 = arith.addi %parallel_loop3A_180, %parallel_loop3A_67 : i32
        %parallel_loop3A_182 = arith.index_cast %parallel_loop3A_181 : i32 to index
        %parallel_loop3A_183 = tpu.vector_load %arg7[%parallel_loop3A_182] {strides = array<i32>} : memref<6144xf32, #tpu.memory_space<vmem>>, vector<16xf32>,
        tpu.vector_store %arg7[%parallel_loop3A_182], %parallel_loop3A_178 {strides = array<i32>} : memref<6144xf32, #tpu.memory_space<vmem>>, vector<16xf32>,
      } {sc.loop_unroll_factor = 2 : i64, sc.parallel_access}
    }
    %scan3A_20 = arith.constant 12 : i32
    "tpu.region"() ({
      %run_scoped3A = tpu.sem_alloc : memref<!tpu.dma_semaphore, #tpu.memory_space<semaphore_mem>>
      %dma_start3A_21 = arith.constant 0 : i32
      %dma_start3A_22 = tpu.memref_slice %arg3[%add3A, %dma_start3A_21] : memref<32x6144xf32, #tpu.memory_space<hbm>> -> memref<1x6144xf32, #tpu.memory_space<hbm>>
      %dma_start3A_23 = tpu.memref_squeeze %dma_start3A_22 : memref<1x6144xf32, #tpu.memory_space<hbm>> -> memref<6144xf32, #tpu.memory_space<hbm>>
      %dma_start3A_24 = arith.constant 0 : i32
      %dma_start3A_25 = tpu.memref_slice %arg3[%add3A, %dma_start3A_24] : memref<32x6144xf32, #tpu.memory_space<hbm>> -> memref<1x6144xf32, #tpu.memory_space<hbm>>
      %dma_start3A_26 = tpu.memref_squeeze %dma_start3A_25 : memref<1x6144xf32, #tpu.memory_space<hbm>> -> memref<6144xf32, #tpu.memory_space<hbm>>
      tpu.enqueue_dma source(%arg7 : memref<6144xf32, #tpu.memory_space<vmem>>) target(%dma_start3A_26 : memref<6144xf32, #tpu.memory_space<hbm>>) target_semaphore(%run_scoped3A : memref<!tpu.dma_semaphore, #tpu.memory_space<semaphore_mem>>)
      %dma_wait3A = arith.constant 0 : i32
      %dma_wait3A_27 = tpu.memref_slice %arg3[%add3A, %dma_wait3A] : memref<32x6144xf32, #tpu.memory_space<hbm>> -> memref<1x6144xf32, #tpu.memory_space<hbm>>
      %dma_wait3A_28 = tpu.memref_squeeze %dma_wait3A_27 : memref<1x6144xf32, #tpu.memory_space<hbm>> -> memref<6144xf32, #tpu.memory_space<hbm>>
      %dma_wait3A_29 = arith.constant 0 : i32
      %dma_wait3A_30 = tpu.memref_slice %arg3[%add3A, %dma_wait3A_29] : memref<32x6144xf32, #tpu.memory_space<hbm>> -> memref<1x6144xf32, #tpu.memory_space<hbm>>
      %dma_wait3A_31 = tpu.memref_squeeze %dma_wait3A_30 : memref<1x6144xf32, #tpu.memory_space<hbm>> -> memref<6144xf32, #tpu.memory_space<hbm>>
      tpu.wait_dma2 semaphore(%run_scoped3A : memref<!tpu.dma_semaphore, #tpu.memory_space<semaphore_mem>>) src(%arg7 : memref<6144xf32, #tpu.memory_space<vmem>>) dst(%dma_wait3A_31 : memref<6144xf32, #tpu.memory_space<hbm>>)
      tpu.yield
    }) : () -> ()
    return
  }
}

module attributes {stable_mosaic.version = 14 : i64} {
  func.func @body(%arg0: i32, %arg1: memref<32x2048xf32, #tpu.memory_space<vmem>>, %arg2: memref<8x512x512xf32, #tpu.memory_space<vmem>>) attributes {dimension_semantics = [#tpu.dimension_semantics<arbitrary>], iteration_bounds = array<i64: 3>, scalar_prefetch = 0 : i64, scratch_operands = 0 : i64, tpu.core_type = #tpu.core_type<tc>, window_params = [{transform_indices = @transform_0, window_bounds = array<i64: 32, 2048>}, {transform_indices = @transform_1, window_bounds = array<i64: 8, 512, 512>}]} {
    %iota3A = tpu.iota {dimensions = array<i32: 0>} : vector<512x256xi32>
    %convert_element_type3A = arith.sitofp %iota3A : vector<512x256xi32> to vector<512x256xf32>
    %iota3A_0 = tpu.iota {dimensions = array<i32: 1>} : vector<512x256xi32>
    %convert_element_type3A_1 = arith.sitofp %iota3A_0 : vector<512x256xi32> to vector<512x256xf32>
    %mul3A = arith.constant 5.000000e-01 : f32
    %mul3A_2 = vector.broadcast %mul3A : f32 to vector<512x256xf32>
    %mul3A_3 = arith.mulf %convert_element_type3A, %mul3A_2 : vector<512x256xf32>
    %add3A = arith.constant -2.500000e-01 : f32
    %add3A_4 = vector.broadcast %add3A : f32 to vector<512x256xf32>
    %add3A_5 = arith.addf %mul3A_3, %add3A_4 : vector<512x256xf32>
    %max3A = arith.constant 0.000000e+00 : f32
    %max3A_6 = vector.broadcast %max3A : f32 to vector<512x256xf32>
    %max3A_7 = arith.maximumf %add3A_5, %max3A_6 : vector<512x256xf32>
    %floor3A = math.floor %max3A_7 : vector<512x256xf32>
    %sub3A = arith.subf %max3A_7, %floor3A : vector<512x256xf32>
    %add3A_8 = arith.constant 1.000000e+00 : f32
    %add3A_9 = vector.broadcast %add3A_8 : f32 to vector<512x256xf32>
    %add3A_10 = arith.addf %floor3A, %add3A_9 : vector<512x256xf32>
    %min3A = arith.constant 2.550000e+02 : f32
    %min3A_11 = vector.broadcast %min3A : f32 to vector<512x256xf32>
    %min3A_12 = arith.minimumf %add3A_10, %min3A_11 : vector<512x256xf32>
    %eq3A = arith.cmpf oeq, %convert_element_type3A_1, %floor3A : vector<512x256xf32>
    %sub3A_13 = arith.constant 1.000000e+00 : f32
    %sub3A_14 = vector.broadcast %sub3A_13 : f32 to vector<512x256xf32>
    %sub3A_15 = arith.subf %sub3A_14, %sub3A : vector<512x256xf32>
    %jit3A = arith.constant 0.000000e+00 : f32
    %broadcast_in_dim3A = vector.broadcast %jit3A : f32 to vector<512x256xf32>
    %select_n3A = arith.select %eq3A, %sub3A_15, %broadcast_in_dim3A : vector<512x256xi1>, vector<512x256xf32>
    %eq3A_16 = arith.cmpf oeq, %convert_element_type3A_1, %min3A_12 : vector<512x256xf32>
    %jit3A_17 = arith.constant 0.000000e+00 : f32
    %broadcast_in_dim3A_18 = vector.broadcast %jit3A_17 : f32 to vector<512x256xf32>
    %select_n3A_19 = arith.select %eq3A_16, %sub3A, %broadcast_in_dim3A_18 : vector<512x256xi1>, vector<512x256xf32>
    %add3A_20 = arith.addf %select_n3A, %select_n3A_19 : vector<512x256xf32>
    %get3A = arith.constant 0 : index
    %get3A_21 = arith.constant 0 : index
    %get3A_22 = vector.load %arg1[%get3A, %get3A_21] : memref<32x2048xf32, #tpu.memory_space<vmem>>, vector<32x256xf32>
    %reduce_sum3A = arith.constant dense<0.000000e+00> : vector<256xf32>
    %reduce_sum3A_23 = vector.multi_reduction <add>, %get3A_22, %reduce_sum3A [0] : vector<32x256xf32> to vector<256xf32>
    %broadcast_in_dim3A_24 = vector.shape_cast %reduce_sum3A_23 : vector<256xf32> to vector<1x256xf32>
    %mul3A_25 = vector.broadcast %broadcast_in_dim3A_24 : vector<1x256xf32> to vector<512x256xf32>
    %mul3A_26 = arith.mulf %add3A_20, %mul3A_25 : vector<512x256xf32>
    %reduce_sum3A_27 = arith.constant dense<0.000000e+00> : vector<512xf32>
    %reduce_sum3A_28 = vector.multi_reduction <add>, %mul3A_26, %reduce_sum3A_27 [1] : vector<512x256xf32> to vector<512xf32>
    %broadcast_in_dim3A_29 = vector.shape_cast %reduce_sum3A_28 : vector<512xf32> to vector<512x1xf32>
    %broadcast_in_dim3A_30 = vector.shape_cast %broadcast_in_dim3A_29 : vector<512x1xf32> to vector<512x1xf32>
    %broadcast_in_dim3A_31 = vector.broadcast %broadcast_in_dim3A_30 : vector<512x1xf32> to vector<512x512xf32>
    %swap3A = arith.constant 0 : index
    %swap3A_32 = arith.constant 0 : index
    %swap3A_33 = arith.constant 0 : index
    %swap3A_34 = vector.load %arg2[%swap3A, %swap3A_32, %swap3A_33] : memref<8x512x512xf32, #tpu.memory_space<vmem>>, vector<1x512x512xf32>
    %swap3A_35 = vector.shape_cast %swap3A_34 : vector<1x512x512xf32> to vector<512x512xf32>
    %swap3A_36 = vector.shape_cast %broadcast_in_dim3A_31 : vector<512x512xf32> to vector<1x512x512xf32>
    tpu.vector_store %arg2[%swap3A, %swap3A_32, %swap3A_33], %swap3A_36 {strides = array<i32>} : memref<8x512x512xf32, #tpu.memory_space<vmem>>, vector<1x512x512xf32>,
    %get3A_37 = arith.constant 0 : index
    %get3A_38 = arith.constant 256 : index
    %get3A_39 = vector.load %arg1[%get3A_37, %get3A_38] : memref<32x2048xf32, #tpu.memory_space<vmem>>, vector<32x256xf32>
    %reduce_sum3A_40 = arith.constant dense<0.000000e+00> : vector<256xf32>
    %reduce_sum3A_41 = vector.multi_reduction <add>, %get3A_39, %reduce_sum3A_40 [0] : vector<32x256xf32> to vector<256xf32>
    %broadcast_in_dim3A_42 = vector.shape_cast %reduce_sum3A_41 : vector<256xf32> to vector<1x256xf32>
    %mul3A_43 = vector.broadcast %broadcast_in_dim3A_42 : vector<1x256xf32> to vector<512x256xf32>
    %mul3A_44 = arith.mulf %add3A_20, %mul3A_43 : vector<512x256xf32>
    %reduce_sum3A_45 = arith.constant dense<0.000000e+00> : vector<512xf32>
    %reduce_sum3A_46 = vector.multi_reduction <add>, %mul3A_44, %reduce_sum3A_45 [1] : vector<512x256xf32> to vector<512xf32>
    %broadcast_in_dim3A_47 = vector.shape_cast %reduce_sum3A_46 : vector<512xf32> to vector<512x1xf32>
    %broadcast_in_dim3A_48 = vector.shape_cast %broadcast_in_dim3A_47 : vector<512x1xf32> to vector<512x1xf32>
    %broadcast_in_dim3A_49 = vector.broadcast %broadcast_in_dim3A_48 : vector<512x1xf32> to vector<512x512xf32>
    %swap3A_50 = arith.constant 1 : index
    %swap3A_51 = arith.constant 0 : index
    %swap3A_52 = arith.constant 0 : index
    %swap3A_53 = vector.load %arg2[%swap3A_50, %swap3A_51, %swap3A_52] : memref<8x512x512xf32, #tpu.memory_space<vmem>>, vector<1x512x512xf32>
    %swap3A_54 = vector.shape_cast %swap3A_53 : vector<1x512x512xf32> to vector<512x512xf32>
    %swap3A_55 = vector.shape_cast %broadcast_in_dim3A_49 : vector<512x512xf32> to vector<1x512x512xf32>
    tpu.vector_store %arg2[%swap3A_50, %swap3A_51, %swap3A_52], %swap3A_55 {strides = array<i32>} : memref<8x512x512xf32, #tpu.memory_space<vmem>>, vector<1x512x512xf32>,
    %get3A_56 = arith.constant 0 : index
    %get3A_57 = arith.constant 512 : index
    %get3A_58 = vector.load %arg1[%get3A_56, %get3A_57] : memref<32x2048xf32, #tpu.memory_space<vmem>>, vector<32x256xf32>
    %reduce_sum3A_59 = arith.constant dense<0.000000e+00> : vector<256xf32>
    %reduce_sum3A_60 = vector.multi_reduction <add>, %get3A_58, %reduce_sum3A_59 [0] : vector<32x256xf32> to vector<256xf32>
    %broadcast_in_dim3A_61 = vector.shape_cast %reduce_sum3A_60 : vector<256xf32> to vector<1x256xf32>
    %mul3A_62 = vector.broadcast %broadcast_in_dim3A_61 : vector<1x256xf32> to vector<512x256xf32>
    %mul3A_63 = arith.mulf %add3A_20, %mul3A_62 : vector<512x256xf32>
    %reduce_sum3A_64 = arith.constant dense<0.000000e+00> : vector<512xf32>
    %reduce_sum3A_65 = vector.multi_reduction <add>, %mul3A_63, %reduce_sum3A_64 [1] : vector<512x256xf32> to vector<512xf32>
    %broadcast_in_dim3A_66 = vector.shape_cast %reduce_sum3A_65 : vector<512xf32> to vector<512x1xf32>
    %broadcast_in_dim3A_67 = vector.shape_cast %broadcast_in_dim3A_66 : vector<512x1xf32> to vector<512x1xf32>
    %broadcast_in_dim3A_68 = vector.broadcast %broadcast_in_dim3A_67 : vector<512x1xf32> to vector<512x512xf32>
    %swap3A_69 = arith.constant 2 : index
    %swap3A_70 = arith.constant 0 : index
    %swap3A_71 = arith.constant 0 : index
    %swap3A_72 = vector.load %arg2[%swap3A_69, %swap3A_70, %swap3A_71] : memref<8x512x512xf32, #tpu.memory_space<vmem>>, vector<1x512x512xf32>
    %swap3A_73 = vector.shape_cast %swap3A_72 : vector<1x512x512xf32> to vector<512x512xf32>
    %swap3A_74 = vector.shape_cast %broadcast_in_dim3A_68 : vector<512x512xf32> to vector<1x512x512xf32>
    tpu.vector_store %arg2[%swap3A_69, %swap3A_70, %swap3A_71], %swap3A_74 {strides = array<i32>} : memref<8x512x512xf32, #tpu.memory_space<vmem>>, vector<1x512x512xf32>,
    %get3A_75 = arith.constant 0 : index
    %get3A_76 = arith.constant 768 : index
    %get3A_77 = vector.load %arg1[%get3A_75, %get3A_76] : memref<32x2048xf32, #tpu.memory_space<vmem>>, vector<32x256xf32>
    %reduce_sum3A_78 = arith.constant dense<0.000000e+00> : vector<256xf32>
    %reduce_sum3A_79 = vector.multi_reduction <add>, %get3A_77, %reduce_sum3A_78 [0] : vector<32x256xf32> to vector<256xf32>
    %broadcast_in_dim3A_80 = vector.shape_cast %reduce_sum3A_79 : vector<256xf32> to vector<1x256xf32>
    %mul3A_81 = vector.broadcast %broadcast_in_dim3A_80 : vector<1x256xf32> to vector<512x256xf32>
    %mul3A_82 = arith.mulf %add3A_20, %mul3A_81 : vector<512x256xf32>
    %reduce_sum3A_83 = arith.constant dense<0.000000e+00> : vector<512xf32>
    %reduce_sum3A_84 = vector.multi_reduction <add>, %mul3A_82, %reduce_sum3A_83 [1] : vector<512x256xf32> to vector<512xf32>
    %broadcast_in_dim3A_85 = vector.shape_cast %reduce_sum3A_84 : vector<512xf32> to vector<512x1xf32>
    %broadcast_in_dim3A_86 = vector.shape_cast %broadcast_in_dim3A_85 : vector<512x1xf32> to vector<512x1xf32>
    %broadcast_in_dim3A_87 = vector.broadcast %broadcast_in_dim3A_86 : vector<512x1xf32> to vector<512x512xf32>
    %swap3A_88 = arith.constant 3 : index
    %swap3A_89 = arith.constant 0 : index
    %swap3A_90 = arith.constant 0 : index
    %swap3A_91 = vector.load %arg2[%swap3A_88, %swap3A_89, %swap3A_90] : memref<8x512x512xf32, #tpu.memory_space<vmem>>, vector<1x512x512xf32>
    %swap3A_92 = vector.shape_cast %swap3A_91 : vector<1x512x512xf32> to vector<512x512xf32>
    %swap3A_93 = vector.shape_cast %broadcast_in_dim3A_87 : vector<512x512xf32> to vector<1x512x512xf32>
    tpu.vector_store %arg2[%swap3A_88, %swap3A_89, %swap3A_90], %swap3A_93 {strides = array<i32>} : memref<8x512x512xf32, #tpu.memory_space<vmem>>, vector<1x512x512xf32>,
    %get3A_94 = arith.constant 0 : index
    %get3A_95 = arith.constant 1024 : index
    %get3A_96 = vector.load %arg1[%get3A_94, %get3A_95] : memref<32x2048xf32, #tpu.memory_space<vmem>>, vector<32x256xf32>
    %reduce_sum3A_97 = arith.constant dense<0.000000e+00> : vector<256xf32>
    %reduce_sum3A_98 = vector.multi_reduction <add>, %get3A_96, %reduce_sum3A_97 [0] : vector<32x256xf32> to vector<256xf32>
    %broadcast_in_dim3A_99 = vector.shape_cast %reduce_sum3A_98 : vector<256xf32> to vector<1x256xf32>
    %mul3A_100 = vector.broadcast %broadcast_in_dim3A_99 : vector<1x256xf32> to vector<512x256xf32>
    %mul3A_101 = arith.mulf %add3A_20, %mul3A_100 : vector<512x256xf32>
    %reduce_sum3A_102 = arith.constant dense<0.000000e+00> : vector<512xf32>
    %reduce_sum3A_103 = vector.multi_reduction <add>, %mul3A_101, %reduce_sum3A_102 [1] : vector<512x256xf32> to vector<512xf32>
    %broadcast_in_dim3A_104 = vector.shape_cast %reduce_sum3A_103 : vector<512xf32> to vector<512x1xf32>
    %broadcast_in_dim3A_105 = vector.shape_cast %broadcast_in_dim3A_104 : vector<512x1xf32> to vector<512x1xf32>
    %broadcast_in_dim3A_106 = vector.broadcast %broadcast_in_dim3A_105 : vector<512x1xf32> to vector<512x512xf32>
    %swap3A_107 = arith.constant 4 : index
    %swap3A_108 = arith.constant 0 : index
    %swap3A_109 = arith.constant 0 : index
    %swap3A_110 = vector.load %arg2[%swap3A_107, %swap3A_108, %swap3A_109] : memref<8x512x512xf32, #tpu.memory_space<vmem>>, vector<1x512x512xf32>
    %swap3A_111 = vector.shape_cast %swap3A_110 : vector<1x512x512xf32> to vector<512x512xf32>
    %swap3A_112 = vector.shape_cast %broadcast_in_dim3A_106 : vector<512x512xf32> to vector<1x512x512xf32>
    tpu.vector_store %arg2[%swap3A_107, %swap3A_108, %swap3A_109], %swap3A_112 {strides = array<i32>} : memref<8x512x512xf32, #tpu.memory_space<vmem>>, vector<1x512x512xf32>,
    %get3A_113 = arith.constant 0 : index
    %get3A_114 = arith.constant 1280 : index
    %get3A_115 = vector.load %arg1[%get3A_113, %get3A_114] : memref<32x2048xf32, #tpu.memory_space<vmem>>, vector<32x256xf32>
    %reduce_sum3A_116 = arith.constant dense<0.000000e+00> : vector<256xf32>
    %reduce_sum3A_117 = vector.multi_reduction <add>, %get3A_115, %reduce_sum3A_116 [0] : vector<32x256xf32> to vector<256xf32>
    %broadcast_in_dim3A_118 = vector.shape_cast %reduce_sum3A_117 : vector<256xf32> to vector<1x256xf32>
    %mul3A_119 = vector.broadcast %broadcast_in_dim3A_118 : vector<1x256xf32> to vector<512x256xf32>
    %mul3A_120 = arith.mulf %add3A_20, %mul3A_119 : vector<512x256xf32>
    %reduce_sum3A_121 = arith.constant dense<0.000000e+00> : vector<512xf32>
    %reduce_sum3A_122 = vector.multi_reduction <add>, %mul3A_120, %reduce_sum3A_121 [1] : vector<512x256xf32> to vector<512xf32>
    %broadcast_in_dim3A_123 = vector.shape_cast %reduce_sum3A_122 : vector<512xf32> to vector<512x1xf32>
    %broadcast_in_dim3A_124 = vector.shape_cast %broadcast_in_dim3A_123 : vector<512x1xf32> to vector<512x1xf32>
    %broadcast_in_dim3A_125 = vector.broadcast %broadcast_in_dim3A_124 : vector<512x1xf32> to vector<512x512xf32>
    %swap3A_126 = arith.constant 5 : index
    %swap3A_127 = arith.constant 0 : index
    %swap3A_128 = arith.constant 0 : index
    %swap3A_129 = vector.load %arg2[%swap3A_126, %swap3A_127, %swap3A_128] : memref<8x512x512xf32, #tpu.memory_space<vmem>>, vector<1x512x512xf32>
    %swap3A_130 = vector.shape_cast %swap3A_129 : vector<1x512x512xf32> to vector<512x512xf32>
    %swap3A_131 = vector.shape_cast %broadcast_in_dim3A_125 : vector<512x512xf32> to vector<1x512x512xf32>
    tpu.vector_store %arg2[%swap3A_126, %swap3A_127, %swap3A_128], %swap3A_131 {strides = array<i32>} : memref<8x512x512xf32, #tpu.memory_space<vmem>>, vector<1x512x512xf32>,
    %get3A_132 = arith.constant 0 : index
    %get3A_133 = arith.constant 1536 : index
    %get3A_134 = vector.load %arg1[%get3A_132, %get3A_133] : memref<32x2048xf32, #tpu.memory_space<vmem>>, vector<32x256xf32>
    %reduce_sum3A_135 = arith.constant dense<0.000000e+00> : vector<256xf32>
    %reduce_sum3A_136 = vector.multi_reduction <add>, %get3A_134, %reduce_sum3A_135 [0] : vector<32x256xf32> to vector<256xf32>
    %broadcast_in_dim3A_137 = vector.shape_cast %reduce_sum3A_136 : vector<256xf32> to vector<1x256xf32>
    %mul3A_138 = vector.broadcast %broadcast_in_dim3A_137 : vector<1x256xf32> to vector<512x256xf32>
    %mul3A_139 = arith.mulf %add3A_20, %mul3A_138 : vector<512x256xf32>
    %reduce_sum3A_140 = arith.constant dense<0.000000e+00> : vector<512xf32>
    %reduce_sum3A_141 = vector.multi_reduction <add>, %mul3A_139, %reduce_sum3A_140 [1] : vector<512x256xf32> to vector<512xf32>
    %broadcast_in_dim3A_142 = vector.shape_cast %reduce_sum3A_141 : vector<512xf32> to vector<512x1xf32>
    %broadcast_in_dim3A_143 = vector.shape_cast %broadcast_in_dim3A_142 : vector<512x1xf32> to vector<512x1xf32>
    %broadcast_in_dim3A_144 = vector.broadcast %broadcast_in_dim3A_143 : vector<512x1xf32> to vector<512x512xf32>
    %swap3A_145 = arith.constant 6 : index
    %swap3A_146 = arith.constant 0 : index
    %swap3A_147 = arith.constant 0 : index
    %swap3A_148 = vector.load %arg2[%swap3A_145, %swap3A_146, %swap3A_147] : memref<8x512x512xf32, #tpu.memory_space<vmem>>, vector<1x512x512xf32>
    %swap3A_149 = vector.shape_cast %swap3A_148 : vector<1x512x512xf32> to vector<512x512xf32>
    %swap3A_150 = vector.shape_cast %broadcast_in_dim3A_144 : vector<512x512xf32> to vector<1x512x512xf32>
    tpu.vector_store %arg2[%swap3A_145, %swap3A_146, %swap3A_147], %swap3A_150 {strides = array<i32>} : memref<8x512x512xf32, #tpu.memory_space<vmem>>, vector<1x512x512xf32>,
    %get3A_151 = arith.constant 0 : index
    %get3A_152 = arith.constant 1792 : index
    %get3A_153 = vector.load %arg1[%get3A_151, %get3A_152] : memref<32x2048xf32, #tpu.memory_space<vmem>>, vector<32x256xf32>
    %reduce_sum3A_154 = arith.constant dense<0.000000e+00> : vector<256xf32>
    %reduce_sum3A_155 = vector.multi_reduction <add>, %get3A_153, %reduce_sum3A_154 [0] : vector<32x256xf32> to vector<256xf32>
    %broadcast_in_dim3A_156 = vector.shape_cast %reduce_sum3A_155 : vector<256xf32> to vector<1x256xf32>
    %mul3A_157 = vector.broadcast %broadcast_in_dim3A_156 : vector<1x256xf32> to vector<512x256xf32>
    %mul3A_158 = arith.mulf %add3A_20, %mul3A_157 : vector<512x256xf32>
    %reduce_sum3A_159 = arith.constant dense<0.000000e+00> : vector<512xf32>
    %reduce_sum3A_160 = vector.multi_reduction <add>, %mul3A_158, %reduce_sum3A_159 [1] : vector<512x256xf32> to vector<512xf32>
    %broadcast_in_dim3A_161 = vector.shape_cast %reduce_sum3A_160 : vector<512xf32> to vector<512x1xf32>
    %broadcast_in_dim3A_162 = vector.shape_cast %broadcast_in_dim3A_161 : vector<512x1xf32> to vector<512x1xf32>
    %broadcast_in_dim3A_163 = vector.broadcast %broadcast_in_dim3A_162 : vector<512x1xf32> to vector<512x512xf32>
    %swap3A_164 = arith.constant 7 : index
    %swap3A_165 = arith.constant 0 : index
    %swap3A_166 = arith.constant 0 : index
    %swap3A_167 = vector.load %arg2[%swap3A_164, %swap3A_165, %swap3A_166] : memref<8x512x512xf32, #tpu.memory_space<vmem>>, vector<1x512x512xf32>
    %swap3A_168 = vector.shape_cast %swap3A_167 : vector<1x512x512xf32> to vector<512x512xf32>
    %swap3A_169 = vector.shape_cast %broadcast_in_dim3A_163 : vector<512x512xf32> to vector<1x512x512xf32>
    tpu.vector_store %arg2[%swap3A_164, %swap3A_165, %swap3A_166], %swap3A_169 {strides = array<i32>} : memref<8x512x512xf32, #tpu.memory_space<vmem>>, vector<1x512x512xf32>,
    return
  }
  func.func @transform_0(%arg0: i32) -> (i32, i32) {
    %c0_i32 = arith.constant 0 : i32
    %c0_i32_0 = arith.constant 0 : i32
    return %c0_i32, %arg0 : i32, i32
  }
  func.func @transform_1(%arg0: i32) -> (i32, i32, i32) {
    %c0_i32 = arith.constant 0 : i32
    %c0_i32_0 = arith.constant 0 : i32
    %c0_i32_1 = arith.constant 0 : i32
    return %arg0, %c0_i32, %c0_i32_0 : i32, i32, i32
  }
}

</mosaic_0001>

<sc_bundles>
// kernel: kernel.4.cloned.1.call-start
scs
__scs_entry_jumppad:
0x0: {  	(pc) =	sbr.rel $0x88, $3  }
0x1: {  	(tag) =	ssettag $0x0;
	lr =	simm.s32 $0x1  }
0x2: {  	[smem:$0x3FA0] =	sst lr;
	_ =	strace $0xD0000000  }
0x3: {  	_ = 	snop  }
0x4: {  	_ = 	snop  }
0x5: {  	_ = 	snop  }
0x6: {  	_ = 	snop  }
0x7: {  	_ = 	snop  }
__scs_overlays_trampoline_lowered:
0x8: {  	[smem:$0x3FAF] =	sst s0  }
0x9: {  	[smem:$0x3FB0] =	sst s1  }
0xa: {  	[smem:$0x3FB1] =	sst s2  }
0xb: {  	[smem:$0x3FB2] =	sst s3  }
0xc: {  	[smem:$0x3FB3] =	sst s4  }
0xd: {  	[smem:$0x3FB4] =	sst s5  }
0xe: {  	[smem:$0x3FB5] =	sst s6  }
0xf: {  	[smem:$0x3FB6] =	sst s7  }
0x10: {  	[smem:$0x3FB7] =	sst s8  }
0x11: {  	[smem:$0x3FB8] =	sst s9;
	s0 =	simm.s32 @!p0 $0x0  }
0x12: {  	s1 =	sld [smem:$0x3F9E];
	s0 =	simm.s32 @p0 $0x1  }
0x13: {  	[smem:$0x3FB9] =	sst s0;
	s0 =	simm.s32 @!p1 $0x0  }
0x14: {  	s2 =	sld [smem:$0x3F9D];
	s0 =	simm.s32 @p1 $0x1  }
0x15: {  	[smem:$0x3FBA] =	sst s0;
	s0 =	simm.s32 @!p2 $0x0  }
0x16: {  	s3 =	sld [smem:$0x3FDB];
	s0 =	simm.s32 @p2 $0x1  }
0x17: {  	s4 =	simm.s32 $0x1BF5;
	[smem:$0x3FBC] =	sst s0  }
0x18: {  	s0 =	sld [smem:$0x3F9F];
	_ =	swait.ge [sflag:s4], $0x0  }
0x19: {  	s7 =	sld [smem:$0x3FA0]  }
0x1a: {  	s8 =	sadd.s32 $0xFFFFE003, lr  }
0x1b: {  	s9 =	sadd.s32 $0xFFFFFEF7, lr;
	s5 =	simm.s32 $0xFFFFFFFF;
	p2 =	slt.u32 s8, $0xFFFFF086  }
0x1c: {  	p1 =	slt.u32 s9, $0xF7A;
	s5 =	simm.s32 @!p2 $0x0  }
0x1d: {  	s5 =	simm.s32 @p1 $0x1;
	p0 =	seq.s32 s7, s2  }
0x1e: {  	s7 =	smul.u32 @!p0 $0xF7A, s2;
	p2 =	seq.s32 @!p0 s5, $0x0  }
0x1f: {  	s9 =	smul.u32 $0xF7A, s1;
	s8 =	simm.s32 @!p0 $0x1BF5;
	p2 =	por !p2, p0  }
0x20: {  	[sflag:s8] =	ssyncset.s32 @!p0 $0xFFFFF086;
	s6 =	sadd.s32 @!p0 s3, s7;
	s7 =	simm.s32 @!p0 $0x108  }
0x21: {  	s3 =	sadd.s32 s3, s9;
	s6 =	sadd.s32 @!p0 $0x88, s6;
	s7 =	simm.s32 @p2 $0x1082  }
0x22: {  	[simem:s7], [sflag:s8] =	dma.local @!p0 [hbm:s6], $0xF7A  }
0x23: {  	s9 =	sor.u32 $0xD0000000, s2;
	s6 =	simm.s32 $0x108;
	_ =	swait.ge @!p0 [sflag:s8], $0x0  }
0x24: {  	s3 =	sadd.s32 $0x88, s3;
	s6 =	simm.s32 @!p1 $0x1082;
	[sflag:s4] =	ssyncset.s32 $0xFFFFF086  }
0x25: {  	[simem:s6], [sflag:s4] =	dma.local [hbm:s3], $0xF7A  }
0x26: {  	[smem:$0x3FA0] =	sst s1;
	(tag) =	ssettag s2;
	_ =	strace s9  }
0x27: {  	s1 =	sld [smem:$0x3FB0]  }
0x28: {  	s2 =	sld [smem:$0x3FB1]  }
0x29: {  	s4 =	sld [smem:$0x3FB3]  }
0x2a: {  	p0 =	seq.s32 s5, $0x0;
	s5 =	sld [smem:$0x3FB4]  }
0x2b: {  	s6 =	sld [smem:$0x3FB5]  }
0x2c: {  	s7 =	sld [smem:$0x3FB6]  }
0x2d: {  	s3 =	simm.s32 $0x108;
	s8 =	sld [smem:$0x3FB7]  }
0x2e: {  	s3 =	simm.s32 @!p0 $0x1082;
	s9 =	sld [smem:$0x3FB8]  }
0x2f: {  	lr =	sadd.s32 s0, s3;
	s0 =	sld [smem:$0x3FAF]  }
0x30: {  	s3 =	sld [smem:$0x3FB2]  }
0x31: {  	[smem:$0x3FBB] =	sst s10  }
0x32: {  	s10 =	sld [smem:$0x3FB9];
	_ =	sdelay $0x3  }
0x33: {  	p0 =	seq.s32 s10, $0x1;
	s10 =	sld [smem:$0x3FBB];
	_ =	sdelay $0x3  }
0x34: {  	[smem:$0x3FBB] =	sst s10  }
0x35: {  	s10 =	sld [smem:$0x3FBA];
	_ =	sdelay $0x3  }
0x36: {  	p1 =	seq.s32 s10, $0x1;
	s10 =	sld [smem:$0x3FBB];
	_ =	sdelay $0x3  }
0x37: {  	[smem:$0x3FBB] =	sst s10  }
0x38: {  	s10 =	sld [smem:$0x3FBC]  }
0x39: {  	_ = 	snop;
	(pc) =	sbr.ind lr, $3  }
0x3a: {  	_ = 	snop  }
0x3b: {  	_ = 	snop  }
0x3c: {  	p2 =	seq.s32 s10, $0x1;
	s10 =	sld [smem:$0x3FBB]  }
0x3d: {  	_ =	shalt  }
0x3e: {  	_ =	shalt  }
0x3f: {  	_ =	shalt  }
0x40: {  	_ =	shalt  }
0x41: {  	_ =	shalt  }
0x42: {  	_ =	shalt  }
0x43: {  	_ =	shalt  }
0x44: {  	_ =	shalt  }
0x45: {  	_ =	shalt  }
0x46: {  	_ =	shalt  }
0x47: {  	_ =	shalt  }
0x48: {  	_ =	shalt  }
0x49: {  	_ =	shalt  }
0x4a: {  	_ =	shalt  }
0x4b: {  	_ =	shalt  }
0x4c: {  	_ =	shalt  }
0x4d: {  	_ =	shalt  }
0x4e: {  	_ =	shalt  }
0x4f: {  	_ =	shalt  }
0x50: {  	_ =	shalt  }
0x51: {  	_ =	shalt  }
0x52: {  	_ =	shalt  }
0x53: {  	_ =	shalt  }
0x54: {  	_ =	shalt  }
0x55: {  	_ =	shalt  }
0x56: {  	_ =	shalt  }
0x57: {  	_ =	shalt  }
0x58: {  	_ =	shalt  }
0x59: {  	_ =	shalt  }
0x5a: {  	_ =	shalt  }
0x5b: {  	_ =	shalt  }
0x5c: {  	_ =	shalt  }
0x5d: {  	_ =	shalt  }
0x5e: {  	_ =	shalt  }
0x5f: {  	_ =	shalt  }
0x60: {  	_ =	shalt  }
0x61: {  	_ =	shalt  }
0x62: {  	_ =	shalt  }
0x63: {  	_ =	shalt  }
0x64: {  	_ =	shalt  }
0x65: {  	_ =	shalt  }
0x66: {  	_ =	shalt  }
0x67: {  	_ =	shalt  }
0x68: {  	_ =	shalt  }
0x69: {  	_ =	shalt  }
0x6a: {  	_ =	shalt  }
0x6b: {  	_ =	shalt  }
0x6c: {  	_ =	shalt  }
0x6d: {  	_ =	shalt  }
0x6e: {  	_ =	shalt  }
0x6f: {  	_ =	shalt  }
0x70: {  	_ =	shalt  }
0x71: {  	_ =	shalt  }
0x72: {  	_ =	shalt  }
0x73: {  	_ =	shalt  }
0x74: {  	_ =	shalt  }
0x75: {  	_ =	shalt  }
0x76: {  	_ =	shalt  }
0x77: {  	_ =	shalt  }
0x78: {  	_ =	shalt  }
0x79: {  	_ =	shalt  }
0x7a: {  	_ =	shalt  }
0x7b: {  	_ =	shalt  }
0x7c: {  	_ =	shalt  }
0x7d: {  	_ =	shalt  }
0x7e: {  	_ =	shalt  }
0x7f: {  	_ =	shalt  }
0x80: {  	_ =	shalt  }
0x81: {  	_ =	shalt  }
0x82: {  	_ =	shalt  }
0x83: {  	_ =	shalt  }
0x84: {  	_ =	shalt  }
0x85: {  	_ =	shalt  }
0x86: {  	_ =	shalt  }
0x87: {  	_ =	shalt  }
.Lfunc_end0:
.L_simem_size_0:
called_computation_lowered:
.L_overlay_start_0:
0x88: {  	s2 =	sld [smem:$0x3FD9]  }
0x89: {  	s3 =	sld [smem:$0x3FFE];
	_ =	sdelay $0x1  }
0x8a: {  	s1 =	srdreg.scid  }
0x8b: {  	s0 =	sand.u32 $0x1, s1  }
0x8c: {  	s18 =	sshll.u32 s0, $0xA;
	s2 =	sadd.s32 s3, s2  }
0x8d: {  	s2 =	sadd.s32 s2, s18  }
0x8e: {  	[smem:$0x3FC7] =	sst s2  }
0x8f: {  	_ = 	snop  }
0x90: {  	s2 =	sld [smem:$0x3FC9]  }
0x91: {  	s19 =	sld [smem:$0x3FD0];
	(tm) =	ssettm $0x1  }
0x92: {  	s4 =	sld [smem:$0x3FFB];
	_ =	sdelay $0x3  }
0x93: {  	_ =	strace s4  }
0x94: {  	s4 =	sld [smem:$0x3FFC];
	_ =	sdelay $0x3  }
0x95: {  	_ =	strace s4  }
0x96: {  	s4 =	sld [smem:$0x3FFD];
	_ =	sdelay $0x3  }
0x97: {  	_ =	strace s4  }
0x98: {  	_ =	strace $0x8FFFFFFF  }
0x99: {  	s20 =	sld [smem:$0x3FDB];
	_ =	sdelay $0x1  }
0x9a: {  	s5 =	simm.s32 $_scs_section_size  }
0x9b: {  	s6 =	simm.s32 $_size__tile_overlayer_lowered;
	s7 =	simm.s32 $_tile_overlayer_lowered  }
0x9c: {  	s23 =	simm.s32 $0x1BFF;
	s22 =	sshll.u32 s7, $0x1;
	s4 =	sadd.s32 s5, s20  }
0x9d: {  	s8 =	simm.s32 $0x0;
	s21 =	sshll.u32 s6, $0x1;
	s6 =	sadd.s32 s22, s4  }
0x9e: {  	[timem:s8], [sflag:s23] =	dma.local [hbm:s6], s21  }
0x9f: {  	_ =	swait.ge [sflag:s23], s21  }
0xa0: {  	s5 =	ssub.s32 $0x0, s21;
	[sflag:s23] =	ssyncset.done $0x0  }
0xa1: {  	[sflag:s23] =	ssyncadd.s32 s5;
	_ =	sdelay $0x1  }
0xa2: {  	s24 =	simm.s32 $0x1B8B  }
0xa3: {  	_ =	swait.ge [sflag:s24], $0x1  }
0xa4: {  	[sflag:s24] =	ssyncset.done $0x0  }
0xa5: {  	s25 =	simm.s32 $0x1B8E;
	[sflag:s24] =	ssyncadd.s32 $0xFFFFFFFF  }
0xa6: {  	s26 =	simm.s32 $execute0_lowered;
	[smem:$0x3FD2] =	sst s25  }
0xa7: {  	s5 =	sshll.u32 s26, $0x1;
	_ =	strace $0x80000046;
	[dreg:$0x1] =	wrdreg $0xFFFFFFFF  }
0xa8: {  	s28 =	simm.s32 $_size_execute0_lowered;
	s4 =	sadd.s32 s4, s5;
	[dreg:$0x0] =	wrdreg $0x0  }
0xa9: {  	s5 =	sshll.u32 s28, $0x1;
	[dreg:$0x2] =	wrdreg s4  }
0xaa: {  	[dreg:$0x3] =	wrdreg s5  }
0xab: {  	[dreg:$0x4] =	wrdreg $0xC0  }
0xac: {  	_ =	task [dreg:s8], $0x5FFFF  }
0xad: {  	[dreg:$0x1] =	wrdreg $0xFFFFFFFF  }
0xae: {  	[dreg:$0x0] =	wrdreg $0x60  }
0xaf: {  	[dreg:$0x2] =	wrdreg s2  }
0xb0: {  	[dreg:$0x3] =	wrdreg s19  }
0xb1: {  	[dreg:$0x4] =	wrdreg $0x9  }
0xb2: {  	_ =	task.clear_ibuf [dreg:s8], $0x5FFFF;
	_ =	strace $0x90000046  }
0xb3: {  	s29 =	simm.s32 $0x9;
	_ =	strace $0x80000048  }
0xb4: {  	_ =	swait.ge [sflag:s29], $0x1  }
0xb5: {  	[sflag:s29] =	ssyncadd.s32 $0xFFFFFFFF  }
0xb6: {  	_ =	strace $0x90000048  }
0xb7: {  	_ =	sfence  }
0xb8: {  	s30 =	sld [smem:$0x0];
	_ =	sdelay $0x2  }
0xb9: {  	s31 =	sshll.u32 s1, $0xD;
	s1 =	sshrl.u32 s1, $0x2  }
0xba: {  	s3 =	sand.u32 $0x4000, s31;
	s1 =	sadd.s32 s1, s30  }
0xbb: {  	s0 =	sor.u32 s3, s0;
	s1 =	sshll.u32 s1, $0x11  }
0xbc: {  	s0 =	sor.u32 s1, s0  }
0xbd: {  	s0 =	sadd.s32 $0x8F2B, s0  }
0xbe: {  	[sflag:s0] =	ssyncadd.remote.s32 $0x1  }
0xbf: {  	_ =	sfence.sel $0xFFFF  }
0xc0: {  	[dreg:$0x0] =	wrdreg $0xFFFFFFFF;
	(pc) =	sbr.abs _section_cstart, $3  }
0xc1: {  	[dreg:$0x1] =	wrdreg $0xFFFFFFFF  }
0xc2: {  	_ =	task.clear_ibuf [dreg:s8], $0x2FFFF;
	_ =	strace $0x9FFFFFFF  }
0xc3: {  	(tm) =	ssettm $0x7FFFFFFF  }
tec
execute0_lowered:
.L_overlay_start_1:
0x0: {  	(tag) =	ssettag $0x1  }
0x1: {  	s6 =	rddreg [dreg:$0x0]  }
0x2: {  	s0 =	rddreg [dreg:$0x1]  }
0x3: {  	s1 =	srdreg.scid;
	s3 =	stileid.u32  }
0x4: {  	s7 =	simm.s32 $0x0;
	s10 =	simm.s32 $0x1;
	s1 =	sand.u32 $0x1, s1  }
0x5: {  	s2 =	sshll.u32 s3, $0x1;
	s3 =	sshrl.u32 s3, $0x2;
	[smem:$0x7FF] =	sst s7  }
0x6: {  	s2 =	sor.u32 s1, s2;
	s1 =	ssub.s32 $0x2, s1;
	s3 =	smul.u32 $0xC000, s3  }
0x7: {  	_ =	strace $0x80000047;
	s4 =	sshll.u32 s2, $0x7;
	s5 =	sshrl.u32 s1, $0x1  }
0x8: {  	s29 =	sshll.u32 s2, $0xD;
	s2 =	sshll.u32 s2, $0xA;
	s4 =	sand.u32 $0x380, s4  }
0x9: {  	s1 =	ssub.s32 s1, s5;
	s2 =	sadd.s32 s6, s2;
	[dreg:$0x4] =	wrdreg s29  }
0xa: {  	s30 =	sor.u32 $0x80000, s29;
	s3 =	sor.u32 s3, s4;
	[dreg:$0x5] =	wrdreg s2  }
0xb: {  	v1 =	vlaneseq.u32;
	[dreg:$0x6] =	wrdreg s30;
	s31 =	smax.u32 s1, $0x1;
	s3 =	sshrl.u32 s3, $0x3  }
0xc: {  	s11 =	simm.s32 $0x4000;
	v1 =	vmul.u32 $0x100, v1;
	[dreg:$0x8] =	wrdreg s31;
	s0 =	sadd.s32 s0, s3  }
0xd: {  	s12 =	simm.s32 $0x2;
	v0 =	vimm.f32 $0.0e+00;
	v2 =	vimm.f32 $1.000000000e+00;
	s17 =	simm.s32 $0x0;
	[dreg:$0x7] =	wrdreg s0  }
.LBB2_1:
0xe: {  	[dreg:$0x3] =	wrdreg s7;
	s0 =	simm.s32 $0x4020  }
0xf: {  	[tilespmem:s0+$0xFFFFFFE0] =	vst v0  }
0x10: {  	[tilespmem:s0+$0x10] =	vst v0  }
0x11: {  	s1 =	simm.s32 $0x0;
	[tilespmem:s0+$0x0] =	vst v0  }
.LBB2_2:
0x12: {  	s1 =	sadd.s32 $0x40, s1  }
0x13: {  	[tilespmem:s0+$0xFFFFFFF0] =	vst v0;
	s0 =	sadd.s32 $0x40, s0;
	p0 =	slt.u32 s1, $0xFC0  }
.Ltmp0:
0x14: {  	[tilespmem:s0+$0xFFFFFFE0] =	vst v0;
	(pc) =	sbr.rel @p0 .LBB2_2-.Ltmp0, $3  }
0x15: {  	_ =	sdelay $0x1  }
0x16: {  	[tilespmem:s0+$0x10] =	vst v0  }
0x17: {  	[tilespmem:s0+$0x0] =	vst v0  }
0x18: {  	[tilespmem:s0+$0xFFFFFFF0] =	vst v0  }
0x19: {  	s18 =	simm.s32 $0x0;
	s0 =	rddreg [dreg:$0x5]  }
0x1a: {  	[tilespmem:s17], [sflag:$0x1] =	stream.linear.gather [hbm4b:s0+s17], $0x2000, $0x38;
	[tilespmem:$0x6800] =	vst v63  }
.LBB2_4:
0x1b: {  	s19 =	sshllo.u32 s18, $0x1  }
0x1c: {  	s1 =	rddreg [dreg:$0x4];
	s0 =	sshll.u32 s19, $0x12  }
0x1d: {  	s0 =	sor.u32 s1, s0  }
0x1e: {  	s23 =	rddreg [dreg:$0x0];
	s0 =	sshrl.u32 s0, $0x3  }
0x1f: {  	s24 =	simm.s32 $0x2000;
	s5 =	simm.s32 $0x0;
	s0 =	sadd.s32 s23, s0  }
0x20: {  	[tilespmem:s24], [sflag:$0x2] =	stream.linear.gather [hbm4b:s0+s17], $0x2000, $0x38;
	[tilespmem:$0x6800] =	vst v63  }
0x21: {  	s1 =	sand.u32 $0x60, s5;
	_ =	swait.ge [sflag:s10], $0x2000  }
0x22: {  	s14 =	sand.u32 $0xC00, s17;
	s13 =	sor.u32 $0x10, s1;
	[sflag:s10] =	ssyncset.done $0x0  }
0x23: {  	s15 =	sor.u32 s13, s14;
	[sflag:s10] =	ssyncadd.s32 $0xFFFFE000  }
0x24: {  	v3 =	vld [tilespmem:s15+$0x0];
	_ =	sdelay $0x4  }
0x25: {  	v3 =	vmul.f32 $2.560000000e+02, v3;
	_ =	sdelay $0x1  }
0x26: {  	s2 =	sor.u32 s1, s14;
	v3 =	vtrunc.f32 v3  }
0x27: {  	v4 =	vld [tilespmem:s2+$0x0];
	v3 =	vcvt.f32.s32 v3;
	_ =	sdelay $0x1  }
0x28: {  	v3 =	vadd.s32 v1, v3;
	_ =	sdelay $0x2  }
0x29: {  	v4 =	vmul.f32 $2.560000000e+02, v4;
	_ =	sdelay $0x1  }
0x2a: {  	v4 =	vtrunc.f32 v4;
	[tilespmem:v3+s11+$0x0] =	vst.idx.add.f32.msk $0xffff, v2  }
0x2b: {  	v3 =	vcvt.f32.s32 v4;
	v4 =	vld [tilespmem:s15+$0x80];
	_ =	sdelay $0x1  }
0x2c: {  	v3 =	vadd.s32 v1, v3;
	_ =	sdelay $0x2  }
0x2d: {  	v4 =	vmul.f32 $2.560000000e+02, v4;
	_ =	sdelay $0x1  }
0x2e: {  	[tilespmem:v3+s11+$0x0] =	vst.idx.add.f32.msk $0xffff, v2;
	v3 =	vtrunc.f32 v4  }
0x2f: {  	v4 =	vld [tilespmem:s2+$0x80];
	v3 =	vcvt.f32.s32 v3;
	_ =	sdelay $0x1  }
0x30: {  	v3 =	vadd.s32 v1, v3;
	_ =	sdelay $0x2  }
0x31: {  	v4 =	vmul.f32 $2.560000000e+02, v4;
	_ =	sdelay $0x1  }
0x32: {  	v4 =	vtrunc.f32 v4;
	[tilespmem:v3+s11+$0x0] =	vst.idx.add.f32.msk $0xffff, v2  }
0x33: {  	v3 =	vcvt.f32.s32 v4;
	v4 =	vld [tilespmem:s15+$0x100];
	_ =	sdelay $0x1  }
0x34: {  	v3 =	vadd.s32 v1, v3;
	_ =	sdelay $0x2  }
0x35: {  	v4 =	vmul.f32 $2.560000000e+02, v4;
	_ =	sdelay $0x1  }
0x36: {  	[tilespmem:v3+s11+$0x0] =	vst.idx.add.f32.msk $0xffff, v2;
	v3 =	vtrunc.f32 v4  }
0x37: {  	v4 =	vld [tilespmem:s2+$0x100];
	v3 =	vcvt.f32.s32 v3;
	_ =	sdelay $0x1  }
0x38: {  	v3 =	vadd.s32 v1, v3;
	_ =	sdelay $0x2  }
0x39: {  	v4 =	vmul.f32 $2.560000000e+02, v4;
	_ =	sdelay $0x1  }
0x3a: {  	v4 =	vtrunc.f32 v4;
	[tilespmem:v3+s11+$0x0] =	vst.idx.add.f32.msk $0xffff, v2  }
0x3b: {  	v3 =	vcvt.f32.s32 v4;
	v4 =	vld [tilespmem:s15+$0x180];
	_ =	sdelay $0x1  }
0x3c: {  	v3 =	vadd.s32 v1, v3;
	_ =	sdelay $0x2  }
0x3d: {  	v4 =	vmul.f32 $2.560000000e+02, v4;
	_ =	sdelay $0x1  }
0x3e: {  	[tilespmem:v3+s11+$0x0] =	vst.idx.add.f32.msk $0xffff, v2;
	v3 =	vtrunc.f32 v4  }
0x3f: {  	v4 =	vld [tilespmem:s2+$0x180];
	v3 =	vcvt.f32.s32 v3;
	_ =	sdelay $0x1  }
0x40: {  	s3 =	simm.s32 $0x20;
	v3 =	vadd.s32 v1, v3  }
0x41: {  	s7 =	simm.s32 $0x100;
	s30 =	sand.u32 $0x60, s3  }
0x42: {  	s31 =	sand.u32 $0xC00, s7;
	s0 =	sor.u32 $0x10, s30  }
0x43: {  	s9 =	sor.u32 s0, s31;
	v4 =	vmul.f32 $2.560000000e+02, v4  }
0x44: {  	v5 =	vld [tilespmem:s9+$0x0]  }
0x45: {  	v4 =	vtrunc.f32 v4;
	[tilespmem:v3+s11+$0x0] =	vst.idx.add.f32.msk $0xffff, v2  }
0x46: {  	v3 =	vcvt.f32.s32 v4;
	v4 =	vld [tilespmem:s15+$0x200];
	_ =	sdelay $0x1  }
0x47: {  	v3 =	vadd.s32 v1, v3  }
0x48: {  	v5 =	vmul.f32 $2.560000000e+02, v5;
	_ =	sdelay $0x1  }
0x49: {  	s8 =	sor.u32 s30, s31;
	v5 =	vtrunc.f32 v5;
	v4 =	vmul.f32 $2.560000000e+02, v4  }
0x4a: {  	v6 =	vld [tilespmem:s8+$0x0];
	v5 =	vcvt.f32.s32 v5  }
0x4b: {  	[tilespmem:v3+s11+$0x0] =	vst.idx.add.f32.msk $0xffff, v2;
	v3 =	vtrunc.f32 v4  }
0x4c: {  	v5 =	vadd.s32 v1, v5;
	v4 =	vld [tilespmem:s2+$0x200];
	v3 =	vcvt.f32.s32 v3;
	_ =	sdelay $0x1  }
0x4d: {  	v3 =	vadd.s32 v1, v3  }
0x4e: {  	v6 =	vmul.f32 $2.560000000e+02, v6;
	_ =	sdelay $0x1  }
0x4f: {  	v6 =	vtrunc.f32 v6;
	[tilespmem:v5+s11+$0x0] =	vst.idx.add.f32.msk $0xffff, v2;
	v4 =	vmul.f32 $2.560000000e+02, v4  }
0x50: {  	v5 =	vcvt.f32.s32 v6;
	v6 =	vld [tilespmem:s9+$0x80]  }
0x51: {  	v4 =	vtrunc.f32 v4;
	[tilespmem:v3+s11+$0x0] =	vst.idx.add.f32.msk $0xffff, v2  }
0x52: {  	v3 =	vadd.s32 v1, v5;
	v4 =	vcvt.f32.s32 v4;
	v5 =	vld [tilespmem:s15+$0x280];
	_ =	sdelay $0x1  }
0x53: {  	v4 =	vadd.s32 v1, v4  }
0x54: {  	v6 =	vmul.f32 $2.560000000e+02, v6;
	_ =	sdelay $0x1  }
0x55: {  	[tilespmem:v3+s11+$0x0] =	vst.idx.add.f32.msk $0xffff, v2;
	v3 =	vtrunc.f32 v6;
	v5 =	vmul.f32 $2.560000000e+02, v5  }
0x56: {  	v6 =	vld [tilespmem:s8+$0x80];
	v3 =	vcvt.f32.s32 v3  }
0x57: {  	[tilespmem:v4+s11+$0x0] =	vst.idx.add.f32.msk $0xffff, v2;
	v4 =	vtrunc.f32 v5  }
0x58: {  	v3 =	vadd.s32 v1, v3;
	v5 =	vld [tilespmem:s2+$0x280];
	v4 =	vcvt.f32.s32 v4;
	_ =	sdelay $0x1  }
0x59: {  	v4 =	vadd.s32 v1, v4  }
0x5a: {  	s25 =	sand.u32 $0x3, s17;
	v6 =	vmul.f32 $2.560000000e+02, v6  }
0x5b: {  	s2 =	sshll.u32 s25, $0x5  }
0x5c: {  	s2 =	sadd.s32 $0x0, s2;
	v6 =	vtrunc.f32 v6;
	[tilespmem:v3+s11+$0x0] =	vst.idx.add.f32.msk $0xffff, v2;
	v3 =	vmul.f32 $2.560000000e+02, v5  }
0x5d: {  	s26 =	sadd.s32 $0x10, s2;
	v5 =	vcvt.f32.s32 v6;
	v6 =	vld [tilespmem:s9+$0x100]  }
0x5e: {  	s16 =	sor.u32 $0x300, s26;
	v3 =	vtrunc.f32 v3;
	[tilespmem:v4+s11+$0x0] =	vst.idx.add.f32.msk $0xffff, v2  }
0x5f: {  	v4 =	vadd.s32 v1, v5;
	v3 =	vcvt.f32.s32 v3;
	v5 =	vld [tilespmem:s16+$0x0];
	_ =	sdelay $0x1  }
0x60: {  	v3 =	vadd.s32 v1, v3  }
0x61: {  	v6 =	vmul.f32 $2.560000000e+02, v6;
	_ =	sdelay $0x1  }
0x62: {  	[tilespmem:v4+s11+$0x0] =	vst.idx.add.f32.msk $0xffff, v2;
	v4 =	vtrunc.f32 v6;
	v5 =	vmul.f32 $2.560000000e+02, v5  }
0x63: {  	v6 =	vld [tilespmem:s8+$0x100];
	v4 =	vcvt.f32.s32 v4  }
0x64: {  	s2 =	sor.u32 $0x300, s2;
	[tilespmem:v3+s11+$0x0] =	vst.idx.add.f32.msk $0xffff, v2;
	v3 =	vtrunc.f32 v5  }
0x65: {  	v4 =	vadd.s32 v1, v4;
	v5 =	vld [tilespmem:s2+$0x0];
	v3 =	vcvt.f32.s32 v3;
	_ =	sdelay $0x1  }
0x66: {  	v3 =	vadd.s32 v1, v3  }
0x67: {  	v6 =	vmul.f32 $2.560000000e+02, v6;
	_ =	sdelay $0x1  }
0x68: {  	v6 =	vtrunc.f32 v6;
	[tilespmem:v4+s11+$0x0] =	vst.idx.add.f32.msk $0xffff, v2;
	v4 =	vmul.f32 $2.560000000e+02, v5  }
0x69: {  	v5 =	vcvt.f32.s32 v6;
	v6 =	vld [tilespmem:s9+$0x180]  }
0x6a: {  	s4 =	sor.u32 $0x380, s26;
	v4 =	vtrunc.f32 v4;
	[tilespmem:v3+s11+$0x0] =	vst.idx.add.f32.msk $0xffff, v2  }
0x6b: {  	v3 =	vadd.s32 v1, v5;
	v4 =	vcvt.f32.s32 v4;
	v5 =	vld [tilespmem:s4+$0x0];
	_ =	sdelay $0x1  }
0x6c: {  	v4 =	vadd.s32 v1, v4  }
0x6d: {  	v6 =	vmul.f32 $2.560000000e+02, v6;
	_ =	sdelay $0x1  }
0x6e: {  	[tilespmem:v3+s11+$0x0] =	vst.idx.add.f32.msk $0xffff, v2;
	v3 =	vtrunc.f32 v6;
	v5 =	vmul.f32 $2.560000000e+02, v5  }
0x6f: {  	s5 =	sor.u32 s17, s5;
	v6 =	vld [tilespmem:s8+$0x180];
	v3 =	vcvt.f32.s32 v3  }
0x70: {  	s2 =	sor.u32 $0x380, s5;
	[tilespmem:v4+s11+$0x0] =	vst.idx.add.f32.msk $0xffff, v2;
	v4 =	vtrunc.f32 v5  }
0x71: {  	s5 =	simm.s32 $0x40;
	v5 =	vld [tilespmem:s2+$0x0];
	v3 =	vadd.s32 v1, v3;
	v4 =	vcvt.f32.s32 v4  }
0x72: {  	s15 =	simm.s32 $0x200;
	s20 =	sand.u32 $0x60, s5  }
0x73: {  	s21 =	sand.u32 $0xC00, s15;
	s22 =	sor.u32 $0x10, s20;
	v4 =	vadd.s32 v1, v4  }
0x74: {  	s28 =	sor.u32 s22, s21;
	v6 =	vmul.f32 $2.560000000e+02, v6  }
0x75: {  	v7 =	vld [tilespmem:s28+$0x0]  }
0x76: {  	v5 =	vmul.f32 $2.560000000e+02, v5;
	v6 =	vtrunc.f32 v6;
	[tilespmem:v3+s11+$0x0] =	vst.idx.add.f32.msk $0xffff, v2  }
0x77: {  	s6 =	sor.u32 $0x1000, s14;
	v3 =	vcvt.f32.s32 v6;
	v6 =	vld [tilespmem:s9+$0x200]  }
0x78: {  	s23 =	sor.u32 s13, s6;
	v5 =	vtrunc.f32 v5;
	[tilespmem:v4+s11+$0x0] =	vst.idx.add.f32.msk $0xffff, v2  }
0x79: {  	v4 =	vcvt.f32.s32 v5;
	v3 =	vadd.s32 v1, v3;
	v5 =	vld [tilespmem:s23+$0x0]  }
0x7a: {  	v7 =	vmul.f32 $2.560000000e+02, v7  }
0x7b: {  	v4 =	vadd.s32 v1, v4  }
0x7c: {  	s26 =	sor.u32 s20, s21;
	v7 =	vtrunc.f32 v7;
	v6 =	vmul.f32 $2.560000000e+02, v6  }
0x7d: {  	v8 =	vld [tilespmem:s26+$0x0];
	v7 =	vcvt.f32.s32 v7  }
0x7e: {  	[tilespmem:v3+s11+$0x0] =	vst.idx.add.f32.msk $0xffff, v2;
	v3 =	vtrunc.f32 v6;
	v5 =	vmul.f32 $2.560000000e+02, v5  }
0x7f: {  	v7 =	vadd.s32 v1, v7;
	v6 =	vld [tilespmem:s8+$0x200];
	v3 =	vcvt.f32.s32 v3  }
0x80: {  	s2 =	sor.u32 s1, s6;
	[tilespmem:v4+s11+$0x0] =	vst.idx.add.f32.msk $0xffff, v2;
	v4 =	vtrunc.f32 v5  }
0x81: {  	v5 =	vld [tilespmem:s2+$0x0];
	v3 =	vadd.s32 v1, v3;
	v4 =	vcvt.f32.s32 v4  }
0x82: {  	v8 =	vmul.f32 $2.560000000e+02, v8  }
0x83: {  	v4 =	vadd.s32 v1, v4  }
0x84: {  	v8 =	vtrunc.f32 v8;
	[tilespmem:v7+s11+$0x0] =	vst.idx.add.f32.msk $0xffff, v2;
	v6 =	vmul.f32 $2.560000000e+02, v6  }
0x85: {  	v7 =	vcvt.f32.s32 v8;
	v8 =	vld [tilespmem:s28+$0x80]  }
0x86: {  	v5 =	vmul.f32 $2.560000000e+02, v5;
	v6 =	vtrunc.f32 v6;
	[tilespmem:v3+s11+$0x0] =	vst.idx.add.f32.msk $0xffff, v2  }
0x87: {  	s24 =	sor.u32 $0x1080, s14;
	v3 =	vadd.s32 v1, v7;
	v6 =	vcvt.f32.s32 v6;
	v7 =	vld [tilespmem:s9+$0x280]  }
0x88: {  	s25 =	sor.u32 s13, s24;
	v5 =	vtrunc.f32 v5;
	[tilespmem:v4+s11+$0x0] =	vst.idx.add.f32.msk $0xffff, v2  }
0x89: {  	v4 =	vcvt.f32.s32 v5;
	v5 =	vadd.s32 v1, v6;
	v6 =	vld [tilespmem:s25+$0x0]  }
0x8a: {  	v8 =	vmul.f32 $2.560000000e+02, v8  }
0x8b: {  	v4 =	vadd.s32 v1, v4  }
0x8c: {  	[tilespmem:v3+s11+$0x0] =	vst.idx.add.f32.msk $0xffff, v2;
	v3 =	vtrunc.f32 v8;
	v7 =	vmul.f32 $2.560000000e+02, v7  }
0x8d: {  	v8 =	vld [tilespmem:s26+$0x80];
	v3 =	vcvt.f32.s32 v3  }
0x8e: {  	[tilespmem:v5+s11+$0x0] =	vst.idx.add.f32.msk $0xffff, v2;
	v5 =	vtrunc.f32 v7;
	v6 =	vmul.f32 $2.560000000e+02, v6  }
0x8f: {  	v3 =	vadd.s32 v1, v3;
	v7 =	vld [tilespmem:s8+$0x280];
	v5 =	vcvt.f32.s32 v5  }
0x90: {  	s2 =	sor.u32 s1, s24;
	[tilespmem:v4+s11+$0x0] =	vst.idx.add.f32.msk $0xffff, v2;
	v4 =	vtrunc.f32 v6  }
0x91: {  	s4 =	simm.s32 $0x1;
	v5 =	vadd.s32 v1, v5;
	v6 =	vld [tilespmem:s2+$0x0];
	v4 =	vcvt.f32.s32 v4  }
0x92: {  	v8 =	vmul.f32 $2.560000000e+02, v8;
	s2 =	sand.u32 $0x3, s4  }
0x93: {  	s2 =	sshll.u32 s2, $0x5;
	v4 =	vadd.s32 v1, v4  }
0x94: {  	v8 =	vtrunc.f32 v8;
	[tilespmem:v3+s11+$0x0] =	vst.idx.add.f32.msk $0xffff, v2;
	s2 =	sadd.s32 $0x100, s2;
	v3 =	vmul.f32 $2.560000000e+02, v7  }
0x95: {  	v7 =	vcvt.f32.s32 v8;
	v8 =	vld [tilespmem:s28+$0x100];
	s6 =	sadd.s32 $0x10, s2  }
0x96: {  	s16 =	sor.u32 $0x300, s6;
	v3 =	vtrunc.f32 v3;
	[tilespmem:v5+s11+$0x0] =	vst.idx.add.f32.msk $0xffff, v2;
	v5 =	vmul.f32 $2.560000000e+02, v6  }
0x97: {  	s23 =	sor.u32 $0x1100, s14;
	v6 =	vadd.s32 v1, v7;
	v3 =	vcvt.f32.s32 v3;
	v7 =	vld [tilespmem:s16+$0x0]  }
0x98: {  	s24 =	sor.u32 s13, s23;
	v5 =	vtrunc.f32 v5;
	[tilespmem:v4+s11+$0x0] =	vst.idx.add.f32.msk $0xffff, v2  }
0x99: {  	v3 =	vadd.s32 v1, v3;
	v4 =	vcvt.f32.s32 v5;
	v5 =	vld [tilespmem:s24+$0x0]  }
0x9a: {  	v8 =	vmul.f32 $2.560000000e+02, v8  }
0x9b: {  	v4 =	vadd.s32 v1, v4  }
0x9c: {  	[tilespmem:v6+s11+$0x0] =	vst.idx.add.f32.msk $0xffff, v2;
	v6 =	vtrunc.f32 v8;
	v7 =	vmul.f32 $2.560000000e+02, v7  }
0x9d: {  	v8 =	vld [tilespmem:s26+$0x100];
	v6 =	vcvt.f32.s32 v6  }
0x9e: {  	s2 =	sor.u32 $0x300, s2;
	[tilespmem:v3+s11+$0x0] =	vst.idx.add.f32.msk $0xffff, v2;
	v3 =	vtrunc.f32 v7;
	v5 =	vmul.f32 $2.560000000e+02, v5  }
0x9f: {  	v6 =	vadd.s32 v1, v6;
	v7 =	vld [tilespmem:s2+$0x0];
	v3 =	vcvt.f32.s32 v3  }
0xa0: {  	s25 =	sor.u32 s1, s23;
	[tilespmem:v4+s11+$0x0] =	vst.idx.add.f32.msk $0xffff, v2;
	v4 =	vtrunc.f32 v5  }
0xa1: {  	v3 =	vadd.s32 v1, v3;
	v5 =	vld [tilespmem:s25+$0x0];
	v4 =	vcvt.f32.s32 v4  }
0xa2: {  	v8 =	vmul.f32 $2.560000000e+02, v8  }
0xa3: {  	v4 =	vadd.s32 v1, v4  }
0xa4: {  	v8 =	vtrunc.f32 v8;
	[tilespmem:v6+s11+$0x0] =	vst.idx.add.f32.msk $0xffff, v2;
	v6 =	vmul.f32 $2.560000000e+02, v7  }
0xa5: {  	v7 =	vcvt.f32.s32 v8;
	v8 =	vld [tilespmem:s28+$0x180]  }
0xa6: {  	s4 =	sor.u32 $0x380, s6;
	v6 =	vtrunc.f32 v6;
	[tilespmem:v3+s11+$0x0] =	vst.idx.add.f32.msk $0xffff, v2;
	v3 =	vmul.f32 $2.560000000e+02, v5  }
0xa7: {  	s6 =	sor.u32 $0x1180, s14;
	v5 =	vadd.s32 v1, v7;
	v6 =	vcvt.f32.s32 v6;
	v7 =	vld [tilespmem:s4+$0x0]  }
0xa8: {  	s9 =	sor.u32 s13, s6;
	v3 =	vtrunc.f32 v3;
	[tilespmem:v4+s11+$0x0] =	vst.idx.add.f32.msk $0xffff, v2  }
0xa9: {  	v4 =	vadd.s32 v1, v6;
	v3 =	vcvt.f32.s32 v3;
	v6 =	vld [tilespmem:s9+$0x0]  }
0xaa: {  	v8 =	vmul.f32 $2.560000000e+02, v8  }
0xab: {  	v3 =	vadd.s32 v1, v3  }
0xac: {  	[tilespmem:v5+s11+$0x0] =	vst.idx.add.f32.msk $0xffff, v2;
	v5 =	vtrunc.f32 v8;
	v7 =	vmul.f32 $2.560000000e+02, v7  }
0xad: {  	s3 =	sor.u32 s7, s3;
	v8 =	vld [tilespmem:s26+$0x180];
	v5 =	vcvt.f32.s32 v5  }
0xae: {  	s3 =	sor.u32 $0x380, s3;
	[tilespmem:v4+s11+$0x0] =	vst.idx.add.f32.msk $0xffff, v2;
	v4 =	vtrunc.f32 v7;
	v6 =	vmul.f32 $2.560000000e+02, v6  }
0xaf: {  	s7 =	simm.s32 $0x60;
	v5 =	vadd.s32 v1, v5;
	v7 =	vld [tilespmem:s3+$0x0];
	v4 =	vcvt.f32.s32 v4  }
0xb0: {  	s23 =	sand.u32 $0x60, s7;
	s8 =	simm.s32 $0x300;
	s2 =	sor.u32 s1, s6;
	[tilespmem:v3+s11+$0x0] =	vst.idx.add.f32.msk $0xffff, v2;
	v3 =	vtrunc.f32 v6  }
0xb1: {  	s24 =	sor.u32 $0x10, s23;
	s25 =	sand.u32 $0xC00, s8;
	v6 =	vld [tilespmem:s2+$0x0];
	v4 =	vadd.s32 v1, v4;
	v3 =	vcvt.f32.s32 v3  }
0xb2: {  	s3 =	sor.u32 s24, s25;
	v8 =	vmul.f32 $2.560000000e+02, v8  }
0xb3: {  	v9 =	vld [tilespmem:s3+$0x0];
	v3 =	vadd.s32 v1, v3  }
0xb4: {  	v8 =	vtrunc.f32 v8;
	[tilespmem:v5+s11+$0x0] =	vst.idx.add.f32.msk $0xffff, v2;
	v7 =	vmul.f32 $2.560000000e+02, v7  }
0xb5: {  	s2 =	sor.u32 $0x1000, s31;
	v5 =	vcvt.f32.s32 v8;
	v8 =	vld [tilespmem:s28+$0x200]  }
0xb6: {  	s16 =	sor.u32 s0, s2;
	v7 =	vtrunc.f32 v7;
	[tilespmem:v4+s11+$0x0] =	vst.idx.add.f32.msk $0xffff, v2;
	v4 =	vmul.f32 $2.560000000e+02, v6  }
0xb7: {  	s4 =	sor.u32 $0x1200, s14;
	v5 =	vadd.s32 v1, v5;
	v6 =	vcvt.f32.s32 v7;
	v7 =	vld [tilespmem:s16+$0x0]  }
0xb8: {  	s6 =	sor.u32 s13, s4;
	v4 =	vtrunc.f32 v4;
	[tilespmem:v3+s11+$0x0] =	vst.idx.add.f32.msk $0xffff, v2;
	v3 =	vmul.f32 $2.560000000e+02, v9  }
0xb9: {  	v6 =	vadd.s32 v1, v6;
	v4 =	vcvt.f32.s32 v4;
	v9 =	vld [tilespmem:s6+$0x0]  }
0xba: {  	s16 =	sor.u32 s23, s25;
	v8 =	vmul.f32 $2.560000000e+02, v8;
	v3 =	vtrunc.f32 v3  }
0xbb: {  	v10 =	vld [tilespmem:s16+$0x0];
	v4 =	vadd.s32 v1, v4;
	v3 =	vcvt.f32.s32 v3  }
0xbc: {  	[tilespmem:v5+s11+$0x0] =	vst.idx.add.f32.msk $0xffff, v2;
	v5 =	vtrunc.f32 v8;
	v7 =	vmul.f32 $2.560000000e+02, v7  }
0xbd: {  	v8 =	vld [tilespmem:s26+$0x200];
	v5 =	vcvt.f32.s32 v5;
	v3 =	vadd.s32 v1, v3  }
0xbe: {  	s2 =	sor.u32 s30, s2;
	[tilespmem:v6+s11+$0x0] =	vst.idx.add.f32.msk $0xffff, v2;
	v6 =	vtrunc.f32 v7;
	v7 =	vmul.f32 $2.560000000e+02, v9  }
0xbf: {  	v5 =	vadd.s32 v1, v5;
	v9 =	vld [tilespmem:s2+$0x0];
	v6 =	vcvt.f32.s32 v6  }
0xc0: {  	s9 =	sor.u32 s1, s4;
	v10 =	vmul.f32 $2.560000000e+02, v10;
	[tilespmem:v4+s11+$0x0] =	vst.idx.add.f32.msk $0xffff, v2;
	v4 =	vtrunc.f32 v7  }
0xc1: {  	v7 =	vld [tilespmem:s9+$0x0];
	v6 =	vadd.s32 v1, v6;
	v4 =	vcvt.f32.s32 v4  }
0xc2: {  	v10 =	vtrunc.f32 v10;
	[tilespmem:v3+s11+$0x0] =	vst.idx.add.f32.msk $0xffff, v2;
	v3 =	vmul.f32 $2.560000000e+02, v8  }
0xc3: {  	v8 =	vcvt.f32.s32 v10;
	v10 =	vld [tilespmem:s3+$0x80];
	v4 =	vadd.s32 v1, v4  }
0xc4: {  	[tilespmem:v5+s11+$0x0] =	vst.idx.add.f32.msk $0xffff, v2;
	v9 =	vmul.f32 $2.560000000e+02, v9;
	v3 =	vtrunc.f32 v3  }
0xc5: {  	s2 =	sor.u32 $0x1080, s31;
	v5 =	vadd.s32 v1, v8;
	v8 =	vld [tilespmem:s28+$0x280];
	v3 =	vcvt.f32.s32 v3  }
0xc6: {  	s4 =	sor.u32 s0, s2;
	v9 =	vtrunc.f32 v9;
	[tilespmem:v6+s11+$0x0] =	vst.idx.add.f32.msk $0xffff, v2;
	v6 =	vmul.f32 $2.560000000e+02, v7  }
0xc7: {  	s6 =	sor.u32 $0x1280, s14;
	v7 =	vcvt.f32.s32 v9;
	v9 =	vld [tilespmem:s4+$0x0];
	v3 =	vadd.s32 v1, v3  }
0xc8: {  	s28 =	sor.u32 s13, s6;
	v6 =	vtrunc.f32 v6;
	v10 =	vmul.f32 $2.560000000e+02, v10;
	[tilespmem:v4+s11+$0x0] =	vst.idx.add.f32.msk $0xffff, v2  }
0xc9: {  	v4 =	vadd.s32 v1, v7;
	v6 =	vcvt.f32.s32 v6;
	v7 =	vld [tilespmem:s28+$0x0]  }
0xca: {  	[tilespmem:v5+s11+$0x0] =	vst.idx.add.f32.msk $0xffff, v2;
	v8 =	vmul.f32 $2.560000000e+02, v8;
	v5 =	vtrunc.f32 v10  }
0xcb: {  	v10 =	vld [tilespmem:s16+$0x80];
	v6 =	vadd.s32 v1, v6;
	v5 =	vcvt.f32.s32 v5  }
0xcc: {  	[tilespmem:v3+s11+$0x0] =	vst.idx.add.f32.msk $0xffff, v2;
	v3 =	vtrunc.f32 v8;
	v8 =	vmul.f32 $2.560000000e+02, v9  }
0xcd: {  	v5 =	vadd.s32 v1, v5;
	v9 =	vld [tilespmem:s26+$0x280];
	v3 =	vcvt.f32.s32 v3  }
0xce: {  	s2 =	sor.u32 s30, s2;
	[tilespmem:v4+s11+$0x0] =	vst.idx.add.f32.msk $0xffff, v2;
	v4 =	vtrunc.f32 v8;
	v7 =	vmul.f32 $2.560000000e+02, v7  }
0xcf: {  	s26 =	simm.s32 $0x2;
	v8 =	vld [tilespmem:s2+$0x0];
	v3 =	vadd.s32 v1, v3;
	v4 =	vcvt.f32.s32 v4  }
0xd0: {  	s9 =	sor.u32 s1, s6;
	s2 =	sand.u32 $0x3, s26;
	v10 =	vmul.f32 $2.560000000e+02, v10;
	[tilespmem:v6+s11+$0x0] =	vst.idx.add.f32.msk $0xffff, v2;
	v6 =	vtrunc.f32 v7  }
0xd1: {  	s2 =	sshll.u32 s2, $0x5;
	v7 =	vld [tilespmem:s9+$0x0];
	v4 =	vadd.s32 v1, v4;
	v6 =	vcvt.f32.s32 v6  }
0xd2: {  	s2 =	sadd.s32 $0x200, s2;
	v10 =	vtrunc.f32 v10;
	[tilespmem:v5+s11+$0x0] =	vst.idx.add.f32.msk $0xffff, v2;
	v5 =	vmul.f32 $2.560000000e+02, v9  }
0xd3: {  	s9 =	sadd.s32 $0x10, s2;
	v9 =	vcvt.f32.s32 v10;
	v10 =	vld [tilespmem:s3+$0x100];
	v6 =	vadd.s32 v1, v6  }
0xd4: {  	s4 =	sor.u32 $0x300, s9;
	v5 =	vtrunc.f32 v5;
	[tilespmem:v3+s11+$0x0] =	vst.idx.add.f32.msk $0xffff, v2;
	v3 =	vmul.f32 $2.560000000e+02, v8  }
0xd5: {  	s6 =	sor.u32 $0x1100, s31;
	v8 =	vadd.s32 v1, v9;
	v5 =	vcvt.f32.s32 v5;
	v9 =	vld [tilespmem:s4+$0x0]  }
0xd6: {  	s28 =	sor.u32 s0, s6;
	v3 =	vtrunc.f32 v3;
	[tilespmem:v4+s11+$0x0] =	vst.idx.add.f32.msk $0xffff, v2;
	v4 =	vmul.f32 $2.560000000e+02, v7  }
0xd7: {  	v5 =	vadd.s32 v1, v5;
	v3 =	vcvt.f32.s32 v3;
	v7 =	vld [tilespmem:s28+$0x0];
	s28 =	sor.u32 $0x1300, s14  }
0xd8: {  	v10 =	vmul.f32 $2.560000000e+02, v10;
	v4 =	vtrunc.f32 v4;
	[tilespmem:v6+s11+$0x0] =	vst.idx.add.f32.msk $0xffff, v2;
	s29 =	sor.u32 s13, s28  }
0xd9: {  	v3 =	vadd.s32 v1, v3;
	v4 =	vcvt.f32.s32 v4;
	v6 =	vld [tilespmem:s29+$0x0]  }
0xda: {  	[tilespmem:v8+s11+$0x0] =	vst.idx.add.f32.msk $0xffff, v2;
	v8 =	vtrunc.f32 v10;
	v9 =	vmul.f32 $2.560000000e+02, v9  }
0xdb: {  	v10 =	vld [tilespmem:s16+$0x100];
	v8 =	vcvt.f32.s32 v8;
	v4 =	vadd.s32 v1, v4  }
0xdc: {  	s2 =	sor.u32 $0x300, s2;
	[tilespmem:v5+s11+$0x0] =	vst.idx.add.f32.msk $0xffff, v2;
	v5 =	vtrunc.f32 v9;
	v7 =	vmul.f32 $2.560000000e+02, v7  }
0xdd: {  	v8 =	vadd.s32 v1, v8;
	v9 =	vld [tilespmem:s2+$0x0];
	v5 =	vcvt.f32.s32 v5  }
0xde: {  	s4 =	sor.u32 s30, s6;
	[tilespmem:v3+s11+$0x0] =	vst.idx.add.f32.msk $0xffff, v2;
	v3 =	vtrunc.f32 v7;
	v6 =	vmul.f32 $2.560000000e+02, v6  }
0xdf: {  	v5 =	vadd.s32 v1, v5;
	v7 =	vld [tilespmem:s4+$0x0];
	v3 =	vcvt.f32.s32 v3  }
0xe0: {  	s6 =	sor.u32 s1, s28;
	v10 =	vmul.f32 $2.560000000e+02, v10;
	[tilespmem:v4+s11+$0x0] =	vst.idx.add.f32.msk $0xffff, v2;
	v4 =	vtrunc.f32 v6  }
0xe1: {  	v3 =	vadd.s32 v1, v3;
	v6 =	vld [tilespmem:s6+$0x0];
	v4 =	vcvt.f32.s32 v4  }
0xe2: {  	v10 =	vtrunc.f32 v10;
	[tilespmem:v8+s11+$0x0] =	vst.idx.add.f32.msk $0xffff, v2;
	v8 =	vmul.f32 $2.560000000e+02, v9  }
0xe3: {  	v9 =	vcvt.f32.s32 v10;
	v10 =	vld [tilespmem:s3+$0x180];
	v4 =	vadd.s32 v1, v4  }
0xe4: {  	s9 =	sor.u32 $0x380, s9;
	v8 =	vtrunc.f32 v8;
	[tilespmem:v5+s11+$0x0] =	vst.idx.add.f32.msk $0xffff, v2  }
0xe5: {  	s26 =	sor.u32 $0x1180, s31;
	v5 =	vmul.f32 $2.560000000e+02, v7;
	v7 =	vadd.s32 v1, v9;
	v8 =	vcvt.f32.s32 v8;
	v9 =	vld [tilespmem:s9+$0x0]  }
0xe6: {  	s4 =	sor.u32 s0, s26;
	[tilespmem:v3+s11+$0x0] =	vst.idx.add.f32.msk $0xffff, v2  }
0xe7: {  	s6 =	sor.u32 $0x1380, s14;
	v5 =	vtrunc.f32 v5;
	v3 =	vmul.f32 $2.560000000e+02, v6;
	v6 =	vadd.s32 v1, v8;
	v8 =	vld [tilespmem:s4+$0x0]  }
0xe8: {  	s13 =	sor.u32 s13, s6;
	v5 =	vcvt.f32.s32 v5;
	[tilespmem:v4+s11+$0x0] =	vst.idx.add.f32.msk $0xffff, v2  }
0xe9: {  	v3 =	vtrunc.f32 v3;
	v4 =	vmul.f32 $2.560000000e+02, v10;
	v10 =	vld [tilespmem:s13+$0x0]  }
0xea: {  	s5 =	sor.u32 s15, s5;
	v5 =	vadd.s32 v1, v5;
	v3 =	vcvt.f32.s32 v3;
	[tilespmem:v7+s11+$0x0] =	vst.idx.add.f32.msk $0xffff, v2;
	s13 =	simm.s32 $0x80  }
0xeb: {  	s2 =	sor.u32 s30, s26;
	s14 =	simm.s32 $0x400;
	v7 =	vld [tilespmem:s16+$0x180];
	v4 =	vtrunc.f32 v4;
	v9 =	vmul.f32 $2.560000000e+02, v9;
	s26 =	sand.u32 $0x60, s13  }
0xec: {  	s5 =	sor.u32 $0x380, s5;
	s29 =	sand.u32 $0xC00, s14;
	v3 =	vadd.s32 v1, v3;
	v4 =	vcvt.f32.s32 v4;
	s28 =	sor.u32 $0x10, s26;
	[tilespmem:v6+s11+$0x0] =	vst.idx.add.f32.msk $0xffff, v2  }
0xed: {  	s15 =	sor.u32 s1, s6;
	v9 =	vtrunc.f32 v9;
	v8 =	vmul.f32 $2.560000000e+02, v8;
	s1 =	sor.u32 s28, s29;
	v6 =	vld [tilespmem:s5+$0x0]  }
0xee: {  	v4 =	vadd.s32 v1, v4;
	v9 =	vcvt.f32.s32 v9;
	v11 =	vld [tilespmem:s1+$0x0]  }
0xef: {  	[tilespmem:v5+s11+$0x0] =	vst.idx.add.f32.msk $0xffff, v2;
	v5 =	vmul.f32 $2.560000000e+02, v10;
	v8 =	vtrunc.f32 v8  }
0xf0: {  	v10 =	vld [tilespmem:s2+$0x0];
	v9 =	vadd.s32 v1, v9;
	v8 =	vcvt.f32.s32 v8  }
0xf1: {  	v7 =	vmul.f32 $2.560000000e+02, v7;
	[tilespmem:v3+s11+$0x0] =	vst.idx.add.f32.msk $0xffff, v2;
	v5 =	vtrunc.f32 v5  }
0xf2: {  	v3 =	vld [tilespmem:s15+$0x0];
	v5 =	vcvt.f32.s32 v5;
	v8 =	vadd.s32 v1, v8  }
0xf3: {  	v7 =	vtrunc.f32 v7;
	v6 =	vmul.f32 $2.560000000e+02, v6;
	[tilespmem:v4+s11+$0x0] =	vst.idx.add.f32.msk $0xffff, v2  }
0xf4: {  	s2 =	sor.u32 $0x1000, s21;
	v4 =	vadd.s32 v1, v5;
	v5 =	vcvt.f32.s32 v7;
	v7 =	vld [tilespmem:s3+$0x200]  }
0xf5: {  	s4 =	sor.u32 s22, s2;
	v6 =	vtrunc.f32 v6;
	[tilespmem:v9+s11+$0x0] =	vst.idx.add.f32.msk $0xffff, v2;
	v9 =	vmul.f32 $2.560000000e+02, v10  }
0xf6: {  	s6 =	sor.u32 $0x1200, s31;
	v6 =	vcvt.f32.s32 v6;
	v5 =	vadd.s32 v1, v5;
	v10 =	vld [tilespmem:s4+$0x0]  }
0xf7: {  	s4 =	sor.u32 s0, s6;
	v9 =	vtrunc.f32 v9;
	[tilespmem:v8+s11+$0x0] =	vst.idx.add.f32.msk $0xffff, v2;
	v8 =	vmul.f32 $2.560000000e+02, v11  }
0xf8: {  	v6 =	vadd.s32 v1, v6;
	v9 =	vcvt.f32.s32 v9;
	v11 =	vld [tilespmem:s4+$0x0]  }
0xf9: {  	s15 =	sor.u32 s26, s29;
	[tilespmem:v4+s11+$0x0] =	vst.idx.add.f32.msk $0xffff, v2;
	v4 =	vtrunc.f32 v8;
	v7 =	vmul.f32 $2.560000000e+02, v7  }
0xfa: {  	v8 =	vld [tilespmem:s15+$0x0];
	v9 =	vadd.s32 v1, v9;
	v4 =	vcvt.f32.s32 v4  }
0xfb: {  	[tilespmem:v5+s11+$0x0] =	vst.idx.add.f32.msk $0xffff, v2;
	v5 =	vtrunc.f32 v7;
	v7 =	vmul.f32 $2.560000000e+02, v10  }
0xfc: {  	v10 =	vld [tilespmem:s16+$0x200];
	v4 =	vadd.s32 v1, v4;
	v5 =	vcvt.f32.s32 v5  }
0xfd: {  	s2 =	sor.u32 s20, s2;
	[tilespmem:v6+s11+$0x0] =	vst.idx.add.f32.msk $0xffff, v2;
	v6 =	vtrunc.f32 v7;
	v7 =	vmul.f32 $2.560000000e+02, v11  }
0xfe: {  	v11 =	vld [tilespmem:s2+$0x0];
	v5 =	vadd.s32 v1, v5;
	v6 =	vcvt.f32.s32 v6  }
0xff: {  	s5 =	sor.u32 s30, s6;
	v8 =	vmul.f32 $2.560000000e+02, v8;
	[tilespmem:v9+s11+$0x0] =	vst.idx.add.f32.msk $0xffff, v2;
	v7 =	vtrunc.f32 v7  }
0x100: {  	v9 =	vld [tilespmem:s5+$0x0];
	v6 =	vadd.s32 v1, v6;
	v7 =	vcvt.f32.s32 v7  }
0x101: {  	v8 =	vtrunc.f32 v8;
	[tilespmem:v4+s11+$0x0] =	vst.idx.add.f32.msk $0xffff, v2;
	v4 =	vmul.f32 $2.560000000e+02, v10  }
0x102: {  	v8 =	vcvt.f32.s32 v8;
	v10 =	vld [tilespmem:s1+$0x80];
	v7 =	vadd.s32 v1, v7  }
0x103: {  	v11 =	vmul.f32 $2.560000000e+02, v11;
	v4 =	vtrunc.f32 v4;
	[tilespmem:v5+s11+$0x0] =	vst.idx.add.f32.msk $0xffff, v2  }
0x104: {  	s2 =	sor.u32 $0x1080, s21;
	v5 =	vadd.s32 v1, v8;
	v4 =	vcvt.f32.s32 v4;
	v8 =	vld [tilespmem:s3+$0x280]  }
0x105: {  	s6 =	sor.u32 s22, s2;
	v11 =	vtrunc.f32 v11;
	[tilespmem:v6+s11+$0x0] =	vst.idx.add.f32.msk $0xffff, v2;
	v6 =	vmul.f32 $2.560000000e+02, v9  }
0x106: {  	s9 =	sor.u32 $0x1280, s31;
	v9 =	vcvt.f32.s32 v11;
	v4 =	vadd.s32 v1, v4;
	v11 =	vld [tilespmem:s6+$0x0]  }
0x107: {  	s4 =	sor.u32 s0, s9;
	v10 =	vmul.f32 $2.560000000e+02, v10;
	v6 =	vtrunc.f32 v6;
	[tilespmem:v7+s11+$0x0] =	vst.idx.add.f32.msk $0xffff, v2  }
0x108: {  	v7 =	vadd.s32 v1, v9;
	v6 =	vcvt.f32.s32 v6;
	v9 =	vld [tilespmem:s4+$0x0]  }
0x109: {  	[tilespmem:v5+s11+$0x0] =	vst.idx.add.f32.msk $0xffff, v2;
	v5 =	vtrunc.f32 v10;
	v8 =	vmul.f32 $2.560000000e+02, v8  }
0x10a: {  	v10 =	vld [tilespmem:s15+$0x80];
	v5 =	vcvt.f32.s32 v5;
	v6 =	vadd.s32 v1, v6  }
0x10b: {  	[tilespmem:v4+s11+$0x0] =	vst.idx.add.f32.msk $0xffff, v2;
	v4 =	vtrunc.f32 v8;
	v8 =	vmul.f32 $2.560000000e+02, v11  }
0x10c: {  	v5 =	vadd.s32 v1, v5;
	v11 =	vld [tilespmem:s16+$0x280];
	v4 =	vcvt.f32.s32 v4  }
0x10d: {  	s2 =	sor.u32 s20, s2;
	[tilespmem:v7+s11+$0x0] =	vst.idx.add.f32.msk $0xffff, v2;
	v7 =	vtrunc.f32 v8;
	v8 =	vmul.f32 $2.560000000e+02, v9  }
0x10e: {  	s5 =	simm.s32 $0x3;
	v4 =	vadd.s32 v1, v4;
	v9 =	vld [tilespmem:s2+$0x0];
	v7 =	vcvt.f32.s32 v7  }
0x10f: {  	s6 =	sor.u32 s30, s9;
	s9 =	sand.u32 $0x3, s5;
	v10 =	vmul.f32 $2.560000000e+02, v10;
	[tilespmem:v6+s11+$0x0] =	vst.idx.add.f32.msk $0xffff, v2;
	v6 =	vtrunc.f32 v8  }
0x110: {  	s3 =	sshll.u32 s9, $0x5;
	v7 =	vadd.s32 v1, v7;
	v8 =	vld [tilespmem:s6+$0x0];
	v6 =	vcvt.f32.s32 v6  }
0x111: {  	s2 =	sadd.s32 $0x300, s3;
	v10 =	vtrunc.f32 v10;
	[tilespmem:v5+s11+$0x0] =	vst.idx.add.f32.msk $0xffff, v2;
	v5 =	vmul.f32 $2.560000000e+02, v11  }
0x112: {  	s3 =	sadd.s32 $0x10, s2;
	v10 =	vcvt.f32.s32 v10;
	v11 =	vld [tilespmem:s1+$0x100];
	v6 =	vadd.s32 v1, v6  }
0x113: {  	s16 =	sor.u32 $0x300, s3;
	v5 =	vtrunc.f32 v5;
	[tilespmem:v4+s11+$0x0] =	vst.idx.add.f32.msk $0xffff, v2;
	v4 =	vmul.f32 $2.560000000e+02, v9  }
0x114: {  	s9 =	sor.u32 $0x1100, s21;
	v9 =	vadd.s32 v1, v10;
	v5 =	vcvt.f32.s32 v5;
	v10 =	vld [tilespmem:s16+$0x0]  }
0x115: {  	s4 =	sor.u32 s22, s9;
	v4 =	vtrunc.f32 v4;
	[tilespmem:v7+s11+$0x0] =	vst.idx.add.f32.msk $0xffff, v2;
	v7 =	vmul.f32 $2.560000000e+02, v8  }
0x116: {  	s6 =	sor.u32 $0x1300, s31;
	v5 =	vadd.s32 v1, v5;
	v4 =	vcvt.f32.s32 v4;
	v8 =	vld [tilespmem:s4+$0x0]  }
0x117: {  	s4 =	sor.u32 s0, s6;
	v11 =	vmul.f32 $2.560000000e+02, v11;
	v7 =	vtrunc.f32 v7;
	[tilespmem:v6+s11+$0x0] =	vst.idx.add.f32.msk $0xffff, v2  }
0x118: {  	v4 =	vadd.s32 v1, v4;
	v6 =	vcvt.f32.s32 v7;
	v7 =	vld [tilespmem:s4+$0x0]  }
0x119: {  	[tilespmem:v9+s11+$0x0] =	vst.idx.add.f32.msk $0xffff, v2;
	v9 =	vtrunc.f32 v11;
	v10 =	vmul.f32 $2.560000000e+02, v10  }
0x11a: {  	v11 =	vld [tilespmem:s15+$0x100];
	v9 =	vcvt.f32.s32 v9;
	v6 =	vadd.s32 v1, v6  }
0x11b: {  	s2 =	sor.u32 $0x300, s2;
	[tilespmem:v5+s11+$0x0] =	vst.idx.add.f32.msk $0xffff, v2;
	v5 =	vtrunc.f32 v10;
	v8 =	vmul.f32 $2.560000000e+02, v8  }
0x11c: {  	v9 =	vadd.s32 v1, v9;
	v10 =	vld [tilespmem:s2+$0x0];
	v5 =	vcvt.f32.s32 v5  }
0x11d: {  	s9 =	sor.u32 s20, s9;
	[tilespmem:v4+s11+$0x0] =	vst.idx.add.f32.msk $0xffff, v2;
	v4 =	vtrunc.f32 v8;
	v7 =	vmul.f32 $2.560000000e+02, v7  }
0x11e: {  	v5 =	vadd.s32 v1, v5;
	v8 =	vld [tilespmem:s9+$0x0];
	v4 =	vcvt.f32.s32 v4  }
0x11f: {  	s4 =	sor.u32 s30, s6;
	v11 =	vmul.f32 $2.560000000e+02, v11;
	[tilespmem:v6+s11+$0x0] =	vst.idx.add.f32.msk $0xffff, v2;
	v6 =	vtrunc.f32 v7  }
0x120: {  	v4 =	vadd.s32 v1, v4;
	v7 =	vld [tilespmem:s4+$0x0];
	v6 =	vcvt.f32.s32 v6  }
0x121: {  	v11 =	vtrunc.f32 v11;
	[tilespmem:v9+s11+$0x0] =	vst.idx.add.f32.msk $0xffff, v2;
	v9 =	vmul.f32 $2.560000000e+02, v10  }
0x122: {  	v10 =	vcvt.f32.s32 v11;
	v11 =	vld [tilespmem:s1+$0x180];
	v6 =	vadd.s32 v1, v6  }
0x123: {  	s6 =	sor.u32 $0x380, s3;
	v9 =	vtrunc.f32 v9;
	[tilespmem:v5+s11+$0x0] =	vst.idx.add.f32.msk $0xffff, v2;
	v8 =	vmul.f32 $2.560000000e+02, v8  }
0x124: {  	s9 =	sor.u32 $0x1180, s21;
	v5 =	vadd.s32 v1, v10;
	v9 =	vcvt.f32.s32 v9;
	v12 =	vld [tilespmem:s6+$0x0]  }
0x125: {  	s4 =	sor.u32 s22, s9;
	[tilespmem:v4+s11+$0x0] =	vst.idx.add.f32.msk $0xffff, v2;
	v4 =	vmul.f32 $2.560000000e+02, v7;
	v8 =	vtrunc.f32 v8  }
0x126: {  	v3 =	vmul.f32 $2.560000000e+02, v3;
	s6 =	sor.u32 $0x1380, s31;
	v7 =	vadd.s32 v1, v9;
	v13 =	vld [tilespmem:s4+$0x0];
	v8 =	vcvt.f32.s32 v8  }
0x127: {  	s0 =	sor.u32 s0, s6;
	[tilespmem:v6+s11+$0x0] =	vst.idx.add.f32.msk $0xffff, v2;
	v6 =	vtrunc.f32 v4;
	v9 =	vmul.f32 $2.560000000e+02, v11  }
0x128: {  	v3 =	vtrunc.f32 v3;
	v4 =	vld [tilespmem:s0+$0x0];
	v14 =	vcvt.f32.s32 v6;
	v6 =	vadd.s32 v1, v8  }
0x129: {  	v3 =	vcvt.f32.s32 v3;
	[tilespmem:v5+s11+$0x0] =	vst.idx.add.f32.msk $0xffff, v2;
	v5 =	vtrunc.f32 v9  }
0x12a: {  	s16 =	sor.u32 s8, s7;
	v10 =	vld [tilespmem:s15+$0x180];
	v9 =	vmul.f32 $2.560000000e+02, v12;
	v11 =	vcvt.f32.s32 v5;
	v5 =	vadd.s32 v1, v14  }
0x12b: {  	s8 =	sor.u32 $0x380, s16;
	s9 =	sor.u32 s20, s9;
	s31 =	sor.u32 s14, s13;
	[tilespmem:v7+s11+$0x0] =	vst.idx.add.f32.msk $0xffff, v2  }
0x12c: {  	v3 =	vadd.s32 v1, v3;
	s7 =	sor.u32 $0x380, s31;
	s0 =	sor.u32 s30, s6;
	v9 =	vtrunc.f32 v9;
	v7 =	vmul.f32 $2.560000000e+02, v13;
	v8 =	vld [tilespmem:s8+$0x0];
	s8 =	simm.s32 $0x400  }
.LBB2_5:
0x12d: {  	s13 =	sadd.s32 $0x20, s13;
	v11 =	vadd.s32 v1, v11;
	v9 =	vcvt.f32.s32 v9;
	[tilespmem:v6+s11+$0x0] =	vst.idx.add.f32.msk $0xffff, v2;
	v4 =	vmul.f32 $2.560000000e+02, v4  }
0x12e: {  	s14 =	sadd.s32 $0x100, s14;
	s30 =	sand.u32 $0x60, s13;
	p0 =	slt.u32 s13, $0x1E0;
	v6 =	vld [tilespmem:s9+$0x0];
	v7 =	vtrunc.f32 v7  }
0x12f: {  	s31 =	sand.u32 $0xC00, s14;
	s2 =	sor.u32 s14, s13;
	s16 =	sor.u32 $0x10, s30;
	v9 =	vadd.s32 v1, v9;
	v7 =	vcvt.f32.s32 v7;
	[tilespmem:v5+s11+$0x0] =	vst.idx.add.f32.msk $0xffff, v2;
	v4 =	vtrunc.f32 v4  }
0x130: {  	s9 =	sor.u32 s30, s31;
	s3 =	sor.u32 $0x380, s2;
	v5 =	vmul.f32 $2.560000000e+02, v10;
	s2 =	sor.u32 s16, s31;
	v10 =	vld [tilespmem:s0+$0x0];
	v4 =	vcvt.f32.s32 v4  }
0x131: {  	v12 =	vld [tilespmem:s2+$0x0];
	v8 =	vmul.f32 $2.560000000e+02, v8;
	v7 =	vadd.s32 v1, v7  }
0x132: {  	v5 =	vtrunc.f32 v5;
	[tilespmem:v11+s11+$0x0] =	vst.idx.add.f32.msk $0xffff, v2;
	v4 =	vadd.s32 v1, v4  }
0x133: {  	s0 =	sor.u32 $0x1000, s25;
	v5 =	vcvt.f32.s32 v5;
	v11 =	vld [tilespmem:s1+$0x200];
	v8 =	vtrunc.f32 v8  }
0x134: {  	s4 =	sor.u32 s23, s0;
	s0 =	sor.u32 s24, s0;
	v6 =	vmul.f32 $2.560000000e+02, v6;
	v8 =	vcvt.f32.s32 v8;
	[tilespmem:v9+s11+$0x0] =	vst.idx.add.f32.msk $0xffff, v2  }
0x135: {  	v5 =	vadd.s32 v1, v5;
	v9 =	vld [tilespmem:s0+$0x0];
	v10 =	vmul.f32 $2.560000000e+02, v10  }
0x136: {  	v6 =	vtrunc.f32 v6;
	s0 =	sor.u32 $0x1200, s21;
	v8 =	vadd.s32 v1, v8;
	[tilespmem:v7+s11+$0x0] =	vst.idx.add.f32.msk $0xffff, v2  }
0x137: {  	v7 =	vmul.f32 $2.560000000e+02, v12;
	v6 =	vcvt.f32.s32 v6;
	s6 =	sor.u32 s20, s0;
	s0 =	sor.u32 s22, s0;
	[tilespmem:v4+s11+$0x0] =	vst.idx.add.f32.msk $0xffff, v2  }
0x138: {  	v10 =	vtrunc.f32 v10;
	v4 =	vld [tilespmem:s0+$0x0]  }
0x139: {  	v7 =	vtrunc.f32 v7;
	v11 =	vmul.f32 $2.560000000e+02, v11;
	v6 =	vadd.s32 v1, v6;
	v12 =	vld [tilespmem:s9+$0x0]  }
0x13a: {  	v7 =	vcvt.f32.s32 v7;
	[tilespmem:v5+s11+$0x0] =	vst.idx.add.f32.msk $0xffff, v2;
	v5 =	vcvt.f32.s32 v10  }
0x13b: {  	v11 =	vtrunc.f32 v11;
	v9 =	vmul.f32 $2.560000000e+02, v9;
	v10 =	vld [tilespmem:s15+$0x200]  }
0x13c: {  	v7 =	vadd.s32 v1, v7;
	v11 =	vcvt.f32.s32 v11;
	[tilespmem:v8+s11+$0x0] =	vst.idx.add.f32.msk $0xffff, v2;
	v5 =	vadd.s32 v1, v5  }
0x13d: {  	v9 =	vtrunc.f32 v9;
	v8 =	vld [tilespmem:s4+$0x0];
	v4 =	vmul.f32 $2.560000000e+02, v4  }
0x13e: {  	v11 =	vadd.s32 v1, v11;
	v9 =	vcvt.f32.s32 v9;
	v12 =	vmul.f32 $2.560000000e+02, v12;
	[tilespmem:v6+s11+$0x0] =	vst.idx.add.f32.msk $0xffff, v2  }
0x13f: {  	v6 =	vld [tilespmem:s6+$0x0];
	v4 =	vtrunc.f32 v4  }
0x140: {  	v9 =	vadd.s32 v1, v9;
	v12 =	vtrunc.f32 v12;
	v4 =	vcvt.f32.s32 v4;
	[tilespmem:v3+s11+$0x0] =	vst.idx.add.f32.msk $0xffff, v2;
	v3 =	vmovc v5  }
0x141: {  	v5 =	vcvt.f32.s32 v12;
	[tilespmem:v7+s11+$0x0] =	vst.idx.add.f32.msk $0xffff, v2;
	v7 =	vmul.f32 $2.560000000e+02, v10  }
0x142: {  	v10 =	vld [tilespmem:s2+$0x80];
	v8 =	vmul.f32 $2.560000000e+02, v8;
	v4 =	vadd.s32 v1, v4  }
0x143: {  	v5 =	vadd.s32 v1, v5;
	v7 =	vtrunc.f32 v7;
	[tilespmem:v11+s11+$0x0] =	vst.idx.add.f32.msk $0xffff, v2  }
0x144: {  	s0 =	sor.u32 $0x1080, s25;
	v7 =	vcvt.f32.s32 v7;
	v11 =	vld [tilespmem:s1+$0x280];
	v8 =	vtrunc.f32 v8;
	s1 =	smov.u32 s2  }
0x145: {  	s2 =	sor.u32 s23, s0;
	s0 =	sor.u32 s24, s0;
	v6 =	vmul.f32 $2.560000000e+02, v6;
	v8 =	vcvt.f32.s32 v8;
	[tilespmem:v9+s11+$0x0] =	vst.idx.add.f32.msk $0xffff, v2  }
0x146: {  	v7 =	vadd.s32 v1, v7;
	v9 =	vld [tilespmem:s0+$0x0];
	s0 =	sor.u32 $0x1280, s21  }
0x147: {  	v6 =	vtrunc.f32 v6;
	v10 =	vmul.f32 $2.560000000e+02, v10;
	v8 =	vadd.s32 v1, v8;
	s4 =	sor.u32 s20, s0;
	[tilespmem:v4+s11+$0x0] =	vst.idx.add.f32.msk $0xffff, v2;
	s0 =	sor.u32 s22, s0  }
0x148: {  	v4 =	vcvt.f32.s32 v6;
	v6 =	vld [tilespmem:s0+$0x0]  }
0x149: {  	[tilespmem:v5+s11+$0x0] =	vst.idx.add.f32.msk $0xffff, v2;
	v5 =	vtrunc.f32 v10;
	v10 =	vmul.f32 $2.560000000e+02, v11  }
0x14a: {  	v4 =	vadd.s32 v1, v4;
	v11 =	vld [tilespmem:s9+$0x80];
	v5 =	vcvt.f32.s32 v5  }
0x14b: {  	[tilespmem:v7+s11+$0x0] =	vst.idx.add.f32.msk $0xffff, v2;
	v7 =	vtrunc.f32 v10;
	v9 =	vmul.f32 $2.560000000e+02, v9  }
0x14c: {  	v5 =	vadd.s32 v1, v5;
	v10 =	vld [tilespmem:s15+$0x280];
	v7 =	vcvt.f32.s32 v7;
	s15 =	smov.u32 s9  }
0x14d: {  	[tilespmem:v8+s11+$0x0] =	vst.idx.add.f32.msk $0xffff, v2;
	v8 =	vtrunc.f32 v9;
	v6 =	vmul.f32 $2.560000000e+02, v6  }
0x14e: {  	s5 =	sadd.s32 $0x1, s5;
	v7 =	vadd.s32 v1, v7;
	v9 =	vld [tilespmem:s2+$0x0];
	v8 =	vcvt.f32.s32 v8  }
0x14f: {  	s0 =	sand.u32 $0x3, s5;
	v11 =	vmul.f32 $2.560000000e+02, v11;
	[tilespmem:v4+s11+$0x0] =	vst.idx.add.f32.msk $0xffff, v2;
	v4 =	vtrunc.f32 v6  }
0x150: {  	s0 =	sshll.u32 s0, $0x5;
	v6 =	vadd.s32 v1, v8;
	v8 =	vld [tilespmem:s4+$0x0];
	v4 =	vcvt.f32.s32 v4  }
0x151: {  	s0 =	sadd.s32 s0, s8;
	s8 =	smov.u32 s14;
	v11 =	vtrunc.f32 v11;
	[tilespmem:v5+s11+$0x0] =	vst.idx.add.f32.msk $0xffff, v2;
	v5 =	vmul.f32 $2.560000000e+02, v10  }
0x152: {  	s2 =	sor.u32 $0x300, s0;
	s0 =	sadd.s32 $0x10, s0;
	v10 =	vcvt.f32.s32 v11;
	v11 =	vld [tilespmem:s1+$0x100];
	v4 =	vadd.s32 v1, v4  }
0x153: {  	s4 =	sor.u32 $0x300, s0;
	v5 =	vtrunc.f32 v5;
	[tilespmem:v7+s11+$0x0] =	vst.idx.add.f32.msk $0xffff, v2;
	v7 =	vmul.f32 $2.560000000e+02, v9  }
0x154: {  	v9 =	vadd.s32 v1, v10;
	v5 =	vcvt.f32.s32 v5;
	v10 =	vld [tilespmem:s4+$0x0];
	s4 =	sor.u32 $0x1100, s25  }
0x155: {  	v7 =	vtrunc.f32 v7;
	s6 =	sor.u32 s23, s4;
	[tilespmem:v6+s11+$0x0] =	vst.idx.add.f32.msk $0xffff, v2;
	s4 =	sor.u32 s24, s4;
	v6 =	vmul.f32 $2.560000000e+02, v8  }
0x156: {  	v5 =	vadd.s32 v1, v5;
	v7 =	vcvt.f32.s32 v7;
	v8 =	vld [tilespmem:s4+$0x0];
	s4 =	sor.u32 $0x1300, s21  }
0x157: {  	v11 =	vmul.f32 $2.560000000e+02, v11;
	v6 =	vtrunc.f32 v6;
	s9 =	sor.u32 s20, s4;
	[tilespmem:v4+s11+$0x0] =	vst.idx.add.f32.msk $0xffff, v2;
	s4 =	sor.u32 s22, s4  }
0x158: {  	v4 =	vadd.s32 v1, v7;
	v6 =	vcvt.f32.s32 v6;
	v7 =	vld [tilespmem:s4+$0x0]  }
0x159: {  	[tilespmem:v9+s11+$0x0] =	vst.idx.add.f32.msk $0xffff, v2;
	v9 =	vtrunc.f32 v11;
	v10 =	vmul.f32 $2.560000000e+02, v10  }
0x15a: {  	v11 =	vld [tilespmem:s15+$0x100];
	v9 =	vcvt.f32.s32 v9;
	v6 =	vadd.s32 v1, v6  }
0x15b: {  	[tilespmem:v5+s11+$0x0] =	vst.idx.add.f32.msk $0xffff, v2;
	v5 =	vtrunc.f32 v10;
	v8 =	vmul.f32 $2.560000000e+02, v8  }
0x15c: {  	v9 =	vadd.s32 v1, v9;
	v10 =	vld [tilespmem:s2+$0x0];
	v5 =	vcvt.f32.s32 v5  }
0x15d: {  	[tilespmem:v4+s11+$0x0] =	vst.idx.add.f32.msk $0xffff, v2;
	v4 =	vtrunc.f32 v8;
	v7 =	vmul.f32 $2.560000000e+02, v7  }
0x15e: {  	v5 =	vadd.s32 v1, v5;
	v8 =	vld [tilespmem:s6+$0x0];
	v4 =	vcvt.f32.s32 v4  }
0x15f: {  	v11 =	vmul.f32 $2.560000000e+02, v11;
	[tilespmem:v6+s11+$0x0] =	vst.idx.add.f32.msk $0xffff, v2;
	v6 =	vtrunc.f32 v7  }
0x160: {  	v4 =	vadd.s32 v1, v4;
	v7 =	vld [tilespmem:s9+$0x0];
	v6 =	vcvt.f32.s32 v6  }
0x161: {  	v11 =	vtrunc.f32 v11;
	[tilespmem:v9+s11+$0x0] =	vst.idx.add.f32.msk $0xffff, v2;
	v9 =	vmul.f32 $2.560000000e+02, v10  }
0x162: {  	v10 =	vcvt.f32.s32 v11;
	v11 =	vld [tilespmem:s1+$0x180];
	v6 =	vadd.s32 v1, v6  }
0x163: {  	s0 =	sor.u32 $0x380, s0;
	v9 =	vtrunc.f32 v9;
	[tilespmem:v5+s11+$0x0] =	vst.idx.add.f32.msk $0xffff, v2;
	v5 =	vmul.f32 $2.560000000e+02, v8  }
0x164: {  	v8 =	vadd.s32 v1, v10;
	v9 =	vcvt.f32.s32 v9;
	v12 =	vld [tilespmem:s0+$0x0];
	s0 =	sor.u32 $0x1180, s25  }
0x165: {  	v5 =	vtrunc.f32 v5;
	s9 =	sor.u32 s23, s0;
	[tilespmem:v4+s11+$0x0] =	vst.idx.add.f32.msk $0xffff, v2;
	s0 =	sor.u32 s24, s0;
	v4 =	vmul.f32 $2.560000000e+02, v7  }
0x166: {  	s2 =	sor.u32 $0x1380, s21;
	s21 =	smov.u32 s25;
	s25 =	smov.u32 s29;
	v7 =	vadd.s32 v1, v9;
	v5 =	vcvt.f32.s32 v5;
	v13 =	vld [tilespmem:s0+$0x0]  }
0x167: {  	s0 =	sor.u32 s20, s2;
	s2 =	sor.u32 s22, s2;
	s20 =	smov.u32 s23;
	v4 =	vtrunc.f32 v4;
	[tilespmem:v6+s11+$0x0] =	vst.idx.add.f32.msk $0xffff, v2  }
.Ltmp1:
0x168: {  	s23 =	smov.u32 s26;
	s26 =	smov.u32 s30;
	v9 =	vmul.f32 $2.560000000e+02, v11;
	v6 =	vadd.s32 v1, v5;
	v5 =	vcvt.f32.s32 v4;
	v4 =	vld [tilespmem:s2+$0x0];
	(pc) =	sbr.rel @p0 .LBB2_5-.Ltmp1, $4  }
0x169: {  	s29 =	smov.u32 s31;
	s22 =	smov.u32 s24;
	s24 =	smov.u32 s28;
	[tilespmem:v8+s11+$0x0] =	vst.idx.add.f32.msk $0xffff, v2  }
0x16a: {  	s28 =	smov.u32 s16;
	v8 =	vtrunc.f32 v9;
	v9 =	vmul.f32 $2.560000000e+02, v12;
	v10 =	vld [tilespmem:s15+$0x180];
	v5 =	vadd.s32 v1, v5  }
0x16b: {  	v11 =	vcvt.f32.s32 v8;
	[tilespmem:v7+s11+$0x0] =	vst.idx.add.f32.msk $0xffff, v2  }
0x16c: {  	v9 =	vtrunc.f32 v9;
	v7 =	vmul.f32 $2.560000000e+02, v13;
	v8 =	vld [tilespmem:s7+$0x0];
	s7 =	smov.u32 s3  }
0x16d: {  	_ =	sdelay $0x1  }
0x16e: {  	v10 =	vmul.f32 $2.560000000e+02, v10;
	_ =	sdelay $0x1  }
0x16f: {  	v10 =	vtrunc.f32 v10  }
0x170: {  	v11 =	vadd.s32 v1, v11;
	v10 =	vcvt.f32.s32 v10;
	_ =	sdelay $0x1  }
0x171: {  	v10 =	vadd.s32 v1, v10;
	_ =	sdelay $0x2  }
0x172: {  	[tilespmem:v11+s11+$0x0] =	vst.idx.add.f32.msk $0xffff, v2  }
0x173: {  	v11 =	vld [tilespmem:s1+$0x200]  }
0x174: {  	[tilespmem:v10+s11+$0x0] =	vst.idx.add.f32.msk $0xffff, v2  }
0x175: {  	v10 =	vld [tilespmem:s15+$0x200];
	_ =	sdelay $0x2  }
0x176: {  	v11 =	vmul.f32 $2.560000000e+02, v11;
	_ =	sdelay $0x1  }
0x177: {  	v11 =	vtrunc.f32 v11;
	v10 =	vmul.f32 $2.560000000e+02, v10  }
0x178: {  	v11 =	vcvt.f32.s32 v11  }
0x179: {  	v10 =	vtrunc.f32 v10  }
0x17a: {  	v11 =	vadd.s32 v1, v11;
	v10 =	vcvt.f32.s32 v10;
	_ =	sdelay $0x1  }
0x17b: {  	v10 =	vadd.s32 v1, v10;
	_ =	sdelay $0x2  }
0x17c: {  	[tilespmem:v11+s11+$0x0] =	vst.idx.add.f32.msk $0xffff, v2  }
0x17d: {  	v11 =	vld [tilespmem:s1+$0x280]  }
0x17e: {  	[tilespmem:v10+s11+$0x0] =	vst.idx.add.f32.msk $0xffff, v2  }
0x17f: {  	v10 =	vld [tilespmem:s15+$0x280];
	_ =	sdelay $0x2  }
0x180: {  	v11 =	vmul.f32 $2.560000000e+02, v11;
	_ =	sdelay $0x1  }
0x181: {  	v11 =	vtrunc.f32 v11;
	v10 =	vmul.f32 $2.560000000e+02, v10  }
0x182: {  	v11 =	vcvt.f32.s32 v11  }
0x183: {  	v10 =	vtrunc.f32 v10  }
0x184: {  	s2 =	sadd.s32 $0x1, s5;
	v11 =	vadd.s32 v1, v11;
	v10 =	vcvt.f32.s32 v10  }
0x185: {  	s1 =	sand.u32 $0x3, s2  }
0x186: {  	s1 =	sshll.u32 s1, $0x5;
	v10 =	vadd.s32 v1, v10  }
0x187: {  	s1 =	sadd.s32 s1, s8  }
0x188: {  	s2 =	sadd.s32 $0x10, s1  }
0x189: {  	s3 =	sor.u32 $0x300, s2;
	[tilespmem:v11+s11+$0x0] =	vst.idx.add.f32.msk $0xffff, v2  }
0x18a: {  	v11 =	vld [tilespmem:s3+$0x0]  }
0x18b: {  	s1 =	sor.u32 $0x300, s1;
	[tilespmem:v10+s11+$0x0] =	vst.idx.add.f32.msk $0xffff, v2  }
0x18c: {  	v10 =	vld [tilespmem:s1+$0x0];
	_ =	sdelay $0x2  }
0x18d: {  	v11 =	vmul.f32 $2.560000000e+02, v11;
	_ =	sdelay $0x1  }
0x18e: {  	v11 =	vtrunc.f32 v11;
	v10 =	vmul.f32 $2.560000000e+02, v10  }
0x18f: {  	v11 =	vcvt.f32.s32 v11  }
0x190: {  	v10 =	vtrunc.f32 v10  }
0x191: {  	v11 =	vadd.s32 v1, v11;
	v10 =	vcvt.f32.s32 v10;
	_ =	sdelay $0x1  }
0x192: {  	v10 =	vadd.s32 v1, v10;
	_ =	sdelay $0x1  }
0x193: {  	v9 =	vcvt.f32.s32 v9  }
0x194: {  	s3 =	sor.u32 $0x380, s2;
	[tilespmem:v11+s11+$0x0] =	vst.idx.add.f32.msk $0xffff, v2  }
0x195: {  	v9 =	vadd.s32 v1, v9;
	v11 =	vld [tilespmem:s3+$0x0]  }
0x196: {  	[tilespmem:v10+s11+$0x0] =	vst.idx.add.f32.msk $0xffff, v2  }
0x197: {  	v10 =	vld [tilespmem:s7+$0x0]  }
0x198: {  	v8 =	vmul.f32 $2.560000000e+02, v8  }
0x199: {  	s4 =	sor.u32 $0x1000, s25  }
0x19a: {  	s5 =	sor.u32 s24, s4;
	v8 =	vtrunc.f32 v8;
	[tilespmem:v9+s11+$0x0] =	vst.idx.add.f32.msk $0xffff, v2;
	v11 =	vmul.f32 $2.560000000e+02, v11  }
0x19b: {  	v8 =	vcvt.f32.s32 v8;
	v9 =	vld [tilespmem:s5+$0x0]  }
0x19c: {  	v11 =	vtrunc.f32 v11;
	v10 =	vmul.f32 $2.560000000e+02, v10  }
0x19d: {  	v8 =	vadd.s32 v1, v8;
	v11 =	vcvt.f32.s32 v11  }
0x19e: {  	v10 =	vtrunc.f32 v10  }
0x19f: {  	v11 =	vadd.s32 v1, v11;
	v10 =	vcvt.f32.s32 v10  }
0x1a0: {  	v9 =	vmul.f32 $2.560000000e+02, v9  }
0x1a1: {  	v10 =	vadd.s32 v1, v10  }
0x1a2: {  	[tilespmem:v8+s11+$0x0] =	vst.idx.add.f32.msk $0xffff, v2;
	v9 =	vtrunc.f32 v9;
	s1 =	sor.u32 s23, s4  }
0x1a3: {  	s6 =	sor.u32 $0x1000, s29;
	v9 =	vcvt.f32.s32 v9;
	v8 =	vld [tilespmem:s1+$0x0]  }
0x1a4: {  	s7 =	sor.u32 s28, s6;
	[tilespmem:v11+s11+$0x0] =	vst.idx.add.f32.msk $0xffff, v2  }
0x1a5: {  	v9 =	vadd.s32 v1, v9;
	v11 =	vld [tilespmem:s7+$0x0]  }
0x1a6: {  	s1 =	sor.u32 s26, s6;
	[tilespmem:v10+s11+$0x0] =	vst.idx.add.f32.msk $0xffff, v2  }
0x1a7: {  	v10 =	vld [tilespmem:s1+$0x0]  }
0x1a8: {  	v8 =	vmul.f32 $2.560000000e+02, v8  }
0x1a9: {  	s8 =	sor.u32 $0x1080, s25  }
0x1aa: {  	[tilespmem:v9+s11+$0x0] =	vst.idx.add.f32.msk $0xffff, v2;
	s13 =	sor.u32 s24, s8;
	v8 =	vtrunc.f32 v8;
	v11 =	vmul.f32 $2.560000000e+02, v11  }
0x1ab: {  	v9 =	vld [tilespmem:s13+$0x0];
	v8 =	vcvt.f32.s32 v8  }
0x1ac: {  	v11 =	vtrunc.f32 v11;
	v10 =	vmul.f32 $2.560000000e+02, v10  }
0x1ad: {  	v8 =	vadd.s32 v1, v8;
	v11 =	vcvt.f32.s32 v11  }
0x1ae: {  	v10 =	vtrunc.f32 v10  }
0x1af: {  	v11 =	vadd.s32 v1, v11;
	v10 =	vcvt.f32.s32 v10  }
0x1b0: {  	v9 =	vmul.f32 $2.560000000e+02, v9  }
0x1b1: {  	v10 =	vadd.s32 v1, v10  }
0x1b2: {  	v9 =	vtrunc.f32 v9;
	[tilespmem:v8+s11+$0x0] =	vst.idx.add.f32.msk $0xffff, v2;
	s1 =	sor.u32 s23, s8  }
0x1b3: {  	s14 =	sor.u32 $0x1080, s29;
	v9 =	vcvt.f32.s32 v9;
	v8 =	vld [tilespmem:s1+$0x0]  }
0x1b4: {  	s15 =	sor.u32 s28, s14;
	[tilespmem:v11+s11+$0x0] =	vst.idx.add.f32.msk $0xffff, v2  }
0x1b5: {  	v9 =	vadd.s32 v1, v9;
	v11 =	vld [tilespmem:s15+$0x0]  }
0x1b6: {  	s1 =	sor.u32 s26, s14;
	[tilespmem:v10+s11+$0x0] =	vst.idx.add.f32.msk $0xffff, v2  }
0x1b7: {  	v10 =	vld [tilespmem:s1+$0x0]  }
0x1b8: {  	v8 =	vmul.f32 $2.560000000e+02, v8  }
0x1b9: {  	s16 =	sor.u32 $0x1100, s25  }
0x1ba: {  	s30 =	sor.u32 s24, s16;
	[tilespmem:v9+s11+$0x0] =	vst.idx.add.f32.msk $0xffff, v2;
	v8 =	vtrunc.f32 v8;
	v11 =	vmul.f32 $2.560000000e+02, v11  }
0x1bb: {  	v9 =	vld [tilespmem:s30+$0x0];
	v8 =	vcvt.f32.s32 v8  }
0x1bc: {  	v11 =	vtrunc.f32 v11;
	v10 =	vmul.f32 $2.560000000e+02, v10  }
0x1bd: {  	v8 =	vadd.s32 v1, v8;
	v11 =	vcvt.f32.s32 v11  }
0x1be: {  	v10 =	vtrunc.f32 v10  }
0x1bf: {  	v11 =	vadd.s32 v1, v11;
	v10 =	vcvt.f32.s32 v10  }
0x1c0: {  	v9 =	vmul.f32 $2.560000000e+02, v9  }
0x1c1: {  	v10 =	vadd.s32 v1, v10  }
0x1c2: {  	v9 =	vtrunc.f32 v9;
	s1 =	sor.u32 s23, s16;
	[tilespmem:v8+s11+$0x0] =	vst.idx.add.f32.msk $0xffff, v2  }
0x1c3: {  	s31 =	sor.u32 $0x1100, s29;
	v9 =	vcvt.f32.s32 v9;
	v8 =	vld [tilespmem:s1+$0x0]  }
0x1c4: {  	s3 =	sor.u32 s28, s31;
	[tilespmem:v11+s11+$0x0] =	vst.idx.add.f32.msk $0xffff, v2  }
0x1c5: {  	v9 =	vadd.s32 v1, v9;
	v11 =	vld [tilespmem:s3+$0x0]  }
0x1c6: {  	s1 =	sor.u32 s26, s31;
	[tilespmem:v10+s11+$0x0] =	vst.idx.add.f32.msk $0xffff, v2  }
0x1c7: {  	v10 =	vld [tilespmem:s1+$0x0]  }
0x1c8: {  	v8 =	vmul.f32 $2.560000000e+02, v8  }
0x1c9: {  	s4 =	sor.u32 $0x1180, s25  }
0x1ca: {  	s5 =	sor.u32 s24, s4;
	[tilespmem:v9+s11+$0x0] =	vst.idx.add.f32.msk $0xffff, v2;
	v8 =	vtrunc.f32 v8;
	v11 =	vmul.f32 $2.560000000e+02, v11  }
0x1cb: {  	v9 =	vld [tilespmem:s5+$0x0];
	v8 =	vcvt.f32.s32 v8  }
0x1cc: {  	v11 =	vtrunc.f32 v11;
	v10 =	vmul.f32 $2.560000000e+02, v10  }
0x1cd: {  	v8 =	vadd.s32 v1, v8;
	v11 =	vcvt.f32.s32 v11  }
0x1ce: {  	[tilespmem:v6+s11+$0x0] =	vst.idx.add.f32.msk $0xffff, v2;
	v6 =	vtrunc.f32 v10  }
0x1cf: {  	v11 =	vadd.s32 v1, v11;
	v10 =	vld [tilespmem:s9+$0x0];
	v6 =	vcvt.f32.s32 v6  }
0x1d0: {  	v9 =	vmul.f32 $2.560000000e+02, v9  }
0x1d1: {  	v6 =	vadd.s32 v1, v6  }
0x1d2: {  	v9 =	vtrunc.f32 v9;
	s1 =	sor.u32 s23, s4;
	[tilespmem:v8+s11+$0x0] =	vst.idx.add.f32.msk $0xffff, v2  }
0x1d3: {  	s6 =	sor.u32 $0x1180, s29;
	v9 =	vcvt.f32.s32 v9;
	v8 =	vld [tilespmem:s1+$0x0]  }
0x1d4: {  	v7 =	vtrunc.f32 v7;
	s7 =	sor.u32 s28, s6;
	[tilespmem:v11+s11+$0x0] =	vst.idx.add.f32.msk $0xffff, v2;
	v10 =	vmul.f32 $2.560000000e+02, v10  }
0x1d5: {  	v7 =	vcvt.f32.s32 v7;
	v9 =	vadd.s32 v1, v9;
	v11 =	vld [tilespmem:s7+$0x0]  }
0x1d6: {  	s1 =	sor.u32 s26, s6;
	v10 =	vtrunc.f32 v10;
	[tilespmem:v6+s11+$0x0] =	vst.idx.add.f32.msk $0xffff, v2  }
0x1d7: {  	v6 =	vadd.s32 v1, v7;
	v7 =	vcvt.f32.s32 v10;
	v10 =	vld [tilespmem:s1+$0x0]  }
0x1d8: {  	v8 =	vmul.f32 $2.560000000e+02, v8  }
0x1d9: {  	s13 =	sor.u32 $0x1200, s25;
	v7 =	vadd.s32 v1, v7  }
0x1da: {  	[tilespmem:v9+s11+$0x0] =	vst.idx.add.f32.msk $0xffff, v2;
	s14 =	sor.u32 s24, s13;
	v8 =	vtrunc.f32 v8;
	v11 =	vmul.f32 $2.560000000e+02, v11  }
0x1db: {  	s8 =	sor.u32 $0x1200, s21;
	v9 =	vld [tilespmem:s14+$0x0];
	v8 =	vcvt.f32.s32 v8  }
0x1dc: {  	s9 =	sor.u32 s22, s8;
	[tilespmem:v6+s11+$0x0] =	vst.idx.add.f32.msk $0xffff, v2;
	v6 =	vtrunc.f32 v11;
	v10 =	vmul.f32 $2.560000000e+02, v10  }
0x1dd: {  	v8 =	vadd.s32 v1, v8;
	v11 =	vld [tilespmem:s9+$0x0];
	v6 =	vcvt.f32.s32 v6  }
0x1de: {  	s1 =	sor.u32 s20, s8;
	[tilespmem:v7+s11+$0x0] =	vst.idx.add.f32.msk $0xffff, v2;
	v7 =	vtrunc.f32 v10  }
0x1df: {  	v10 =	vld [tilespmem:s1+$0x0];
	v6 =	vadd.s32 v1, v6;
	v7 =	vcvt.f32.s32 v7  }
0x1e0: {  	v9 =	vmul.f32 $2.560000000e+02, v9  }
0x1e1: {  	v7 =	vadd.s32 v1, v7  }
0x1e2: {  	v9 =	vtrunc.f32 v9;
	[tilespmem:v8+s11+$0x0] =	vst.idx.add.f32.msk $0xffff, v2;
	s1 =	sor.u32 s23, s13;
	v11 =	vmul.f32 $2.560000000e+02, v11  }
0x1e3: {  	s15 =	sor.u32 $0x1200, s29;
	v9 =	vcvt.f32.s32 v9;
	v8 =	vld [tilespmem:s1+$0x0]  }
0x1e4: {  	s16 =	sor.u32 s28, s15;
	v11 =	vtrunc.f32 v11;
	v10 =	vmul.f32 $2.560000000e+02, v10;
	[tilespmem:v6+s11+$0x0] =	vst.idx.add.f32.msk $0xffff, v2  }
0x1e5: {  	v9 =	vadd.s32 v1, v9;
	v6 =	vcvt.f32.s32 v11;
	v11 =	vld [tilespmem:s16+$0x0]  }
0x1e6: {  	s1 =	sor.u32 s26, s15;
	v10 =	vtrunc.f32 v10;
	[tilespmem:v7+s11+$0x0] =	vst.idx.add.f32.msk $0xffff, v2  }
0x1e7: {  	v6 =	vadd.s32 v1, v6;
	v7 =	vcvt.f32.s32 v10;
	v10 =	vld [tilespmem:s1+$0x0]  }
0x1e8: {  	v8 =	vmul.f32 $2.560000000e+02, v8  }
0x1e9: {  	s3 =	sor.u32 $0x1280, s25;
	v7 =	vadd.s32 v1, v7  }
0x1ea: {  	[tilespmem:v9+s11+$0x0] =	vst.idx.add.f32.msk $0xffff, v2;
	s4 =	sor.u32 s24, s3;
	v8 =	vtrunc.f32 v8;
	v11 =	vmul.f32 $2.560000000e+02, v11  }
0x1eb: {  	s30 =	sor.u32 $0x1280, s21;
	v9 =	vld [tilespmem:s4+$0x0];
	v8 =	vcvt.f32.s32 v8  }
0x1ec: {  	s31 =	sor.u32 s22, s30;
	[tilespmem:v6+s11+$0x0] =	vst.idx.add.f32.msk $0xffff, v2;
	v6 =	vtrunc.f32 v11;
	v10 =	vmul.f32 $2.560000000e+02, v10  }
0x1ed: {  	v8 =	vadd.s32 v1, v8;
	v11 =	vld [tilespmem:s31+$0x0];
	v6 =	vcvt.f32.s32 v6  }
0x1ee: {  	s1 =	sor.u32 s20, s30;
	[tilespmem:v7+s11+$0x0] =	vst.idx.add.f32.msk $0xffff, v2;
	v7 =	vtrunc.f32 v10  }
0x1ef: {  	v10 =	vld [tilespmem:s1+$0x0];
	v6 =	vadd.s32 v1, v6;
	v7 =	vcvt.f32.s32 v7  }
0x1f0: {  	v9 =	vmul.f32 $2.560000000e+02, v9  }
0x1f1: {  	v7 =	vadd.s32 v1, v7  }
0x1f2: {  	v9 =	vtrunc.f32 v9;
	s1 =	sor.u32 s23, s3;
	[tilespmem:v8+s11+$0x0] =	vst.idx.add.f32.msk $0xffff, v2;
	v11 =	vmul.f32 $2.560000000e+02, v11  }
0x1f3: {  	s5 =	sor.u32 $0x1280, s29;
	v9 =	vcvt.f32.s32 v9;
	v8 =	vld [tilespmem:s1+$0x0]  }
0x1f4: {  	s6 =	sor.u32 s28, s5;
	v11 =	vtrunc.f32 v11;
	v10 =	vmul.f32 $2.560000000e+02, v10;
	[tilespmem:v6+s11+$0x0] =	vst.idx.add.f32.msk $0xffff, v2  }
0x1f5: {  	v9 =	vadd.s32 v1, v9;
	v6 =	vcvt.f32.s32 v11;
	v11 =	vld [tilespmem:s6+$0x0]  }
0x1f6: {  	s1 =	sor.u32 s26, s5;
	v10 =	vtrunc.f32 v10;
	[tilespmem:v7+s11+$0x0] =	vst.idx.add.f32.msk $0xffff, v2  }
0x1f7: {  	v6 =	vadd.s32 v1, v6;
	v7 =	vcvt.f32.s32 v10;
	v10 =	vld [tilespmem:s1+$0x0]  }
0x1f8: {  	v8 =	vmul.f32 $2.560000000e+02, v8  }
0x1f9: {  	s9 =	sor.u32 $0x1300, s25;
	v7 =	vadd.s32 v1, v7  }
0x1fa: {  	[tilespmem:v9+s11+$0x0] =	vst.idx.add.f32.msk $0xffff, v2;
	s13 =	sor.u32 s24, s9;
	v8 =	vtrunc.f32 v8;
	v11 =	vmul.f32 $2.560000000e+02, v11  }
0x1fb: {  	s7 =	sor.u32 $0x1300, s21;
	v9 =	vld [tilespmem:s13+$0x0];
	v8 =	vcvt.f32.s32 v8  }
0x1fc: {  	s8 =	sor.u32 s22, s7;
	[tilespmem:v6+s11+$0x0] =	vst.idx.add.f32.msk $0xffff, v2;
	v6 =	vtrunc.f32 v11;
	v10 =	vmul.f32 $2.560000000e+02, v10  }
0x1fd: {  	v8 =	vadd.s32 v1, v8;
	v11 =	vld [tilespmem:s8+$0x0];
	v6 =	vcvt.f32.s32 v6  }
0x1fe: {  	s1 =	sor.u32 s20, s7;
	[tilespmem:v7+s11+$0x0] =	vst.idx.add.f32.msk $0xffff, v2;
	v7 =	vtrunc.f32 v10  }
0x1ff: {  	v10 =	vld [tilespmem:s1+$0x0];
	v6 =	vadd.s32 v1, v6;
	v7 =	vcvt.f32.s32 v7  }
0x200: {  	v9 =	vmul.f32 $2.560000000e+02, v9  }
0x201: {  	v7 =	vadd.s32 v1, v7  }
0x202: {  	v9 =	vtrunc.f32 v9;
	s1 =	sor.u32 s23, s9;
	[tilespmem:v8+s11+$0x0] =	vst.idx.add.f32.msk $0xffff, v2;
	v11 =	vmul.f32 $2.560000000e+02, v11  }
0x203: {  	s14 =	sor.u32 $0x1300, s29;
	v9 =	vcvt.f32.s32 v9;
	v8 =	vld [tilespmem:s1+$0x0]  }
0x204: {  	s15 =	sor.u32 s28, s14;
	v11 =	vtrunc.f32 v11;
	v10 =	vmul.f32 $2.560000000e+02, v10;
	[tilespmem:v6+s11+$0x0] =	vst.idx.add.f32.msk $0xffff, v2  }
0x205: {  	v6 =	vcvt.f32.s32 v11;
	v11 =	vld [tilespmem:s15+$0x0]  }
0x206: {  	v9 =	vadd.s32 v1, v9;
	s1 =	sor.u32 s26, s14;
	v10 =	vtrunc.f32 v10;
	[tilespmem:v7+s11+$0x0] =	vst.idx.add.f32.msk $0xffff, v2  }
0x207: {  	v6 =	vadd.s32 v1, v6;
	v7 =	vcvt.f32.s32 v10;
	v10 =	vld [tilespmem:s1+$0x0]  }
0x208: {  	v8 =	vmul.f32 $2.560000000e+02, v8  }
0x209: {  	v7 =	vadd.s32 v1, v7  }
0x20a: {  	[tilespmem:v5+s11+$0x0] =	vst.idx.add.f32.msk $0xffff, v2;
	s16 =	sor.u32 $0x1380, s21;
	v5 =	vtrunc.f32 v8;
	v8 =	vmul.f32 $2.560000000e+02, v11  }
0x20b: {  	s21 =	sor.u32 s22, s16;
	s22 =	sor.u32 $0x1380, s25;
	[tilespmem:v9+s11+$0x0] =	vst.idx.add.f32.msk $0xffff, v2;
	v5 =	vcvt.f32.s32 v5  }
0x20c: {  	s24 =	sor.u32 s24, s22;
	[tilespmem:v6+s11+$0x0] =	vst.idx.add.f32.msk $0xffff, v2;
	v6 =	vtrunc.f32 v8;
	v8 =	vmul.f32 $2.560000000e+02, v10  }
0x20d: {  	v9 =	vld [tilespmem:s24+$0x0];
	v5 =	vadd.s32 v1, v5;
	v6 =	vcvt.f32.s32 v6  }
0x20e: {  	[tilespmem:v7+s11+$0x0] =	vst.idx.add.f32.msk $0xffff, v2;
	v7 =	vtrunc.f32 v8  }
0x20f: {  	v11 =	vld [tilespmem:s0+$0x0];
	v6 =	vadd.s32 v1, v6;
	v7 =	vcvt.f32.s32 v7  }
0x210: {  	s0 =	sor.u32 s20, s16;
	v10 =	vld [tilespmem:s21+$0x0]  }
0x211: {  	v8 =	vld [tilespmem:s0+$0x0];
	v7 =	vadd.s32 v1, v7  }
0x212: {  	v4 =	vmul.f32 $2.560000000e+02, v4;
	s0 =	sor.u32 s23, s22;
	[tilespmem:v5+s11+$0x0] =	vst.idx.add.f32.msk $0xffff, v2  }
0x213: {  	s25 =	sor.u32 $0x1380, s29;
	v5 =	vld [tilespmem:s0+$0x0]  }
0x214: {  	v4 =	vtrunc.f32 v4;
	s29 =	sor.u32 s28, s25;
	v11 =	vmul.f32 $2.560000000e+02, v11;
	[tilespmem:v6+s11+$0x0] =	vst.idx.add.f32.msk $0xffff, v2  }
0x215: {  	v9 =	vmul.f32 $2.560000000e+02, v9;
	v6 =	vmul.f32 $2.560000000e+02, v10;
	v10 =	vld [tilespmem:s29+$0x0]  }
0x216: {  	v4 =	vcvt.f32.s32 v4;
	s0 =	sor.u32 s26, s25;
	v11 =	vtrunc.f32 v11;
	[tilespmem:v7+s11+$0x0] =	vst.idx.add.f32.msk $0xffff, v2  }
0x217: {  	v9 =	vtrunc.f32 v9;
	v7 =	vcvt.f32.s32 v11;
	v11 =	vld [tilespmem:s0+$0x0]  }
0x218: {  	v9 =	vcvt.f32.s32 v9;
	v8 =	vmul.f32 $2.560000000e+02, v8  }
0x219: {  	v4 =	vadd.s32 v1, v4;
	v5 =	vmul.f32 $2.560000000e+02, v5;
	v6 =	vtrunc.f32 v6  }
0x21a: {  	v8 =	vtrunc.f32 v8;
	v6 =	vcvt.f32.s32 v6  }
0x21b: {  	v9 =	vadd.s32 v1, v9;
	v8 =	vcvt.f32.s32 v8;
	v10 =	vmul.f32 $2.560000000e+02, v10  }
0x21c: {  	v5 =	vtrunc.f32 v5;
	v6 =	vadd.s32 v1, v6;
	v11 =	vmul.f32 $2.560000000e+02, v11  }
0x21d: {  	v5 =	vcvt.f32.s32 v5;
	v7 =	vadd.s32 v1, v7;
	v10 =	vtrunc.f32 v10  }
0x21e: {  	[tilespmem:v4+s11+$0x0] =	vst.idx.add.f32.msk $0xffff, v2;
	v4 =	vadd.s32 v1, v8;
	v10 =	vcvt.f32.s32 v10;
	v8 =	vtrunc.f32 v11  }
0x21f: {  	[tilespmem:v3+s11+$0x0] =	vst.idx.add.f32.msk $0xffff, v2;
	v5 =	vadd.s32 v1, v5;
	v8 =	vcvt.f32.s32 v8  }
0x220: {  	[tilespmem:v9+s11+$0x0] =	vst.idx.add.f32.msk $0xffff, v2;
	v3 =	vadd.s32 v1, v10  }
0x221: {  	[tilespmem:v6+s11+$0x0] =	vst.idx.add.f32.msk $0xffff, v2;
	v6 =	vadd.s32 v1, v8  }
0x222: {  	[tilespmem:v7+s11+$0x0] =	vst.idx.add.f32.msk $0xffff, v2  }
0x223: {  	[tilespmem:v4+s11+$0x0] =	vst.idx.add.f32.msk $0xffff, v2  }
0x224: {  	[tilespmem:v5+s11+$0x0] =	vst.idx.add.f32.msk $0xffff, v2  }
0x225: {  	[tilespmem:v3+s11+$0x0] =	vst.idx.add.f32.msk $0xffff, v2  }
0x226: {  	s1 =	simm.s32 $0x4810;
	[tilespmem:v6+s11+$0x0] =	vst.idx.add.f32.msk $0xffff, v2  }
0x227: {  	v6 =	vld [tilespmem:s1+$0x700]  }
0x228: {  	v7 =	vld [tilespmem:s1+$0x600]  }
0x229: {  	v8 =	vld [tilespmem:s1+$0x500]  }
0x22a: {  	v9 =	vld [tilespmem:s1+$0x400]  }
0x22b: {  	v10 =	vld [tilespmem:s1+$0x300]  }
0x22c: {  	v11 =	vld [tilespmem:s1+$0x200]  }
0x22d: {  	[tilespmem:s1+$0x700] =	vst v0;
	v12 =	vld [tilespmem:s1+$0x100]  }
0x22e: {  	[tilespmem:s1+$0x600] =	vst v0;
	v13 =	vld [tilespmem:s1+$0x0]  }
0x22f: {  	[tilespmem:s1+$0x500] =	vst v0;
	v14 =	vld [tilespmem:s1+$0xFFFFFF00]  }
0x230: {  	[tilespmem:s1+$0x400] =	vst v0;
	v15 =	vld [tilespmem:s1+$0xFFFFFE00]  }
0x231: {  	[tilespmem:s1+$0x300] =	vst v0;
	v16 =	vld [tilespmem:s1+$0xFFFFFD00]  }
0x232: {  	v17 =	vld [tilespmem:s1+$0xFFFFFC00];
	[tilespmem:s1+$0x200] =	vst v0  }
0x233: {  	v18 =	vld [tilespmem:s1+$0xFFFFFB00];
	[tilespmem:s1+$0x100] =	vst v0  }
0x234: {  	v19 =	vld [tilespmem:s1+$0xFFFFFA00];
	[tilespmem:s1+$0x0] =	vst v0  }
0x235: {  	s3 =	simm.s32 $0x0;
	v3 =	vld [tilespmem:s1+$0xFFFFF7F0];
	[tilespmem:s1+$0xFFFFF7F0] =	vst v0  }
0x236: {  	s31 =	sand.u32 $0x80, s3;
	s4 =	sand.u32 $0x60, s3;
	v20 =	vld [tilespmem:s1+$0xFFFFF900];
	[tilespmem:s1+$0xFFFFFF00] =	vst v0  }
0x237: {  	s5 =	sor.u32 s4, s31;
	[tilespmem:s1+$0xFFFFFA00] =	vst v0;
	v27 =	vld [tilespmem:s1+$0xFFFFF800]  }
0x238: {  	[tilespmem:s1+$0xFFFFFB00] =	vst v0;
	v21 =	vld [tilespmem:s5+$0x4F00]  }
0x239: {  	[tilespmem:s1+$0xFFFFF800] =	vst v0;
	v22 =	vld [tilespmem:s5+$0x4E00]  }
0x23a: {  	[tilespmem:s1+$0xFFFFF900] =	vst v0;
	v23 =	vld [tilespmem:s5+$0x4700];
	v6 =	vadd.f32 v6, v7;
	v8 =	vadd.f32 v8, v9  }
0x23b: {  	[tilespmem:s1+$0xFFFFFE00] =	vst v0;
	v24 =	vld [tilespmem:s5+$0x4600];
	v10 =	vadd.f32 v10, v11;
	v11 =	vadd.f32 v12, v13  }
0x23c: {  	[tilespmem:s1+$0xFFFFFD00] =	vst v0;
	v25 =	vld [tilespmem:s5+$0x4400];
	v12 =	vadd.f32 v14, v15;
	v13 =	vadd.f32 v16, v17  }
0x23d: {  	[tilespmem:s1+$0xFFFFFC00] =	vst v0;
	v26 =	vld [tilespmem:s5+$0x4500];
	v14 =	vadd.f32 v18, v19;
	v15 =	vadd.f32 v20, v27  }
0x23e: {  	[tilespmem:s5+$0x4500] =	vst v0;
	v5 =	vld [tilespmem:s5+$0x4B00];
	v11 =	vadd.f32 v10, v11;
	v12 =	vadd.f32 v12, v13  }
0x23f: {  	v4 =	vld [tilespmem:s5+$0x4300];
	[tilespmem:s5+$0x4B00] =	vst v0;
	v13 =	vadd.f32 v14, v15;
	v6 =	vadd.f32 v6, v8  }
0x240: {  	s30 =	sshll.u32 s18, $0x9;
	[tilespmem:s5+$0x4300] =	vst v0;
	v7 =	vld [tilespmem:s5+$0x4D00]  }
0x241: {  	s0 =	sand.u32 $0x3FFFFE00, s30;
	v9 =	vld [tilespmem:s5+$0x4A00];
	[tilespmem:s5+$0x4D00] =	vst v0;
	v14 =	vadd.f32 v12, v13;
	v15 =	vadd.f32 v6, v11  }
0x242: {  	s6 =	simm.s32 $0x10;
	s0 =	sadd.s32 $0x5000, s0;
	[tilespmem:s5+$0x4A00] =	vst v0;
	v10 =	vld [tilespmem:s5+$0x4900]  }
0x243: {  	s6 =	sand.u32 $0x70, s6;
	s2 =	sadd.s32 s31, s0;
	[tilespmem:s5+$0x4900] =	vst v0;
	v8 =	vadd.f32 v23, v24;
	v12 =	vld [tilespmem:s5+$0x4C00];
	v14 =	vadd.f32 v15, v14  }
0x244: {  	s7 =	sadd.s32 s4, s2;
	s2 =	sadd.s32 s6, s2;
	v6 =	vadd.f32 v21, v22;
	v13 =	vld [tilespmem:s5+$0x4800];
	v11 =	vadd.f32 v26, v25;
	[tilespmem:s5+$0x4C00] =	vst v0  }
.LBB2_7:
0x245: {  	v15 =	vld [tilespmem:s5+$0x4200];
	[tilespmem:s2+$0x0] =	vst v14;
	s1 =	sadd.s32 $0x20, s1;
	s8 =	smov.u32 s3;
	s3 =	sadd.s32 $0x20, s3  }
0x246: {  	s2 =	sand.u32 $0x80, s3;
	s13 =	sand.u32 $0x60, s3;
	p0 =	slt.u32 s3, $0xE0;
	v14 =	vld [tilespmem:s5+$0x4100];
	[tilespmem:s5+$0x4400] =	vst v0  }
0x247: {  	v5 =	vadd.f32 v5, v9;
	s9 =	sadd.s32 s2, s0;
	[tilespmem:s5+$0x4200] =	vst v0  }
0x248: {  	s4 =	sadd.s32 s13, s9;
	[tilespmem:s5+$0x4100] =	vst v0;
	v7 =	vadd.f32 v7, v12  }
0x249: {  	v9 =	vld [tilespmem:s1+$0x700];
	[tilespmem:s5+$0x4600] =	vst v0;
	v10 =	vadd.f32 v10, v13  }
0x24a: {  	v12 =	vld [tilespmem:s1+$0x600];
	[tilespmem:s5+$0x4700] =	vst v0;
	v4 =	vadd.f32 v4, v15  }
0x24b: {  	v6 =	vadd.f32 v6, v7;
	v13 =	vld [tilespmem:s1+$0x500];
	[tilespmem:s5+$0x4E00] =	vst v0;
	v3 =	vadd.f32 v14, v3  }
0x24c: {  	v8 =	vadd.f32 v8, v11;
	v5 =	vadd.f32 v5, v10;
	v7 =	vld [tilespmem:s1+$0x400];
	[tilespmem:s5+$0x4F00] =	vst v0  }
0x24d: {  	v10 =	vld [tilespmem:s1+$0x300];
	[tilespmem:s1+$0x700] =	vst v0;
	v3 =	vadd.f32 v4, v3  }
0x24e: {  	v5 =	vadd.f32 v6, v5;
	v4 =	vld [tilespmem:s1+$0x200];
	[tilespmem:s1+$0x600] =	vst v0  }
0x24f: {  	v6 =	vld [tilespmem:s1+$0x100];
	[tilespmem:s1+$0x500] =	vst v0;
	v9 =	vadd.f32 v9, v12;
	v3 =	vadd.f32 v8, v3  }
0x250: {  	v8 =	vld [tilespmem:s1+$0x0];
	[tilespmem:s1+$0x400] =	vst v0  }
0x251: {  	v11 =	vld [tilespmem:s1+$0xFFFFFF00];
	v7 =	vadd.f32 v13, v7;
	[tilespmem:s5+$0x4800] =	vst v0;
	v3 =	vadd.f32 v5, v3  }
0x252: {  	v5 =	vld [tilespmem:s1+$0xFFFFFE00];
	[tilespmem:s1+$0x300] =	vst v0  }
0x253: {  	v12 =	vld [tilespmem:s1+$0xFFFFFD00];
	v4 =	vadd.f32 v10, v4;
	[tilespmem:s7+$0x0] =	vst v3;
	s7 =	smov.u32 s4  }
0x254: {  	v10 =	vld [tilespmem:s1+$0xFFFFFC00];
	[tilespmem:s1+$0x200] =	vst v0  }
0x255: {  	v13 =	vld [tilespmem:s1+$0xFFFFFB00];
	[tilespmem:s1+$0x100] =	vst v0;
	v3 =	vadd.f32 v6, v8  }
0x256: {  	v6 =	vld [tilespmem:s1+$0xFFFFFA00];
	[tilespmem:s1+$0x0] =	vst v0  }
0x257: {  	v8 =	vld [tilespmem:s1+$0xFFFFF900];
	[tilespmem:s1+$0xFFFFFF00] =	vst v0;
	v5 =	vadd.f32 v11, v5;
	v11 =	vadd.f32 v4, v3  }
0x258: {  	v3 =	vld [tilespmem:s1+$0xFFFFF7F0];
	[tilespmem:s1+$0xFFFFFA00] =	vst v0  }
0x259: {  	s5 =	sor.u32 s13, s2;
	[tilespmem:s1+$0xFFFFF7F0] =	vst v0;
	v4 =	vld [tilespmem:s1+$0xFFFFF800];
	v10 =	vadd.f32 v12, v10  }
0x25a: {  	v12 =	vld [tilespmem:s5+$0x4F00];
	[tilespmem:s1+$0xFFFFFB00] =	vst v0  }
0x25b: {  	v14 =	vld [tilespmem:s5+$0x4E00];
	[tilespmem:s1+$0xFFFFF800] =	vst v0;
	v13 =	vadd.f32 v13, v6  }
0x25c: {  	v15 =	vld [tilespmem:s5+$0x4700];
	[tilespmem:s1+$0xFFFFF900] =	vst v0  }
0x25d: {  	v16 =	vld [tilespmem:s5+$0x4600];
	[tilespmem:s1+$0xFFFFFE00] =	vst v0  }
0x25e: {  	v17 =	vld [tilespmem:s5+$0x4400];
	[tilespmem:s1+$0xFFFFFD00] =	vst v0;
	v4 =	vadd.f32 v8, v4  }
0x25f: {  	v10 =	vadd.f32 v5, v10;
	v18 =	vld [tilespmem:s5+$0x4500];
	[tilespmem:s1+$0xFFFFFC00] =	vst v0  }
0x260: {  	[tilespmem:s5+$0x4500] =	vst v0;
	v5 =	vld [tilespmem:s5+$0x4B00];
	v6 =	vadd.f32 v12, v14;
	v12 =	vadd.f32 v13, v4  }
0x261: {  	v13 =	vadd.f32 v9, v7;
	v4 =	vld [tilespmem:s5+$0x4300];
	[tilespmem:s5+$0x4B00] =	vst v0  }
.Ltmp2:
0x262: {  	[tilespmem:s5+$0x4300] =	vst v0;
	v7 =	vld [tilespmem:s5+$0x4D00];
	v8 =	vadd.f32 v15, v16;
	v14 =	vadd.f32 v10, v12;
	(pc) =	sbr.rel @p0 .LBB2_7-.Ltmp2, $4  }
0x263: {  	v13 =	vadd.f32 v13, v11;
	v9 =	vld [tilespmem:s5+$0x4A00];
	[tilespmem:s5+$0x4D00] =	vst v0  }
0x264: {  	s2 =	sadd.s32 $0x30, s8;
	v10 =	vld [tilespmem:s5+$0x4900];
	[tilespmem:s5+$0x4A00] =	vst v0;
	v11 =	vadd.f32 v18, v17  }
0x265: {  	s2 =	sand.u32 $0x70, s2;
	v14 =	vadd.f32 v13, v14;
	[tilespmem:s5+$0x4900] =	vst v0;
	v12 =	vld [tilespmem:s5+$0x4C00]  }
0x266: {  	s2 =	sadd.s32 s2, s9;
	v13 =	vld [tilespmem:s5+$0x4800];
	[tilespmem:s5+$0x4C00] =	vst v0  }
0x267: {  	v15 =	vld [tilespmem:s5+$0x4200]  }
0x268: {  	v16 =	vld [tilespmem:s5+$0x4100];
	_ =	sdelay $0x1  }
0x269: {  	[tilespmem:s2+$0x0] =	vst v14  }
0x26a: {  	[tilespmem:s5+$0x4400] =	vst v0;
	v5 =	vadd.f32 v5, v9  }
0x26b: {  	[tilespmem:s5+$0x4200] =	vst v0;
	v7 =	vadd.f32 v7, v12;
	v9 =	vadd.f32 v10, v13  }
0x26c: {  	[tilespmem:s5+$0x4100] =	vst v0;
	v4 =	vadd.f32 v4, v15;
	v3 =	vadd.f32 v16, v3  }
0x26d: {  	[tilespmem:s5+$0x4600] =	vst v0;
	v6 =	vadd.f32 v6, v7;
	v7 =	vadd.f32 v8, v11  }
0x26e: {  	[tilespmem:s5+$0x4700] =	vst v0;
	v5 =	vadd.f32 v5, v9;
	v3 =	vadd.f32 v4, v3  }
0x26f: {  	[tilespmem:s5+$0x4E00] =	vst v0  }
0x270: {  	p0 =	seq.s32 s18, $0xB;
	[tilespmem:s5+$0x4F00] =	vst v0;
	v4 =	vadd.f32 v6, v5;
	v3 =	vadd.f32 v7, v3  }
0x271: {  	s0 =	sshll.u32 @!p0 s18, $0x13;
	s1 =	rddreg [dreg:$0x6]  }
0x272: {  	s0 =	sadd.s32 @!p0 s1, s0;
	v3 =	vadd.f32 v4, v3  }
0x273: {  	s20 =	simm.s32 $0x0;
	[tilespmem:s5+$0x4800] =	vst v0;
	s1 =	rddreg [dreg:$0x0];
	s0 =	sshrl.u32 @!p0 s0, $0x3  }
0x274: {  	s15 =	simm.s32 $0x0;
	s0 =	sadd.s32 @!p0 s1, s0;
	s1 =	simm.s32 @!p0 $0x0;
	[tilespmem:s7+$0x0] =	vst v3  }
0x275: {  	[tilespmem:s1], [sflag:$0x1] =	stream.linear.gather @!p0 [hbm4b:s0+s1], $0x2000, $0x38;
	[tilespmem:$0x6800] =	vst v63  }
0x276: {  	s13 =	sand.u32 $0x60, s15;
	s14 =	sand.u32 $0xC00, s20;
	_ =	swait.ge [sflag:s12], $0x2000  }
0x277: {  	s21 =	sor.u32 $0x2000, s14;
	s1 =	sor.u32 $0x10, s13;
	[sflag:s12] =	ssyncset.done $0x0  }
0x278: {  	s16 =	sor.u32 s1, s21;
	[sflag:s12] =	ssyncadd.s32 $0xFFFFE000  }
0x279: {  	v3 =	vld [tilespmem:s16+$0x0];
	_ =	sdelay $0x4  }
0x27a: {  	v3 =	vmul.f32 $2.560000000e+02, v3;
	_ =	sdelay $0x1  }
0x27b: {  	s22 =	sor.u32 s13, s21;
	v3 =	vtrunc.f32 v3  }
0x27c: {  	v4 =	vld [tilespmem:s22+$0x0];
	v3 =	vcvt.f32.s32 v3;
	_ =	sdelay $0x1  }
0x27d: {  	v3 =	vadd.s32 v1, v3;
	_ =	sdelay $0x2  }
0x27e: {  	v4 =	vmul.f32 $2.560000000e+02, v4;
	_ =	sdelay $0x1  }
0x27f: {  	v4 =	vtrunc.f32 v4;
	[tilespmem:v3+s11+$0x0] =	vst.idx.add.f32.msk $0xffff, v2  }
0x280: {  	v3 =	vcvt.f32.s32 v4;
	v4 =	vld [tilespmem:s16+$0x80];
	_ =	sdelay $0x1  }
0x281: {  	v3 =	vadd.s32 v1, v3;
	_ =	sdelay $0x2  }
0x282: {  	v4 =	vmul.f32 $2.560000000e+02, v4;
	_ =	sdelay $0x1  }
0x283: {  	[tilespmem:v3+s11+$0x0] =	vst.idx.add.f32.msk $0xffff, v2;
	v3 =	vtrunc.f32 v4  }
0x284: {  	v4 =	vld [tilespmem:s22+$0x80];
	v3 =	vcvt.f32.s32 v3;
	_ =	sdelay $0x1  }
0x285: {  	v3 =	vadd.s32 v1, v3;
	_ =	sdelay $0x2  }
0x286: {  	v4 =	vmul.f32 $2.560000000e+02, v4;
	_ =	sdelay $0x1  }
0x287: {  	v4 =	vtrunc.f32 v4;
	[tilespmem:v3+s11+$0x0] =	vst.idx.add.f32.msk $0xffff, v2  }
0x288: {  	v3 =	vcvt.f32.s32 v4;
	v4 =	vld [tilespmem:s16+$0x100];
	_ =	sdelay $0x1  }
0x289: {  	v3 =	vadd.s32 v1, v3;
	_ =	sdelay $0x2  }
0x28a: {  	v4 =	vmul.f32 $2.560000000e+02, v4;
	_ =	sdelay $0x1  }
0x28b: {  	[tilespmem:v3+s11+$0x0] =	vst.idx.add.f32.msk $0xffff, v2;
	v3 =	vtrunc.f32 v4  }
0x28c: {  	v4 =	vld [tilespmem:s22+$0x100];
	v3 =	vcvt.f32.s32 v3;
	_ =	sdelay $0x1  }
0x28d: {  	v3 =	vadd.s32 v1, v3;
	_ =	sdelay $0x2  }
0x28e: {  	v4 =	vmul.f32 $2.560000000e+02, v4;
	_ =	sdelay $0x1  }
0x28f: {  	v4 =	vtrunc.f32 v4;
	[tilespmem:v3+s11+$0x0] =	vst.idx.add.f32.msk $0xffff, v2  }
0x290: {  	v3 =	vcvt.f32.s32 v4;
	v4 =	vld [tilespmem:s16+$0x180];
	_ =	sdelay $0x1  }
0x291: {  	v3 =	vadd.s32 v1, v3;
	_ =	sdelay $0x2  }
0x292: {  	v4 =	vmul.f32 $2.560000000e+02, v4;
	_ =	sdelay $0x1  }
0x293: {  	[tilespmem:v3+s11+$0x0] =	vst.idx.add.f32.msk $0xffff, v2;
	v3 =	vtrunc.f32 v4  }
0x294: {  	v4 =	vld [tilespmem:s22+$0x180];
	v3 =	vcvt.f32.s32 v3;
	_ =	sdelay $0x1  }
0x295: {  	s3 =	simm.s32 $0x20;
	s7 =	simm.s32 $0x100;
	v3 =	vadd.s32 v1, v3  }
0x296: {  	s30 =	sand.u32 $0x60, s3;
	s0 =	sand.u32 $0xC00, s7  }
0x297: {  	s31 =	sor.u32 $0x10, s30;
	s4 =	sor.u32 $0x2000, s0  }
0x298: {  	s9 =	sor.u32 s31, s4;
	v4 =	vmul.f32 $2.560000000e+02, v4  }
0x299: {  	v5 =	vld [tilespmem:s9+$0x0]  }
0x29a: {  	v4 =	vtrunc.f32 v4;
	[tilespmem:v3+s11+$0x0] =	vst.idx.add.f32.msk $0xffff, v2  }
0x29b: {  	v3 =	vcvt.f32.s32 v4;
	v4 =	vld [tilespmem:s16+$0x200];
	_ =	sdelay $0x1  }
0x29c: {  	v3 =	vadd.s32 v1, v3  }
0x29d: {  	v5 =	vmul.f32 $2.560000000e+02, v5;
	_ =	sdelay $0x1  }
0x29e: {  	s8 =	sor.u32 s30, s4;
	v5 =	vtrunc.f32 v5;
	v4 =	vmul.f32 $2.560000000e+02, v4  }
0x29f: {  	v6 =	vld [tilespmem:s8+$0x0];
	v5 =	vcvt.f32.s32 v5  }
0x2a0: {  	[tilespmem:v3+s11+$0x0] =	vst.idx.add.f32.msk $0xffff, v2;
	v3 =	vtrunc.f32 v4  }
0x2a1: {  	v5 =	vadd.s32 v1, v5;
	v4 =	vld [tilespmem:s22+$0x200];
	v3 =	vcvt.f32.s32 v3;
	_ =	sdelay $0x1  }
0x2a2: {  	v3 =	vadd.s32 v1, v3  }
0x2a3: {  	v6 =	vmul.f32 $2.560000000e+02, v6;
	_ =	sdelay $0x1  }
0x2a4: {  	v6 =	vtrunc.f32 v6;
	[tilespmem:v5+s11+$0x0] =	vst.idx.add.f32.msk $0xffff, v2;
	v4 =	vmul.f32 $2.560000000e+02, v4  }
0x2a5: {  	v5 =	vcvt.f32.s32 v6;
	v6 =	vld [tilespmem:s9+$0x80]  }
0x2a6: {  	v4 =	vtrunc.f32 v4;
	[tilespmem:v3+s11+$0x0] =	vst.idx.add.f32.msk $0xffff, v2  }
0x2a7: {  	v3 =	vadd.s32 v1, v5;
	v4 =	vcvt.f32.s32 v4;
	v5 =	vld [tilespmem:s16+$0x280];
	_ =	sdelay $0x1  }
0x2a8: {  	v4 =	vadd.s32 v1, v4  }
0x2a9: {  	v6 =	vmul.f32 $2.560000000e+02, v6;
	_ =	sdelay $0x1  }
0x2aa: {  	[tilespmem:v3+s11+$0x0] =	vst.idx.add.f32.msk $0xffff, v2;
	v3 =	vtrunc.f32 v6;
	v5 =	vmul.f32 $2.560000000e+02, v5  }
0x2ab: {  	v6 =	vld [tilespmem:s8+$0x80];
	v3 =	vcvt.f32.s32 v3  }
0x2ac: {  	[tilespmem:v4+s11+$0x0] =	vst.idx.add.f32.msk $0xffff, v2;
	v4 =	vtrunc.f32 v5  }
0x2ad: {  	v3 =	vadd.s32 v1, v3;
	v5 =	vld [tilespmem:s22+$0x280];
	v4 =	vcvt.f32.s32 v4;
	_ =	sdelay $0x1  }
0x2ae: {  	v4 =	vadd.s32 v1, v4  }
0x2af: {  	s23 =	sand.u32 $0x3, s20;
	v6 =	vmul.f32 $2.560000000e+02, v6  }
0x2b0: {  	s2 =	sshll.u32 s23, $0x5  }
0x2b1: {  	s2 =	sadd.s32 $0x0, s2;
	v6 =	vtrunc.f32 v6;
	[tilespmem:v3+s11+$0x0] =	vst.idx.add.f32.msk $0xffff, v2;
	v3 =	vmul.f32 $2.560000000e+02, v5  }
0x2b2: {  	s24 =	sadd.s32 $0x10, s2;
	v5 =	vcvt.f32.s32 v6;
	v6 =	vld [tilespmem:s9+$0x100]  }
0x2b3: {  	s6 =	sor.u32 $0x300, s24;
	v3 =	vtrunc.f32 v3;
	[tilespmem:v4+s11+$0x0] =	vst.idx.add.f32.msk $0xffff, v2  }
0x2b4: {  	v4 =	vadd.s32 v1, v5;
	v3 =	vcvt.f32.s32 v3;
	v5 =	vld [tilespmem:s6+$0x2000];
	_ =	sdelay $0x1  }
0x2b5: {  	v3 =	vadd.s32 v1, v3  }
0x2b6: {  	v6 =	vmul.f32 $2.560000000e+02, v6;
	_ =	sdelay $0x1  }
0x2b7: {  	[tilespmem:v4+s11+$0x0] =	vst.idx.add.f32.msk $0xffff, v2;
	v4 =	vtrunc.f32 v6;
	v5 =	vmul.f32 $2.560000000e+02, v5  }
0x2b8: {  	v6 =	vld [tilespmem:s8+$0x100];
	v4 =	vcvt.f32.s32 v4  }
0x2b9: {  	s2 =	sor.u32 $0x300, s2;
	[tilespmem:v3+s11+$0x0] =	vst.idx.add.f32.msk $0xffff, v2;
	v3 =	vtrunc.f32 v5  }
0x2ba: {  	v4 =	vadd.s32 v1, v4;
	v5 =	vld [tilespmem:s2+$0x2000];
	v3 =	vcvt.f32.s32 v3;
	_ =	sdelay $0x1  }
0x2bb: {  	v3 =	vadd.s32 v1, v3  }
0x2bc: {  	v6 =	vmul.f32 $2.560000000e+02, v6;
	_ =	sdelay $0x1  }
0x2bd: {  	v6 =	vtrunc.f32 v6;
	[tilespmem:v4+s11+$0x0] =	vst.idx.add.f32.msk $0xffff, v2;
	v4 =	vmul.f32 $2.560000000e+02, v5  }
0x2be: {  	v5 =	vcvt.f32.s32 v6;
	v6 =	vld [tilespmem:s9+$0x180]  }
0x2bf: {  	s25 =	sor.u32 $0x380, s24;
	v4 =	vtrunc.f32 v4;
	[tilespmem:v3+s11+$0x0] =	vst.idx.add.f32.msk $0xffff, v2  }
0x2c0: {  	v3 =	vadd.s32 v1, v5;
	v4 =	vcvt.f32.s32 v4;
	v5 =	vld [tilespmem:s25+$0x2000];
	_ =	sdelay $0x1  }
0x2c1: {  	v4 =	vadd.s32 v1, v4  }
0x2c2: {  	v6 =	vmul.f32 $2.560000000e+02, v6;
	_ =	sdelay $0x1  }
0x2c3: {  	[tilespmem:v3+s11+$0x0] =	vst.idx.add.f32.msk $0xffff, v2;
	v3 =	vtrunc.f32 v6;
	v5 =	vmul.f32 $2.560000000e+02, v5  }
0x2c4: {  	s26 =	sor.u32 s20, s15;
	v6 =	vld [tilespmem:s8+$0x180];
	v3 =	vcvt.f32.s32 v3  }
0x2c5: {  	s2 =	sor.u32 $0x380, s26;
	[tilespmem:v4+s11+$0x0] =	vst.idx.add.f32.msk $0xffff, v2;
	v4 =	vtrunc.f32 v5  }
0x2c6: {  	s5 =	simm.s32 $0x40;
	s15 =	simm.s32 $0x200;
	v5 =	vld [tilespmem:s2+$0x2000];
	v3 =	vadd.s32 v1, v3;
	v4 =	vcvt.f32.s32 v4  }
0x2c7: {  	s20 =	sand.u32 $0x60, s5;
	s21 =	sand.u32 $0xC00, s15  }
0x2c8: {  	s4 =	sor.u32 $0x2000, s21;
	s22 =	sor.u32 $0x10, s20;
	v4 =	vadd.s32 v1, v4  }
0x2c9: {  	s28 =	sor.u32 s22, s4;
	v6 =	vmul.f32 $2.560000000e+02, v6  }
0x2ca: {  	v7 =	vld [tilespmem:s28+$0x0]  }
0x2cb: {  	v5 =	vmul.f32 $2.560000000e+02, v5;
	v6 =	vtrunc.f32 v6;
	[tilespmem:v3+s11+$0x0] =	vst.idx.add.f32.msk $0xffff, v2  }
0x2cc: {  	s16 =	sor.u32 $0x3000, s14;
	v3 =	vcvt.f32.s32 v6;
	v6 =	vld [tilespmem:s9+$0x200]  }
0x2cd: {  	s23 =	sor.u32 s1, s16;
	v5 =	vtrunc.f32 v5;
	[tilespmem:v4+s11+$0x0] =	vst.idx.add.f32.msk $0xffff, v2  }
0x2ce: {  	v4 =	vcvt.f32.s32 v5;
	v3 =	vadd.s32 v1, v3;
	v5 =	vld [tilespmem:s23+$0x0]  }
0x2cf: {  	v7 =	vmul.f32 $2.560000000e+02, v7  }
0x2d0: {  	v4 =	vadd.s32 v1, v4  }
0x2d1: {  	v7 =	vtrunc.f32 v7;
	s26 =	sor.u32 s20, s4;
	v6 =	vmul.f32 $2.560000000e+02, v6  }
0x2d2: {  	v7 =	vcvt.f32.s32 v7;
	v8 =	vld [tilespmem:s26+$0x0]  }
0x2d3: {  	[tilespmem:v3+s11+$0x0] =	vst.idx.add.f32.msk $0xffff, v2;
	v3 =	vtrunc.f32 v6;
	v5 =	vmul.f32 $2.560000000e+02, v5  }
0x2d4: {  	v7 =	vadd.s32 v1, v7;
	v6 =	vld [tilespmem:s8+$0x200];
	v3 =	vcvt.f32.s32 v3  }
0x2d5: {  	s24 =	sor.u32 s13, s16;
	[tilespmem:v4+s11+$0x0] =	vst.idx.add.f32.msk $0xffff, v2;
	v4 =	vtrunc.f32 v5  }
0x2d6: {  	v5 =	vld [tilespmem:s24+$0x0];
	v3 =	vadd.s32 v1, v3;
	v4 =	vcvt.f32.s32 v4  }
0x2d7: {  	v8 =	vmul.f32 $2.560000000e+02, v8  }
0x2d8: {  	v4 =	vadd.s32 v1, v4  }
0x2d9: {  	[tilespmem:v7+s11+$0x0] =	vst.idx.add.f32.msk $0xffff, v2;
	v8 =	vtrunc.f32 v8;
	v6 =	vmul.f32 $2.560000000e+02, v6  }
0x2da: {  	v7 =	vcvt.f32.s32 v8;
	v8 =	vld [tilespmem:s28+$0x80]  }
0x2db: {  	v5 =	vmul.f32 $2.560000000e+02, v5;
	v6 =	vtrunc.f32 v6;
	[tilespmem:v3+s11+$0x0] =	vst.idx.add.f32.msk $0xffff, v2  }
0x2dc: {  	s25 =	sor.u32 $0x3080, s14;
	v3 =	vadd.s32 v1, v7;
	v6 =	vcvt.f32.s32 v6;
	v7 =	vld [tilespmem:s9+$0x280]  }
0x2dd: {  	s6 =	sor.u32 s1, s25;
	v5 =	vtrunc.f32 v5;
	[tilespmem:v4+s11+$0x0] =	vst.idx.add.f32.msk $0xffff, v2  }
0x2de: {  	v4 =	vcvt.f32.s32 v5;
	v5 =	vadd.s32 v1, v6;
	v6 =	vld [tilespmem:s6+$0x0]  }
0x2df: {  	v8 =	vmul.f32 $2.560000000e+02, v8  }
0x2e0: {  	v4 =	vadd.s32 v1, v4  }
0x2e1: {  	[tilespmem:v3+s11+$0x0] =	vst.idx.add.f32.msk $0xffff, v2;
	v3 =	vtrunc.f32 v8;
	v7 =	vmul.f32 $2.560000000e+02, v7  }
0x2e2: {  	v8 =	vld [tilespmem:s26+$0x80];
	v3 =	vcvt.f32.s32 v3  }
0x2e3: {  	[tilespmem:v5+s11+$0x0] =	vst.idx.add.f32.msk $0xffff, v2;
	v5 =	vtrunc.f32 v7;
	v6 =	vmul.f32 $2.560000000e+02, v6  }
0x2e4: {  	v3 =	vadd.s32 v1, v3;
	v7 =	vld [tilespmem:s8+$0x280];
	v5 =	vcvt.f32.s32 v5  }
0x2e5: {  	s2 =	sor.u32 s13, s25;
	[tilespmem:v4+s11+$0x0] =	vst.idx.add.f32.msk $0xffff, v2;
	v4 =	vtrunc.f32 v6  }
0x2e6: {  	s8 =	simm.s32 $0x1;
	v5 =	vadd.s32 v1, v5;
	v6 =	vld [tilespmem:s2+$0x0];
	v4 =	vcvt.f32.s32 v4  }
0x2e7: {  	v8 =	vmul.f32 $2.560000000e+02, v8;
	s2 =	sand.u32 $0x3, s8  }
0x2e8: {  	s2 =	sshll.u32 s2, $0x5;
	v4 =	vadd.s32 v1, v4  }
0x2e9: {  	v8 =	vtrunc.f32 v8;
	[tilespmem:v3+s11+$0x0] =	vst.idx.add.f32.msk $0xffff, v2;
	s2 =	sadd.s32 $0x100, s2;
	v3 =	vmul.f32 $2.560000000e+02, v7  }
0x2ea: {  	v7 =	vcvt.f32.s32 v8;
	v8 =	vld [tilespmem:s28+$0x100];
	s9 =	sadd.s32 $0x10, s2  }
0x2eb: {  	s16 =	sor.u32 $0x300, s9;
	v3 =	vtrunc.f32 v3;
	[tilespmem:v5+s11+$0x0] =	vst.idx.add.f32.msk $0xffff, v2;
	v5 =	vmul.f32 $2.560000000e+02, v6  }
0x2ec: {  	s23 =	sor.u32 $0x3100, s14;
	v6 =	vadd.s32 v1, v7;
	v3 =	vcvt.f32.s32 v3;
	v7 =	vld [tilespmem:s16+$0x2000]  }
0x2ed: {  	s24 =	sor.u32 s1, s23;
	v5 =	vtrunc.f32 v5;
	[tilespmem:v4+s11+$0x0] =	vst.idx.add.f32.msk $0xffff, v2  }
0x2ee: {  	v3 =	vadd.s32 v1, v3;
	v4 =	vcvt.f32.s32 v5;
	v5 =	vld [tilespmem:s24+$0x0]  }
0x2ef: {  	v8 =	vmul.f32 $2.560000000e+02, v8  }
0x2f0: {  	v4 =	vadd.s32 v1, v4  }
0x2f1: {  	[tilespmem:v6+s11+$0x0] =	vst.idx.add.f32.msk $0xffff, v2;
	v6 =	vtrunc.f32 v8;
	v7 =	vmul.f32 $2.560000000e+02, v7  }
0x2f2: {  	v8 =	vld [tilespmem:s26+$0x100];
	v6 =	vcvt.f32.s32 v6  }
0x2f3: {  	s2 =	sor.u32 $0x300, s2;
	[tilespmem:v3+s11+$0x0] =	vst.idx.add.f32.msk $0xffff, v2;
	v3 =	vtrunc.f32 v7;
	v5 =	vmul.f32 $2.560000000e+02, v5  }
0x2f4: {  	v6 =	vadd.s32 v1, v6;
	v7 =	vld [tilespmem:s2+$0x2000];
	v3 =	vcvt.f32.s32 v3  }
0x2f5: {  	s25 =	sor.u32 s13, s23;
	[tilespmem:v4+s11+$0x0] =	vst.idx.add.f32.msk $0xffff, v2;
	v4 =	vtrunc.f32 v5  }
0x2f6: {  	v3 =	vadd.s32 v1, v3;
	v5 =	vld [tilespmem:s25+$0x0];
	v4 =	vcvt.f32.s32 v4  }
0x2f7: {  	v8 =	vmul.f32 $2.560000000e+02, v8  }
0x2f8: {  	v4 =	vadd.s32 v1, v4  }
0x2f9: {  	v8 =	vtrunc.f32 v8;
	[tilespmem:v6+s11+$0x0] =	vst.idx.add.f32.msk $0xffff, v2;
	v6 =	vmul.f32 $2.560000000e+02, v7  }
0x2fa: {  	v7 =	vcvt.f32.s32 v8;
	v8 =	vld [tilespmem:s28+$0x180]  }
0x2fb: {  	s4 =	sor.u32 $0x380, s9;
	v6 =	vtrunc.f32 v6;
	[tilespmem:v3+s11+$0x0] =	vst.idx.add.f32.msk $0xffff, v2;
	v3 =	vmul.f32 $2.560000000e+02, v5  }
0x2fc: {  	s6 =	sor.u32 $0x3180, s14;
	v5 =	vadd.s32 v1, v7;
	v6 =	vcvt.f32.s32 v6;
	v7 =	vld [tilespmem:s4+$0x2000]  }
0x2fd: {  	s8 =	sor.u32 s1, s6;
	v3 =	vtrunc.f32 v3;
	[tilespmem:v4+s11+$0x0] =	vst.idx.add.f32.msk $0xffff, v2  }
0x2fe: {  	v4 =	vadd.s32 v1, v6;
	v3 =	vcvt.f32.s32 v3;
	v6 =	vld [tilespmem:s8+$0x0]  }
0x2ff: {  	v8 =	vmul.f32 $2.560000000e+02, v8  }
0x300: {  	v3 =	vadd.s32 v1, v3  }
0x301: {  	[tilespmem:v5+s11+$0x0] =	vst.idx.add.f32.msk $0xffff, v2;
	v5 =	vtrunc.f32 v8;
	v7 =	vmul.f32 $2.560000000e+02, v7  }
0x302: {  	s3 =	sor.u32 s7, s3;
	v8 =	vld [tilespmem:s26+$0x180];
	v5 =	vcvt.f32.s32 v5  }
0x303: {  	s3 =	sor.u32 $0x380, s3;
	[tilespmem:v4+s11+$0x0] =	vst.idx.add.f32.msk $0xffff, v2;
	v4 =	vtrunc.f32 v7;
	v6 =	vmul.f32 $2.560000000e+02, v6  }
0x304: {  	s7 =	simm.s32 $0x60;
	s8 =	simm.s32 $0x300;
	v5 =	vadd.s32 v1, v5;
	v7 =	vld [tilespmem:s3+$0x2000];
	v4 =	vcvt.f32.s32 v4  }
0x305: {  	s23 =	sand.u32 $0x60, s7;
	s2 =	sor.u32 s13, s6;
	s24 =	sand.u32 $0xC00, s8;
	[tilespmem:v3+s11+$0x0] =	vst.idx.add.f32.msk $0xffff, v2;
	v3 =	vtrunc.f32 v6  }
0x306: {  	s25 =	sor.u32 $0x10, s23;
	v6 =	vld [tilespmem:s2+$0x0];
	s2 =	sor.u32 $0x2000, s24;
	v4 =	vadd.s32 v1, v4;
	v3 =	vcvt.f32.s32 v3  }
0x307: {  	v8 =	vmul.f32 $2.560000000e+02, v8;
	s3 =	sor.u32 s25, s2  }
0x308: {  	v9 =	vld [tilespmem:s3+$0x0];
	v3 =	vadd.s32 v1, v3  }
0x309: {  	v8 =	vtrunc.f32 v8;
	[tilespmem:v5+s11+$0x0] =	vst.idx.add.f32.msk $0xffff, v2;
	v7 =	vmul.f32 $2.560000000e+02, v7  }
0x30a: {  	s4 =	sor.u32 $0x3000, s0;
	v5 =	vcvt.f32.s32 v8;
	v8 =	vld [tilespmem:s28+$0x200]  }
0x30b: {  	s9 =	sor.u32 s31, s4;
	v7 =	vtrunc.f32 v7;
	[tilespmem:v4+s11+$0x0] =	vst.idx.add.f32.msk $0xffff, v2;
	v4 =	vmul.f32 $2.560000000e+02, v6  }
0x30c: {  	s6 =	sor.u32 $0x3200, s14;
	v5 =	vadd.s32 v1, v5;
	v6 =	vcvt.f32.s32 v7;
	v7 =	vld [tilespmem:s9+$0x0]  }
0x30d: {  	s16 =	sor.u32 s1, s6;
	v4 =	vtrunc.f32 v4;
	[tilespmem:v3+s11+$0x0] =	vst.idx.add.f32.msk $0xffff, v2;
	v3 =	vmul.f32 $2.560000000e+02, v9  }
0x30e: {  	v6 =	vadd.s32 v1, v6;
	v4 =	vcvt.f32.s32 v4;
	v9 =	vld [tilespmem:s16+$0x0]  }
0x30f: {  	v8 =	vmul.f32 $2.560000000e+02, v8;
	s16 =	sor.u32 s23, s2;
	v3 =	vtrunc.f32 v3  }
0x310: {  	v10 =	vld [tilespmem:s16+$0x0];
	v4 =	vadd.s32 v1, v4;
	v3 =	vcvt.f32.s32 v3  }
0x311: {  	[tilespmem:v5+s11+$0x0] =	vst.idx.add.f32.msk $0xffff, v2;
	v5 =	vtrunc.f32 v8;
	v7 =	vmul.f32 $2.560000000e+02, v7  }
0x312: {  	v8 =	vld [tilespmem:s26+$0x200];
	v5 =	vcvt.f32.s32 v5;
	v3 =	vadd.s32 v1, v3  }
0x313: {  	s9 =	sor.u32 s30, s4;
	[tilespmem:v6+s11+$0x0] =	vst.idx.add.f32.msk $0xffff, v2;
	v6 =	vtrunc.f32 v7;
	v7 =	vmul.f32 $2.560000000e+02, v9  }
0x314: {  	v5 =	vadd.s32 v1, v5;
	v9 =	vld [tilespmem:s9+$0x0];
	v6 =	vcvt.f32.s32 v6  }
0x315: {  	s4 =	sor.u32 s13, s6;
	v10 =	vmul.f32 $2.560000000e+02, v10;
	[tilespmem:v4+s11+$0x0] =	vst.idx.add.f32.msk $0xffff, v2;
	v4 =	vtrunc.f32 v7  }
0x316: {  	v7 =	vld [tilespmem:s4+$0x0];
	v6 =	vadd.s32 v1, v6;
	v4 =	vcvt.f32.s32 v4  }
0x317: {  	v10 =	vtrunc.f32 v10;
	[tilespmem:v3+s11+$0x0] =	vst.idx.add.f32.msk $0xffff, v2;
	v3 =	vmul.f32 $2.560000000e+02, v8  }
0x318: {  	v8 =	vcvt.f32.s32 v10;
	v10 =	vld [tilespmem:s3+$0x80];
	v4 =	vadd.s32 v1, v4  }
0x319: {  	[tilespmem:v5+s11+$0x0] =	vst.idx.add.f32.msk $0xffff, v2;
	v9 =	vmul.f32 $2.560000000e+02, v9;
	v3 =	vtrunc.f32 v3  }
0x31a: {  	s2 =	sor.u32 $0x3080, s0;
	v5 =	vadd.s32 v1, v8;
	v8 =	vld [tilespmem:s28+$0x280];
	v3 =	vcvt.f32.s32 v3  }
0x31b: {  	s6 =	sor.u32 s31, s2;
	v9 =	vtrunc.f32 v9;
	[tilespmem:v6+s11+$0x0] =	vst.idx.add.f32.msk $0xffff, v2;
	v6 =	vmul.f32 $2.560000000e+02, v7  }
0x31c: {  	s4 =	sor.u32 $0x3280, s14;
	v7 =	vcvt.f32.s32 v9;
	v9 =	vld [tilespmem:s6+$0x0];
	v3 =	vadd.s32 v1, v3  }
0x31d: {  	s9 =	sor.u32 s1, s4;
	v6 =	vtrunc.f32 v6;
	v10 =	vmul.f32 $2.560000000e+02, v10;
	[tilespmem:v4+s11+$0x0] =	vst.idx.add.f32.msk $0xffff, v2  }
0x31e: {  	v4 =	vadd.s32 v1, v7;
	v6 =	vcvt.f32.s32 v6;
	v7 =	vld [tilespmem:s9+$0x0]  }
0x31f: {  	[tilespmem:v5+s11+$0x0] =	vst.idx.add.f32.msk $0xffff, v2;
	v8 =	vmul.f32 $2.560000000e+02, v8;
	v5 =	vtrunc.f32 v10  }
0x320: {  	v10 =	vld [tilespmem:s16+$0x80];
	v6 =	vadd.s32 v1, v6;
	v5 =	vcvt.f32.s32 v5  }
0x321: {  	[tilespmem:v3+s11+$0x0] =	vst.idx.add.f32.msk $0xffff, v2;
	v3 =	vtrunc.f32 v8;
	v8 =	vmul.f32 $2.560000000e+02, v9  }
0x322: {  	v5 =	vadd.s32 v1, v5;
	v9 =	vld [tilespmem:s26+$0x280];
	v3 =	vcvt.f32.s32 v3  }
0x323: {  	s2 =	sor.u32 s30, s2;
	[tilespmem:v4+s11+$0x0] =	vst.idx.add.f32.msk $0xffff, v2;
	v4 =	vtrunc.f32 v8;
	v7 =	vmul.f32 $2.560000000e+02, v7  }
0x324: {  	s6 =	simm.s32 $0x2;
	v8 =	vld [tilespmem:s2+$0x0];
	v3 =	vadd.s32 v1, v3;
	v4 =	vcvt.f32.s32 v4  }
0x325: {  	s4 =	sor.u32 s13, s4;
	s2 =	sand.u32 $0x3, s6;
	v10 =	vmul.f32 $2.560000000e+02, v10;
	[tilespmem:v6+s11+$0x0] =	vst.idx.add.f32.msk $0xffff, v2;
	v6 =	vtrunc.f32 v7  }
0x326: {  	s2 =	sshll.u32 s2, $0x5;
	v7 =	vld [tilespmem:s4+$0x0];
	v4 =	vadd.s32 v1, v4;
	v6 =	vcvt.f32.s32 v6  }
0x327: {  	s2 =	sadd.s32 $0x200, s2;
	v10 =	vtrunc.f32 v10;
	[tilespmem:v5+s11+$0x0] =	vst.idx.add.f32.msk $0xffff, v2;
	v5 =	vmul.f32 $2.560000000e+02, v9  }
0x328: {  	s4 =	sadd.s32 $0x10, s2;
	v9 =	vcvt.f32.s32 v10;
	v10 =	vld [tilespmem:s3+$0x100];
	v6 =	vadd.s32 v1, v6  }
0x329: {  	s9 =	sor.u32 $0x300, s4;
	v5 =	vtrunc.f32 v5;
	[tilespmem:v3+s11+$0x0] =	vst.idx.add.f32.msk $0xffff, v2;
	v3 =	vmul.f32 $2.560000000e+02, v8  }
0x32a: {  	s6 =	sor.u32 $0x3100, s0;
	v8 =	vadd.s32 v1, v9;
	v5 =	vcvt.f32.s32 v5;
	v9 =	vld [tilespmem:s9+$0x2000]  }
0x32b: {  	s26 =	sor.u32 s31, s6;
	v3 =	vtrunc.f32 v3;
	[tilespmem:v4+s11+$0x0] =	vst.idx.add.f32.msk $0xffff, v2;
	v4 =	vmul.f32 $2.560000000e+02, v7  }
0x32c: {  	s9 =	sor.u32 $0x3300, s14;
	v5 =	vadd.s32 v1, v5;
	v3 =	vcvt.f32.s32 v3;
	v7 =	vld [tilespmem:s26+$0x0]  }
0x32d: {  	s26 =	sor.u32 s1, s9;
	v10 =	vmul.f32 $2.560000000e+02, v10;
	v4 =	vtrunc.f32 v4;
	[tilespmem:v6+s11+$0x0] =	vst.idx.add.f32.msk $0xffff, v2  }
0x32e: {  	v3 =	vadd.s32 v1, v3;
	v4 =	vcvt.f32.s32 v4;
	v6 =	vld [tilespmem:s26+$0x0]  }
0x32f: {  	[tilespmem:v8+s11+$0x0] =	vst.idx.add.f32.msk $0xffff, v2;
	v8 =	vtrunc.f32 v10;
	v9 =	vmul.f32 $2.560000000e+02, v9  }
0x330: {  	v10 =	vld [tilespmem:s16+$0x100];
	v8 =	vcvt.f32.s32 v8;
	v4 =	vadd.s32 v1, v4  }
0x331: {  	s2 =	sor.u32 $0x300, s2;
	[tilespmem:v5+s11+$0x0] =	vst.idx.add.f32.msk $0xffff, v2;
	v5 =	vtrunc.f32 v9;
	v7 =	vmul.f32 $2.560000000e+02, v7  }
0x332: {  	v8 =	vadd.s32 v1, v8;
	v9 =	vld [tilespmem:s2+$0x2000];
	v5 =	vcvt.f32.s32 v5  }
0x333: {  	s6 =	sor.u32 s30, s6;
	[tilespmem:v3+s11+$0x0] =	vst.idx.add.f32.msk $0xffff, v2;
	v3 =	vtrunc.f32 v7;
	v6 =	vmul.f32 $2.560000000e+02, v6  }
0x334: {  	v5 =	vadd.s32 v1, v5;
	v7 =	vld [tilespmem:s6+$0x0];
	v3 =	vcvt.f32.s32 v3  }
0x335: {  	s26 =	sor.u32 s13, s9;
	v10 =	vmul.f32 $2.560000000e+02, v10;
	[tilespmem:v4+s11+$0x0] =	vst.idx.add.f32.msk $0xffff, v2;
	v4 =	vtrunc.f32 v6  }
0x336: {  	v3 =	vadd.s32 v1, v3;
	v6 =	vld [tilespmem:s26+$0x0];
	v4 =	vcvt.f32.s32 v4  }
0x337: {  	v10 =	vtrunc.f32 v10;
	[tilespmem:v8+s11+$0x0] =	vst.idx.add.f32.msk $0xffff, v2;
	v8 =	vmul.f32 $2.560000000e+02, v9  }
0x338: {  	v9 =	vcvt.f32.s32 v10;
	v10 =	vld [tilespmem:s3+$0x180];
	v4 =	vadd.s32 v1, v4  }
0x339: {  	s4 =	sor.u32 $0x380, s4;
	v8 =	vtrunc.f32 v8;
	[tilespmem:v5+s11+$0x0] =	vst.idx.add.f32.msk $0xffff, v2;
	v5 =	vmul.f32 $2.560000000e+02, v7  }
0x33a: {  	s2 =	sor.u32 $0x3180, s0;
	v7 =	vadd.s32 v1, v9;
	v8 =	vcvt.f32.s32 v8;
	v9 =	vld [tilespmem:s4+$0x2000]  }
0x33b: {  	s6 =	sor.u32 s31, s2;
	v5 =	vtrunc.f32 v5;
	[tilespmem:v3+s11+$0x0] =	vst.idx.add.f32.msk $0xffff, v2;
	v3 =	vmul.f32 $2.560000000e+02, v6  }
0x33c: {  	s9 =	sor.u32 $0x3380, s14;
	v6 =	vadd.s32 v1, v8;
	v5 =	vcvt.f32.s32 v5;
	v8 =	vld [tilespmem:s6+$0x0]  }
0x33d: {  	s1 =	sor.u32 s1, s9;
	v3 =	vtrunc.f32 v3;
	[tilespmem:v4+s11+$0x0] =	vst.idx.add.f32.msk $0xffff, v2  }
0x33e: {  	v4 =	vmul.f32 $2.560000000e+02, v10;
	v5 =	vadd.s32 v1, v5;
	v3 =	vcvt.f32.s32 v3;
	v10 =	vld [tilespmem:s1+$0x0]  }
0x33f: {  	[tilespmem:v7+s11+$0x0] =	vst.idx.add.f32.msk $0xffff, v2  }
0x340: {  	s26 =	sor.u32 s15, s5;
	v7 =	vld [tilespmem:s16+$0x180];
	v4 =	vtrunc.f32 v4;
	v9 =	vmul.f32 $2.560000000e+02, v9;
	v3 =	vadd.s32 v1, v3  }
0x341: {  	s1 =	sor.u32 $0x380, s26;
	v4 =	vcvt.f32.s32 v4;
	[tilespmem:v6+s11+$0x0] =	vst.idx.add.f32.msk $0xffff, v2  }
0x342: {  	v9 =	vtrunc.f32 v9;
	v8 =	vmul.f32 $2.560000000e+02, v8;
	v6 =	vld [tilespmem:s1+$0x2000]  }
0x343: {  	s14 =	simm.s32 $0x400;
	s2 =	sor.u32 s30, s2;
	s1 =	simm.s32 $0x80;
	v4 =	vadd.s32 v1, v4;
	v9 =	vcvt.f32.s32 v9;
	[tilespmem:v5+s11+$0x0] =	vst.idx.add.f32.msk $0xffff, v2  }
0x344: {  	s29 =	sand.u32 $0xC00, s14;
	v5 =	vmul.f32 $2.560000000e+02, v10;
	s26 =	sand.u32 $0x60, s1;
	v8 =	vtrunc.f32 v8;
	v10 =	vld [tilespmem:s2+$0x0]  }
0x345: {  	s5 =	sor.u32 s13, s9;
	s4 =	sor.u32 $0x2000, s29;
	s28 =	sor.u32 $0x10, s26;
	v9 =	vadd.s32 v1, v9;
	v8 =	vcvt.f32.s32 v8;
	[tilespmem:v3+s11+$0x0] =	vst.idx.add.f32.msk $0xffff, v2  }
0x346: {  	v7 =	vmul.f32 $2.560000000e+02, v7;
	v5 =	vtrunc.f32 v5;
	s13 =	sor.u32 s28, s4;
	v3 =	vld [tilespmem:s5+$0x0]  }
0x347: {  	v5 =	vcvt.f32.s32 v5;
	v11 =	vld [tilespmem:s13+$0x0];
	v8 =	vadd.s32 v1, v8  }
0x348: {  	v7 =	vtrunc.f32 v7;
	v6 =	vmul.f32 $2.560000000e+02, v6;
	[tilespmem:v4+s11+$0x0] =	vst.idx.add.f32.msk $0xffff, v2  }
0x349: {  	s2 =	sor.u32 $0x3000, s21;
	v4 =	vadd.s32 v1, v5;
	v5 =	vcvt.f32.s32 v7;
	v7 =	vld [tilespmem:s3+$0x200]  }
0x34a: {  	s6 =	sor.u32 s22, s2;
	v6 =	vtrunc.f32 v6;
	[tilespmem:v9+s11+$0x0] =	vst.idx.add.f32.msk $0xffff, v2;
	v9 =	vmul.f32 $2.560000000e+02, v10  }
0x34b: {  	s9 =	sor.u32 $0x3200, s0;
	v6 =	vcvt.f32.s32 v6;
	v5 =	vadd.s32 v1, v5;
	v10 =	vld [tilespmem:s6+$0x0]  }
0x34c: {  	s15 =	sor.u32 s31, s9;
	v9 =	vtrunc.f32 v9;
	[tilespmem:v8+s11+$0x0] =	vst.idx.add.f32.msk $0xffff, v2;
	v8 =	vmul.f32 $2.560000000e+02, v11  }
0x34d: {  	v6 =	vadd.s32 v1, v6;
	v9 =	vcvt.f32.s32 v9;
	v11 =	vld [tilespmem:s15+$0x0]  }
0x34e: {  	s15 =	sor.u32 s26, s4;
	[tilespmem:v4+s11+$0x0] =	vst.idx.add.f32.msk $0xffff, v2;
	v4 =	vtrunc.f32 v8;
	v7 =	vmul.f32 $2.560000000e+02, v7  }
0x34f: {  	v8 =	vld [tilespmem:s15+$0x0];
	v9 =	vadd.s32 v1, v9;
	v4 =	vcvt.f32.s32 v4  }
0x350: {  	[tilespmem:v5+s11+$0x0] =	vst.idx.add.f32.msk $0xffff, v2;
	v5 =	vtrunc.f32 v7;
	v7 =	vmul.f32 $2.560000000e+02, v10  }
0x351: {  	v10 =	vld [tilespmem:s16+$0x200];
	v4 =	vadd.s32 v1, v4;
	v5 =	vcvt.f32.s32 v5  }
0x352: {  	s2 =	sor.u32 s20, s2;
	[tilespmem:v6+s11+$0x0] =	vst.idx.add.f32.msk $0xffff, v2;
	v6 =	vtrunc.f32 v7;
	v7 =	vmul.f32 $2.560000000e+02, v11  }
0x353: {  	v11 =	vld [tilespmem:s2+$0x0];
	v5 =	vadd.s32 v1, v5;
	v6 =	vcvt.f32.s32 v6  }
0x354: {  	s4 =	sor.u32 s30, s9;
	v8 =	vmul.f32 $2.560000000e+02, v8;
	[tilespmem:v9+s11+$0x0] =	vst.idx.add.f32.msk $0xffff, v2;
	v7 =	vtrunc.f32 v7  }
0x355: {  	v9 =	vld [tilespmem:s4+$0x0];
	v6 =	vadd.s32 v1, v6;
	v7 =	vcvt.f32.s32 v7  }
0x356: {  	v8 =	vtrunc.f32 v8;
	[tilespmem:v4+s11+$0x0] =	vst.idx.add.f32.msk $0xffff, v2;
	v4 =	vmul.f32 $2.560000000e+02, v10  }
0x357: {  	v8 =	vcvt.f32.s32 v8;
	v10 =	vld [tilespmem:s13+$0x80];
	v7 =	vadd.s32 v1, v7  }
0x358: {  	v11 =	vmul.f32 $2.560000000e+02, v11;
	v4 =	vtrunc.f32 v4;
	[tilespmem:v5+s11+$0x0] =	vst.idx.add.f32.msk $0xffff, v2  }
0x359: {  	s2 =	sor.u32 $0x3080, s21;
	v5 =	vadd.s32 v1, v8;
	v4 =	vcvt.f32.s32 v4;
	v8 =	vld [tilespmem:s3+$0x280]  }
0x35a: {  	s5 =	sor.u32 s22, s2;
	v11 =	vtrunc.f32 v11;
	[tilespmem:v6+s11+$0x0] =	vst.idx.add.f32.msk $0xffff, v2;
	v6 =	vmul.f32 $2.560000000e+02, v9  }
0x35b: {  	s6 =	sor.u32 $0x3280, s0;
	v9 =	vcvt.f32.s32 v11;
	v4 =	vadd.s32 v1, v4;
	v11 =	vld [tilespmem:s5+$0x0]  }
0x35c: {  	s9 =	sor.u32 s31, s6;
	v10 =	vmul.f32 $2.560000000e+02, v10;
	v6 =	vtrunc.f32 v6;
	[tilespmem:v7+s11+$0x0] =	vst.idx.add.f32.msk $0xffff, v2  }
0x35d: {  	v7 =	vadd.s32 v1, v9;
	v6 =	vcvt.f32.s32 v6;
	v9 =	vld [tilespmem:s9+$0x0]  }
0x35e: {  	[tilespmem:v5+s11+$0x0] =	vst.idx.add.f32.msk $0xffff, v2;
	v5 =	vtrunc.f32 v10;
	v8 =	vmul.f32 $2.560000000e+02, v8  }
0x35f: {  	v10 =	vld [tilespmem:s15+$0x80];
	v5 =	vcvt.f32.s32 v5;
	v6 =	vadd.s32 v1, v6  }
0x360: {  	[tilespmem:v4+s11+$0x0] =	vst.idx.add.f32.msk $0xffff, v2;
	v4 =	vtrunc.f32 v8;
	v8 =	vmul.f32 $2.560000000e+02, v11  }
0x361: {  	v5 =	vadd.s32 v1, v5;
	v11 =	vld [tilespmem:s16+$0x280];
	v4 =	vcvt.f32.s32 v4  }
0x362: {  	s2 =	sor.u32 s20, s2;
	[tilespmem:v7+s11+$0x0] =	vst.idx.add.f32.msk $0xffff, v2;
	v7 =	vtrunc.f32 v8;
	v8 =	vmul.f32 $2.560000000e+02, v9  }
0x363: {  	s5 =	simm.s32 $0x3;
	v4 =	vadd.s32 v1, v4;
	v9 =	vld [tilespmem:s2+$0x0];
	v7 =	vcvt.f32.s32 v7  }
0x364: {  	s4 =	sand.u32 $0x3, s5;
	s16 =	sor.u32 s30, s6;
	v10 =	vmul.f32 $2.560000000e+02, v10;
	[tilespmem:v6+s11+$0x0] =	vst.idx.add.f32.msk $0xffff, v2;
	v6 =	vtrunc.f32 v8  }
0x365: {  	s3 =	sshll.u32 s4, $0x5;
	v7 =	vadd.s32 v1, v7;
	v8 =	vld [tilespmem:s16+$0x0];
	v6 =	vcvt.f32.s32 v6  }
0x366: {  	s2 =	sadd.s32 $0x300, s3;
	v10 =	vtrunc.f32 v10;
	[tilespmem:v5+s11+$0x0] =	vst.idx.add.f32.msk $0xffff, v2;
	v5 =	vmul.f32 $2.560000000e+02, v11  }
0x367: {  	s3 =	sadd.s32 $0x10, s2;
	v10 =	vcvt.f32.s32 v10;
	v11 =	vld [tilespmem:s13+$0x100];
	v6 =	vadd.s32 v1, v6  }
0x368: {  	s6 =	sor.u32 $0x300, s3;
	v5 =	vtrunc.f32 v5;
	[tilespmem:v4+s11+$0x0] =	vst.idx.add.f32.msk $0xffff, v2;
	v4 =	vmul.f32 $2.560000000e+02, v9  }
0x369: {  	s4 =	sor.u32 $0x3100, s21;
	v9 =	vadd.s32 v1, v10;
	v5 =	vcvt.f32.s32 v5;
	v10 =	vld [tilespmem:s6+$0x2000]  }
0x36a: {  	s9 =	sor.u32 s22, s4;
	v4 =	vtrunc.f32 v4;
	[tilespmem:v7+s11+$0x0] =	vst.idx.add.f32.msk $0xffff, v2;
	v7 =	vmul.f32 $2.560000000e+02, v8  }
0x36b: {  	s6 =	sor.u32 $0x3300, s0;
	v5 =	vadd.s32 v1, v5;
	v4 =	vcvt.f32.s32 v4;
	v8 =	vld [tilespmem:s9+$0x0]  }
0x36c: {  	s16 =	sor.u32 s31, s6;
	v11 =	vmul.f32 $2.560000000e+02, v11;
	v7 =	vtrunc.f32 v7;
	[tilespmem:v6+s11+$0x0] =	vst.idx.add.f32.msk $0xffff, v2  }
0x36d: {  	v4 =	vadd.s32 v1, v4;
	v6 =	vcvt.f32.s32 v7;
	v7 =	vld [tilespmem:s16+$0x0]  }
0x36e: {  	[tilespmem:v9+s11+$0x0] =	vst.idx.add.f32.msk $0xffff, v2;
	v9 =	vtrunc.f32 v11;
	v10 =	vmul.f32 $2.560000000e+02, v10  }
0x36f: {  	v11 =	vld [tilespmem:s15+$0x100];
	v9 =	vcvt.f32.s32 v9;
	v6 =	vadd.s32 v1, v6  }
0x370: {  	s2 =	sor.u32 $0x300, s2;
	[tilespmem:v5+s11+$0x0] =	vst.idx.add.f32.msk $0xffff, v2;
	v5 =	vtrunc.f32 v10;
	v8 =	vmul.f32 $2.560000000e+02, v8  }
0x371: {  	v9 =	vadd.s32 v1, v9;
	v10 =	vld [tilespmem:s2+$0x2000];
	v5 =	vcvt.f32.s32 v5  }
0x372: {  	s9 =	sor.u32 s20, s4;
	[tilespmem:v4+s11+$0x0] =	vst.idx.add.f32.msk $0xffff, v2;
	v4 =	vtrunc.f32 v8;
	v7 =	vmul.f32 $2.560000000e+02, v7  }
0x373: {  	v5 =	vadd.s32 v1, v5;
	v8 =	vld [tilespmem:s9+$0x0];
	v4 =	vcvt.f32.s32 v4  }
0x374: {  	s16 =	sor.u32 s30, s6;
	v11 =	vmul.f32 $2.560000000e+02, v11;
	[tilespmem:v6+s11+$0x0] =	vst.idx.add.f32.msk $0xffff, v2;
	v6 =	vtrunc.f32 v7  }
0x375: {  	v4 =	vadd.s32 v1, v4;
	v7 =	vld [tilespmem:s16+$0x0];
	v6 =	vcvt.f32.s32 v6  }
0x376: {  	v11 =	vtrunc.f32 v11;
	[tilespmem:v9+s11+$0x0] =	vst.idx.add.f32.msk $0xffff, v2;
	v9 =	vmul.f32 $2.560000000e+02, v10  }
0x377: {  	v10 =	vcvt.f32.s32 v11;
	v11 =	vld [tilespmem:s13+$0x180];
	v6 =	vadd.s32 v1, v6  }
0x378: {  	s4 =	sor.u32 $0x380, s3;
	v9 =	vtrunc.f32 v9;
	[tilespmem:v5+s11+$0x0] =	vst.idx.add.f32.msk $0xffff, v2;
	v8 =	vmul.f32 $2.560000000e+02, v8  }
0x379: {  	s2 =	sor.u32 $0x3180, s21;
	v5 =	vadd.s32 v1, v10;
	v9 =	vcvt.f32.s32 v9;
	v61 =	vld [tilespmem:s4+$0x2000]  }
0x37a: {  	s6 =	sor.u32 s22, s2;
	[tilespmem:v4+s11+$0x0] =	vst.idx.add.f32.msk $0xffff, v2;
	v4 =	vmul.f32 $2.560000000e+02, v7;
	v8 =	vtrunc.f32 v8  }
0x37b: {  	v3 =	vmul.f32 $2.560000000e+02, v3;
	s0 =	sor.u32 $0x3380, s0;
	v7 =	vadd.s32 v1, v9;
	v62 =	vld [tilespmem:s6+$0x0];
	v8 =	vcvt.f32.s32 v8  }
0x37c: {  	s9 =	sor.u32 s31, s0;
	[tilespmem:v6+s11+$0x0] =	vst.idx.add.f32.msk $0xffff, v2;
	v6 =	vtrunc.f32 v4;
	v9 =	vmul.f32 $2.560000000e+02, v11  }
0x37d: {  	v3 =	vtrunc.f32 v3;
	v4 =	vld [tilespmem:s9+$0x0];
	v63 =	vcvt.f32.s32 v6;
	v6 =	vadd.s32 v1, v8  }
0x37e: {  	v3 =	vcvt.f32.s32 v3;
	[tilespmem:v5+s11+$0x0] =	vst.idx.add.f32.msk $0xffff, v2;
	v5 =	vtrunc.f32 v9  }
0x37f: {  	s16 =	sor.u32 s8, s7;
	v10 =	vld [tilespmem:s15+$0x180];
	v9 =	vmul.f32 $2.560000000e+02, v61;
	v11 =	vcvt.f32.s32 v5;
	v5 =	vadd.s32 v1, v63  }
0x380: {  	s31 =	sor.u32 s14, s1;
	s0 =	sor.u32 s30, s0;
	s3 =	sor.u32 $0x380, s16;
	[tilespmem:v7+s11+$0x0] =	vst.idx.add.f32.msk $0xffff, v2  }
0x381: {  	v3 =	vadd.s32 v1, v3;
	s7 =	sor.u32 $0x380, s31;
	s8 =	simm.s32 $0x400;
	s9 =	sor.u32 s20, s2;
	v9 =	vtrunc.f32 v9;
	v7 =	vmul.f32 $2.560000000e+02, v62;
	v8 =	vld [tilespmem:s3+$0x2000]  }
.LBB2_9:
0x382: {  	s1 =	sadd.s32 $0x20, s1;
	v11 =	vadd.s32 v1, v11;
	s14 =	sadd.s32 $0x100, s14;
	v9 =	vcvt.f32.s32 v9;
	[tilespmem:v6+s11+$0x0] =	vst.idx.add.f32.msk $0xffff, v2;
	v4 =	vmul.f32 $2.560000000e+02, v4  }
0x383: {  	s31 =	sand.u32 $0x60, s1;
	s16 =	sand.u32 $0xC00, s14;
	s2 =	sor.u32 s14, s1;
	v6 =	vld [tilespmem:s9+$0x0];
	v7 =	vtrunc.f32 v7  }
0x384: {  	s4 =	sor.u32 $0x2000, s16;
	s30 =	sor.u32 $0x380, s2;
	s3 =	sor.u32 $0x10, s31;
	v9 =	vadd.s32 v1, v9;
	v7 =	vcvt.f32.s32 v7;
	[tilespmem:v5+s11+$0x0] =	vst.idx.add.f32.msk $0xffff, v2;
	v4 =	vtrunc.f32 v4  }
0x385: {  	v5 =	vmul.f32 $2.560000000e+02, v10;
	s9 =	sor.u32 s31, s4;
	s2 =	sor.u32 s3, s4;
	v10 =	vld [tilespmem:s0+$0x0];
	v4 =	vcvt.f32.s32 v4  }
0x386: {  	v12 =	vld [tilespmem:s2+$0x0];
	v8 =	vmul.f32 $2.560000000e+02, v8;
	v7 =	vadd.s32 v1, v7  }
0x387: {  	v5 =	vtrunc.f32 v5;
	[tilespmem:v11+s11+$0x0] =	vst.idx.add.f32.msk $0xffff, v2;
	v4 =	vadd.s32 v1, v4  }
0x388: {  	s0 =	sor.u32 $0x3000, s24;
	v5 =	vcvt.f32.s32 v5;
	v11 =	vld [tilespmem:s13+$0x200];
	v8 =	vtrunc.f32 v8  }
0x389: {  	p0 =	slt.u32 s1, $0x1E0;
	s4 =	sor.u32 s23, s0;
	s0 =	sor.u32 s25, s0;
	v6 =	vmul.f32 $2.560000000e+02, v6;
	v8 =	vcvt.f32.s32 v8;
	[tilespmem:v9+s11+$0x0] =	vst.idx.add.f32.msk $0xffff, v2  }
0x38a: {  	v5 =	vadd.s32 v1, v5;
	v9 =	vld [tilespmem:s0+$0x0];
	v10 =	vmul.f32 $2.560000000e+02, v10  }
0x38b: {  	v6 =	vtrunc.f32 v6;
	s0 =	sor.u32 $0x3200, s21;
	v8 =	vadd.s32 v1, v8;
	[tilespmem:v7+s11+$0x0] =	vst.idx.add.f32.msk $0xffff, v2  }
0x38c: {  	v7 =	vmul.f32 $2.560000000e+02, v12;
	v6 =	vcvt.f32.s32 v6;
	s6 =	sor.u32 s20, s0;
	s0 =	sor.u32 s22, s0;
	[tilespmem:v4+s11+$0x0] =	vst.idx.add.f32.msk $0xffff, v2  }
0x38d: {  	v10 =	vtrunc.f32 v10;
	v4 =	vld [tilespmem:s0+$0x0]  }
0x38e: {  	v7 =	vtrunc.f32 v7;
	v11 =	vmul.f32 $2.560000000e+02, v11;
	v6 =	vadd.s32 v1, v6;
	v12 =	vld [tilespmem:s9+$0x0]  }
0x38f: {  	v7 =	vcvt.f32.s32 v7;
	[tilespmem:v5+s11+$0x0] =	vst.idx.add.f32.msk $0xffff, v2;
	v5 =	vcvt.f32.s32 v10  }
0x390: {  	v11 =	vtrunc.f32 v11;
	v9 =	vmul.f32 $2.560000000e+02, v9;
	v10 =	vld [tilespmem:s15+$0x200]  }
0x391: {  	v7 =	vadd.s32 v1, v7;
	v11 =	vcvt.f32.s32 v11;
	[tilespmem:v8+s11+$0x0] =	vst.idx.add.f32.msk $0xffff, v2;
	v5 =	vadd.s32 v1, v5  }
0x392: {  	v9 =	vtrunc.f32 v9;
	v8 =	vld [tilespmem:s4+$0x0];
	v4 =	vmul.f32 $2.560000000e+02, v4  }
0x393: {  	v11 =	vadd.s32 v1, v11;
	v9 =	vcvt.f32.s32 v9;
	v12 =	vmul.f32 $2.560000000e+02, v12;
	[tilespmem:v6+s11+$0x0] =	vst.idx.add.f32.msk $0xffff, v2  }
0x394: {  	v6 =	vld [tilespmem:s6+$0x0];
	v4 =	vtrunc.f32 v4  }
0x395: {  	v9 =	vadd.s32 v1, v9;
	v12 =	vtrunc.f32 v12;
	v4 =	vcvt.f32.s32 v4;
	[tilespmem:v3+s11+$0x0] =	vst.idx.add.f32.msk $0xffff, v2;
	v3 =	vmovc v5  }
0x396: {  	v5 =	vcvt.f32.s32 v12;
	[tilespmem:v7+s11+$0x0] =	vst.idx.add.f32.msk $0xffff, v2;
	v7 =	vmul.f32 $2.560000000e+02, v10  }
0x397: {  	v10 =	vld [tilespmem:s2+$0x80];
	v8 =	vmul.f32 $2.560000000e+02, v8;
	v4 =	vadd.s32 v1, v4  }
0x398: {  	v5 =	vadd.s32 v1, v5;
	v7 =	vtrunc.f32 v7;
	[tilespmem:v11+s11+$0x0] =	vst.idx.add.f32.msk $0xffff, v2  }
0x399: {  	s0 =	sor.u32 $0x3080, s24;
	v7 =	vcvt.f32.s32 v7;
	v11 =	vld [tilespmem:s13+$0x280];
	v8 =	vtrunc.f32 v8;
	s13 =	smov.u32 s2  }
0x39a: {  	s2 =	sor.u32 s23, s0;
	s0 =	sor.u32 s25, s0;
	v6 =	vmul.f32 $2.560000000e+02, v6;
	v8 =	vcvt.f32.s32 v8;
	[tilespmem:v9+s11+$0x0] =	vst.idx.add.f32.msk $0xffff, v2  }
0x39b: {  	v7 =	vadd.s32 v1, v7;
	v9 =	vld [tilespmem:s0+$0x0];
	s0 =	sor.u32 $0x3280, s21  }
0x39c: {  	v6 =	vtrunc.f32 v6;
	v10 =	vmul.f32 $2.560000000e+02, v10;
	v8 =	vadd.s32 v1, v8;
	s4 =	sor.u32 s20, s0;
	[tilespmem:v4+s11+$0x0] =	vst.idx.add.f32.msk $0xffff, v2;
	s0 =	sor.u32 s22, s0  }
0x39d: {  	v4 =	vcvt.f32.s32 v6;
	v6 =	vld [tilespmem:s0+$0x0]  }
0x39e: {  	[tilespmem:v5+s11+$0x0] =	vst.idx.add.f32.msk $0xffff, v2;
	v5 =	vtrunc.f32 v10;
	v10 =	vmul.f32 $2.560000000e+02, v11  }
0x39f: {  	v4 =	vadd.s32 v1, v4;
	v11 =	vld [tilespmem:s9+$0x80];
	v5 =	vcvt.f32.s32 v5  }
0x3a0: {  	[tilespmem:v7+s11+$0x0] =	vst.idx.add.f32.msk $0xffff, v2;
	v7 =	vtrunc.f32 v10;
	v9 =	vmul.f32 $2.560000000e+02, v9  }
0x3a1: {  	v5 =	vadd.s32 v1, v5;
	v10 =	vld [tilespmem:s15+$0x280];
	v7 =	vcvt.f32.s32 v7;
	s15 =	smov.u32 s9  }
0x3a2: {  	[tilespmem:v8+s11+$0x0] =	vst.idx.add.f32.msk $0xffff, v2;
	v8 =	vtrunc.f32 v9;
	v6 =	vmul.f32 $2.560000000e+02, v6  }
0x3a3: {  	s5 =	sadd.s32 $0x1, s5;
	v7 =	vadd.s32 v1, v7;
	v9 =	vld [tilespmem:s2+$0x0];
	v8 =	vcvt.f32.s32 v8  }
0x3a4: {  	s0 =	sand.u32 $0x3, s5;
	v11 =	vmul.f32 $2.560000000e+02, v11;
	[tilespmem:v4+s11+$0x0] =	vst.idx.add.f32.msk $0xffff, v2;
	v4 =	vtrunc.f32 v6  }
0x3a5: {  	s0 =	sshll.u32 s0, $0x5;
	v6 =	vadd.s32 v1, v8;
	v8 =	vld [tilespmem:s4+$0x0];
	v4 =	vcvt.f32.s32 v4  }
0x3a6: {  	s0 =	sadd.s32 s0, s8;
	s8 =	smov.u32 s14;
	v11 =	vtrunc.f32 v11;
	[tilespmem:v5+s11+$0x0] =	vst.idx.add.f32.msk $0xffff, v2;
	v5 =	vmul.f32 $2.560000000e+02, v10  }
0x3a7: {  	s2 =	sor.u32 $0x300, s0;
	s0 =	sadd.s32 $0x10, s0;
	v10 =	vcvt.f32.s32 v11;
	v11 =	vld [tilespmem:s13+$0x100];
	v4 =	vadd.s32 v1, v4  }
0x3a8: {  	s4 =	sor.u32 $0x300, s0;
	v5 =	vtrunc.f32 v5;
	[tilespmem:v7+s11+$0x0] =	vst.idx.add.f32.msk $0xffff, v2;
	v7 =	vmul.f32 $2.560000000e+02, v9  }
0x3a9: {  	v9 =	vadd.s32 v1, v10;
	v5 =	vcvt.f32.s32 v5;
	v10 =	vld [tilespmem:s4+$0x2000];
	s4 =	sor.u32 $0x3100, s24  }
0x3aa: {  	v7 =	vtrunc.f32 v7;
	s6 =	sor.u32 s23, s4;
	[tilespmem:v6+s11+$0x0] =	vst.idx.add.f32.msk $0xffff, v2;
	s4 =	sor.u32 s25, s4;
	v6 =	vmul.f32 $2.560000000e+02, v8  }
0x3ab: {  	v5 =	vadd.s32 v1, v5;
	v7 =	vcvt.f32.s32 v7;
	v8 =	vld [tilespmem:s4+$0x0];
	s4 =	sor.u32 $0x3300, s21  }
0x3ac: {  	v11 =	vmul.f32 $2.560000000e+02, v11;
	v6 =	vtrunc.f32 v6;
	s9 =	sor.u32 s20, s4;
	[tilespmem:v4+s11+$0x0] =	vst.idx.add.f32.msk $0xffff, v2;
	s4 =	sor.u32 s22, s4  }
0x3ad: {  	v4 =	vadd.s32 v1, v7;
	v6 =	vcvt.f32.s32 v6;
	v7 =	vld [tilespmem:s4+$0x0]  }
0x3ae: {  	[tilespmem:v9+s11+$0x0] =	vst.idx.add.f32.msk $0xffff, v2;
	v9 =	vtrunc.f32 v11;
	v10 =	vmul.f32 $2.560000000e+02, v10  }
0x3af: {  	v11 =	vld [tilespmem:s15+$0x100];
	v9 =	vcvt.f32.s32 v9;
	v6 =	vadd.s32 v1, v6  }
0x3b0: {  	[tilespmem:v5+s11+$0x0] =	vst.idx.add.f32.msk $0xffff, v2;
	v5 =	vtrunc.f32 v10;
	v8 =	vmul.f32 $2.560000000e+02, v8  }
0x3b1: {  	v9 =	vadd.s32 v1, v9;
	v10 =	vld [tilespmem:s2+$0x2000];
	v5 =	vcvt.f32.s32 v5  }
0x3b2: {  	[tilespmem:v4+s11+$0x0] =	vst.idx.add.f32.msk $0xffff, v2;
	v4 =	vtrunc.f32 v8;
	v7 =	vmul.f32 $2.560000000e+02, v7  }
0x3b3: {  	v5 =	vadd.s32 v1, v5;
	v8 =	vld [tilespmem:s6+$0x0];
	v4 =	vcvt.f32.s32 v4  }
0x3b4: {  	v11 =	vmul.f32 $2.560000000e+02, v11;
	[tilespmem:v6+s11+$0x0] =	vst.idx.add.f32.msk $0xffff, v2;
	v6 =	vtrunc.f32 v7  }
0x3b5: {  	v4 =	vadd.s32 v1, v4;
	v7 =	vld [tilespmem:s9+$0x0];
	v6 =	vcvt.f32.s32 v6  }
0x3b6: {  	v11 =	vtrunc.f32 v11;
	[tilespmem:v9+s11+$0x0] =	vst.idx.add.f32.msk $0xffff, v2;
	v9 =	vmul.f32 $2.560000000e+02, v10  }
0x3b7: {  	v10 =	vcvt.f32.s32 v11;
	v11 =	vld [tilespmem:s13+$0x180];
	v6 =	vadd.s32 v1, v6  }
0x3b8: {  	s0 =	sor.u32 $0x380, s0;
	v9 =	vtrunc.f32 v9;
	[tilespmem:v5+s11+$0x0] =	vst.idx.add.f32.msk $0xffff, v2;
	v5 =	vmul.f32 $2.560000000e+02, v8  }
0x3b9: {  	v8 =	vadd.s32 v1, v10;
	v9 =	vcvt.f32.s32 v9;
	v12 =	vld [tilespmem:s0+$0x2000];
	s0 =	sor.u32 $0x3180, s24  }
0x3ba: {  	v5 =	vtrunc.f32 v5;
	s9 =	sor.u32 s23, s0;
	[tilespmem:v4+s11+$0x0] =	vst.idx.add.f32.msk $0xffff, v2;
	s0 =	sor.u32 s25, s0;
	v4 =	vmul.f32 $2.560000000e+02, v7  }
0x3bb: {  	s2 =	sor.u32 $0x3380, s21;
	s21 =	smov.u32 s24;
	s24 =	smov.u32 s29;
	v7 =	vadd.s32 v1, v9;
	v5 =	vcvt.f32.s32 v5;
	v13 =	vld [tilespmem:s0+$0x0]  }
0x3bc: {  	s0 =	sor.u32 s20, s2;
	s2 =	sor.u32 s22, s2;
	s20 =	smov.u32 s23;
	v4 =	vtrunc.f32 v4;
	[tilespmem:v6+s11+$0x0] =	vst.idx.add.f32.msk $0xffff, v2  }
.Ltmp3:
0x3bd: {  	s23 =	smov.u32 s26;
	s26 =	smov.u32 s31;
	v9 =	vmul.f32 $2.560000000e+02, v11;
	v6 =	vadd.s32 v1, v5;
	v5 =	vcvt.f32.s32 v4;
	v4 =	vld [tilespmem:s2+$0x0];
	(pc) =	sbr.rel @p0 .LBB2_9-.Ltmp3, $4  }
0x3be: {  	s29 =	smov.u32 s16;
	s22 =	smov.u32 s25;
	s25 =	smov.u32 s28;
	[tilespmem:v8+s11+$0x0] =	vst.idx.add.f32.msk $0xffff, v2  }
0x3bf: {  	s28 =	smov.u32 s3;
	v8 =	vtrunc.f32 v9;
	v9 =	vmul.f32 $2.560000000e+02, v12;
	v10 =	vld [tilespmem:s15+$0x180];
	v5 =	vadd.s32 v1, v5  }
0x3c0: {  	v11 =	vcvt.f32.s32 v8;
	[tilespmem:v7+s11+$0x0] =	vst.idx.add.f32.msk $0xffff, v2  }
0x3c1: {  	v9 =	vtrunc.f32 v9;
	v7 =	vmul.f32 $2.560000000e+02, v13;
	v8 =	vld [tilespmem:s7+$0x2000];
	s7 =	smov.u32 s30  }
0x3c2: {  	_ =	sdelay $0x1  }
0x3c3: {  	v10 =	vmul.f32 $2.560000000e+02, v10;
	_ =	sdelay $0x1  }
0x3c4: {  	v10 =	vtrunc.f32 v10  }
0x3c5: {  	v11 =	vadd.s32 v1, v11;
	v10 =	vcvt.f32.s32 v10;
	_ =	sdelay $0x1  }
0x3c6: {  	v10 =	vadd.s32 v1, v10;
	_ =	sdelay $0x2  }
0x3c7: {  	[tilespmem:v11+s11+$0x0] =	vst.idx.add.f32.msk $0xffff, v2  }
0x3c8: {  	v11 =	vld [tilespmem:s13+$0x200]  }
0x3c9: {  	[tilespmem:v10+s11+$0x0] =	vst.idx.add.f32.msk $0xffff, v2  }
0x3ca: {  	v10 =	vld [tilespmem:s15+$0x200];
	_ =	sdelay $0x2  }
0x3cb: {  	v11 =	vmul.f32 $2.560000000e+02, v11;
	_ =	sdelay $0x1  }
0x3cc: {  	v11 =	vtrunc.f32 v11;
	v10 =	vmul.f32 $2.560000000e+02, v10  }
0x3cd: {  	v11 =	vcvt.f32.s32 v11  }
0x3ce: {  	v10 =	vtrunc.f32 v10  }
0x3cf: {  	v11 =	vadd.s32 v1, v11;
	v10 =	vcvt.f32.s32 v10;
	_ =	sdelay $0x1  }
0x3d0: {  	v10 =	vadd.s32 v1, v10;
	_ =	sdelay $0x2  }
0x3d1: {  	[tilespmem:v11+s11+$0x0] =	vst.idx.add.f32.msk $0xffff, v2  }
0x3d2: {  	v11 =	vld [tilespmem:s13+$0x280]  }
0x3d3: {  	[tilespmem:v10+s11+$0x0] =	vst.idx.add.f32.msk $0xffff, v2  }
0x3d4: {  	v10 =	vld [tilespmem:s15+$0x280];
	_ =	sdelay $0x2  }
0x3d5: {  	v11 =	vmul.f32 $2.560000000e+02, v11;
	_ =	sdelay $0x1  }
0x3d6: {  	v11 =	vtrunc.f32 v11;
	v10 =	vmul.f32 $2.560000000e+02, v10  }
0x3d7: {  	v11 =	vcvt.f32.s32 v11  }
0x3d8: {  	v10 =	vtrunc.f32 v10  }
0x3d9: {  	s1 =	sadd.s32 $0x1, s5;
	v11 =	vadd.s32 v1, v11;
	v10 =	vcvt.f32.s32 v10  }
0x3da: {  	s1 =	sand.u32 $0x3, s1  }
0x3db: {  	s1 =	sshll.u32 s1, $0x5;
	v10 =	vadd.s32 v1, v10  }
0x3dc: {  	s1 =	sadd.s32 s1, s8  }
0x3dd: {  	s2 =	sadd.s32 $0x10, s1  }
0x3de: {  	s3 =	sor.u32 $0x300, s2;
	[tilespmem:v11+s11+$0x0] =	vst.idx.add.f32.msk $0xffff, v2  }
0x3df: {  	v11 =	vld [tilespmem:s3+$0x2000]  }
0x3e0: {  	s1 =	sor.u32 $0x300, s1;
	[tilespmem:v10+s11+$0x0] =	vst.idx.add.f32.msk $0xffff, v2  }
0x3e1: {  	v10 =	vld [tilespmem:s1+$0x2000];
	_ =	sdelay $0x2  }
0x3e2: {  	v11 =	vmul.f32 $2.560000000e+02, v11;
	_ =	sdelay $0x1  }
0x3e3: {  	v11 =	vtrunc.f32 v11;
	v10 =	vmul.f32 $2.560000000e+02, v10  }
0x3e4: {  	v11 =	vcvt.f32.s32 v11  }
0x3e5: {  	v10 =	vtrunc.f32 v10  }
0x3e6: {  	v11 =	vadd.s32 v1, v11;
	v10 =	vcvt.f32.s32 v10;
	_ =	sdelay $0x1  }
0x3e7: {  	v10 =	vadd.s32 v1, v10;
	_ =	sdelay $0x1  }
0x3e8: {  	v9 =	vcvt.f32.s32 v9  }
0x3e9: {  	s3 =	sor.u32 $0x380, s2;
	[tilespmem:v11+s11+$0x0] =	vst.idx.add.f32.msk $0xffff, v2  }
0x3ea: {  	v9 =	vadd.s32 v1, v9;
	v11 =	vld [tilespmem:s3+$0x2000]  }
0x3eb: {  	[tilespmem:v10+s11+$0x0] =	vst.idx.add.f32.msk $0xffff, v2  }
0x3ec: {  	v10 =	vld [tilespmem:s7+$0x2000]  }
0x3ed: {  	v8 =	vmul.f32 $2.560000000e+02, v8  }
0x3ee: {  	s4 =	sor.u32 $0x3000, s24  }
0x3ef: {  	s5 =	sor.u32 s25, s4;
	v8 =	vtrunc.f32 v8;
	[tilespmem:v9+s11+$0x0] =	vst.idx.add.f32.msk $0xffff, v2;
	v11 =	vmul.f32 $2.560000000e+02, v11  }
0x3f0: {  	v8 =	vcvt.f32.s32 v8;
	v9 =	vld [tilespmem:s5+$0x0]  }
0x3f1: {  	v11 =	vtrunc.f32 v11;
	v10 =	vmul.f32 $2.560000000e+02, v10  }
0x3f2: {  	v8 =	vadd.s32 v1, v8;
	v11 =	vcvt.f32.s32 v11  }
0x3f3: {  	v10 =	vtrunc.f32 v10  }
0x3f4: {  	v11 =	vadd.s32 v1, v11;
	v10 =	vcvt.f32.s32 v10  }
0x3f5: {  	v9 =	vmul.f32 $2.560000000e+02, v9  }
0x3f6: {  	v10 =	vadd.s32 v1, v10  }
0x3f7: {  	[tilespmem:v8+s11+$0x0] =	vst.idx.add.f32.msk $0xffff, v2;
	v9 =	vtrunc.f32 v9;
	s1 =	sor.u32 s23, s4  }
0x3f8: {  	s6 =	sor.u32 $0x3000, s29;
	v9 =	vcvt.f32.s32 v9;
	v8 =	vld [tilespmem:s1+$0x0]  }
0x3f9: {  	s7 =	sor.u32 s28, s6;
	[tilespmem:v11+s11+$0x0] =	vst.idx.add.f32.msk $0xffff, v2  }
0x3fa: {  	v9 =	vadd.s32 v1, v9;
	v11 =	vld [tilespmem:s7+$0x0]  }
0x3fb: {  	s1 =	sor.u32 s26, s6;
	[tilespmem:v10+s11+$0x0] =	vst.idx.add.f32.msk $0xffff, v2  }
0x3fc: {  	v10 =	vld [tilespmem:s1+$0x0]  }
0x3fd: {  	v8 =	vmul.f32 $2.560000000e+02, v8  }
0x3fe: {  	s8 =	sor.u32 $0x3080, s24  }
0x3ff: {  	s13 =	sor.u32 s25, s8;
	[tilespmem:v9+s11+$0x0] =	vst.idx.add.f32.msk $0xffff, v2;
	v8 =	vtrunc.f32 v8;
	v11 =	vmul.f32 $2.560000000e+02, v11  }
0x400: {  	v9 =	vld [tilespmem:s13+$0x0];
	v8 =	vcvt.f32.s32 v8  }
0x401: {  	v11 =	vtrunc.f32 v11;
	v10 =	vmul.f32 $2.560000000e+02, v10  }
0x402: {  	v8 =	vadd.s32 v1, v8;
	v11 =	vcvt.f32.s32 v11  }
0x403: {  	v10 =	vtrunc.f32 v10  }
0x404: {  	v11 =	vadd.s32 v1, v11;
	v10 =	vcvt.f32.s32 v10  }
0x405: {  	v9 =	vmul.f32 $2.560000000e+02, v9  }
0x406: {  	v10 =	vadd.s32 v1, v10  }
0x407: {  	v9 =	vtrunc.f32 v9;
	[tilespmem:v8+s11+$0x0] =	vst.idx.add.f32.msk $0xffff, v2;
	s1 =	sor.u32 s23, s8  }
0x408: {  	s14 =	sor.u32 $0x3080, s29;
	v9 =	vcvt.f32.s32 v9;
	v8 =	vld [tilespmem:s1+$0x0]  }
0x409: {  	s15 =	sor.u32 s28, s14;
	[tilespmem:v11+s11+$0x0] =	vst.idx.add.f32.msk $0xffff, v2  }
0x40a: {  	v9 =	vadd.s32 v1, v9;
	v11 =	vld [tilespmem:s15+$0x0]  }
0x40b: {  	s1 =	sor.u32 s26, s14;
	[tilespmem:v10+s11+$0x0] =	vst.idx.add.f32.msk $0xffff, v2  }
0x40c: {  	v10 =	vld [tilespmem:s1+$0x0]  }
0x40d: {  	v8 =	vmul.f32 $2.560000000e+02, v8  }
0x40e: {  	s16 =	sor.u32 $0x3100, s24  }
0x40f: {  	s30 =	sor.u32 s25, s16;
	[tilespmem:v9+s11+$0x0] =	vst.idx.add.f32.msk $0xffff, v2;
	v8 =	vtrunc.f32 v8;
	v11 =	vmul.f32 $2.560000000e+02, v11  }
0x410: {  	v9 =	vld [tilespmem:s30+$0x0];
	v8 =	vcvt.f32.s32 v8  }
0x411: {  	v11 =	vtrunc.f32 v11;
	v10 =	vmul.f32 $2.560000000e+02, v10  }
0x412: {  	v8 =	vadd.s32 v1, v8;
	v11 =	vcvt.f32.s32 v11  }
0x413: {  	v10 =	vtrunc.f32 v10  }
0x414: {  	v11 =	vadd.s32 v1, v11;
	v10 =	vcvt.f32.s32 v10  }
0x415: {  	v9 =	vmul.f32 $2.560000000e+02, v9  }
0x416: {  	v10 =	vadd.s32 v1, v10  }
0x417: {  	v9 =	vtrunc.f32 v9;
	s1 =	sor.u32 s23, s16;
	[tilespmem:v8+s11+$0x0] =	vst.idx.add.f32.msk $0xffff, v2  }
0x418: {  	s31 =	sor.u32 $0x3100, s29;
	v9 =	vcvt.f32.s32 v9;
	v8 =	vld [tilespmem:s1+$0x0]  }
0x419: {  	s3 =	sor.u32 s28, s31;
	[tilespmem:v11+s11+$0x0] =	vst.idx.add.f32.msk $0xffff, v2  }
0x41a: {  	v9 =	vadd.s32 v1, v9;
	v11 =	vld [tilespmem:s3+$0x0]  }
0x41b: {  	s1 =	sor.u32 s26, s31;
	[tilespmem:v10+s11+$0x0] =	vst.idx.add.f32.msk $0xffff, v2  }
0x41c: {  	v10 =	vld [tilespmem:s1+$0x0]  }
0x41d: {  	v8 =	vmul.f32 $2.560000000e+02, v8  }
0x41e: {  	s4 =	sor.u32 $0x3180, s24  }
0x41f: {  	s5 =	sor.u32 s25, s4;
	[tilespmem:v9+s11+$0x0] =	vst.idx.add.f32.msk $0xffff, v2;
	v8 =	vtrunc.f32 v8;
	v11 =	vmul.f32 $2.560000000e+02, v11  }
0x420: {  	v9 =	vld [tilespmem:s5+$0x0];
	v8 =	vcvt.f32.s32 v8  }
0x421: {  	v11 =	vtrunc.f32 v11;
	v10 =	vmul.f32 $2.560000000e+02, v10  }
0x422: {  	v8 =	vadd.s32 v1, v8;
	v11 =	vcvt.f32.s32 v11  }
0x423: {  	[tilespmem:v6+s11+$0x0] =	vst.idx.add.f32.msk $0xffff, v2;
	v6 =	vtrunc.f32 v10  }
0x424: {  	v11 =	vadd.s32 v1, v11;
	v10 =	vld [tilespmem:s9+$0x0];
	v6 =	vcvt.f32.s32 v6  }
0x425: {  	v9 =	vmul.f32 $2.560000000e+02, v9  }
0x426: {  	v6 =	vadd.s32 v1, v6  }
0x427: {  	v9 =	vtrunc.f32 v9;
	s1 =	sor.u32 s23, s4;
	[tilespmem:v8+s11+$0x0] =	vst.idx.add.f32.msk $0xffff, v2  }
0x428: {  	s6 =	sor.u32 $0x3180, s29;
	v9 =	vcvt.f32.s32 v9;
	v8 =	vld [tilespmem:s1+$0x0]  }
0x429: {  	v7 =	vtrunc.f32 v7;
	s7 =	sor.u32 s28, s6;
	[tilespmem:v11+s11+$0x0] =	vst.idx.add.f32.msk $0xffff, v2;
	v10 =	vmul.f32 $2.560000000e+02, v10  }
0x42a: {  	v7 =	vcvt.f32.s32 v7;
	v9 =	vadd.s32 v1, v9;
	v11 =	vld [tilespmem:s7+$0x0]  }
0x42b: {  	s1 =	sor.u32 s26, s6;
	v10 =	vtrunc.f32 v10;
	[tilespmem:v6+s11+$0x0] =	vst.idx.add.f32.msk $0xffff, v2  }
0x42c: {  	v6 =	vadd.s32 v1, v7;
	v7 =	vcvt.f32.s32 v10;
	v10 =	vld [tilespmem:s1+$0x0]  }
0x42d: {  	v8 =	vmul.f32 $2.560000000e+02, v8  }
0x42e: {  	s13 =	sor.u32 $0x3200, s24;
	v7 =	vadd.s32 v1, v7  }
0x42f: {  	[tilespmem:v9+s11+$0x0] =	vst.idx.add.f32.msk $0xffff, v2;
	s14 =	sor.u32 s25, s13;
	v8 =	vtrunc.f32 v8;
	v11 =	vmul.f32 $2.560000000e+02, v11  }
0x430: {  	s8 =	sor.u32 $0x3200, s21;
	v9 =	vld [tilespmem:s14+$0x0];
	v8 =	vcvt.f32.s32 v8  }
0x431: {  	s9 =	sor.u32 s22, s8;
	[tilespmem:v6+s11+$0x0] =	vst.idx.add.f32.msk $0xffff, v2;
	v6 =	vtrunc.f32 v11;
	v10 =	vmul.f32 $2.560000000e+02, v10  }
0x432: {  	v8 =	vadd.s32 v1, v8;
	v11 =	vld [tilespmem:s9+$0x0];
	v6 =	vcvt.f32.s32 v6  }
0x433: {  	s1 =	sor.u32 s20, s8;
	[tilespmem:v7+s11+$0x0] =	vst.idx.add.f32.msk $0xffff, v2;
	v7 =	vtrunc.f32 v10  }
0x434: {  	v10 =	vld [tilespmem:s1+$0x0];
	v6 =	vadd.s32 v1, v6;
	v7 =	vcvt.f32.s32 v7  }
0x435: {  	v9 =	vmul.f32 $2.560000000e+02, v9  }
0x436: {  	v7 =	vadd.s32 v1, v7  }
0x437: {  	v9 =	vtrunc.f32 v9;
	[tilespmem:v8+s11+$0x0] =	vst.idx.add.f32.msk $0xffff, v2;
	s1 =	sor.u32 s23, s13;
	v11 =	vmul.f32 $2.560000000e+02, v11  }
0x438: {  	s15 =	sor.u32 $0x3200, s29;
	v9 =	vcvt.f32.s32 v9;
	v8 =	vld [tilespmem:s1+$0x0]  }
0x439: {  	s16 =	sor.u32 s28, s15;
	v11 =	vtrunc.f32 v11;
	v10 =	vmul.f32 $2.560000000e+02, v10;
	[tilespmem:v6+s11+$0x0] =	vst.idx.add.f32.msk $0xffff, v2  }
0x43a: {  	v9 =	vadd.s32 v1, v9;
	v6 =	vcvt.f32.s32 v11;
	v11 =	vld [tilespmem:s16+$0x0]  }
0x43b: {  	s1 =	sor.u32 s26, s15;
	v10 =	vtrunc.f32 v10;
	[tilespmem:v7+s11+$0x0] =	vst.idx.add.f32.msk $0xffff, v2  }
0x43c: {  	v6 =	vadd.s32 v1, v6;
	v7 =	vcvt.f32.s32 v10;
	v10 =	vld [tilespmem:s1+$0x0]  }
0x43d: {  	v8 =	vmul.f32 $2.560000000e+02, v8  }
0x43e: {  	s3 =	sor.u32 $0x3280, s24;
	v7 =	vadd.s32 v1, v7  }
0x43f: {  	[tilespmem:v9+s11+$0x0] =	vst.idx.add.f32.msk $0xffff, v2;
	s4 =	sor.u32 s25, s3;
	v8 =	vtrunc.f32 v8;
	v11 =	vmul.f32 $2.560000000e+02, v11  }
0x440: {  	s30 =	sor.u32 $0x3280, s21;
	v9 =	vld [tilespmem:s4+$0x0];
	v8 =	vcvt.f32.s32 v8  }
0x441: {  	s31 =	sor.u32 s22, s30;
	[tilespmem:v6+s11+$0x0] =	vst.idx.add.f32.msk $0xffff, v2;
	v6 =	vtrunc.f32 v11;
	v10 =	vmul.f32 $2.560000000e+02, v10  }
0x442: {  	v8 =	vadd.s32 v1, v8;
	v11 =	vld [tilespmem:s31+$0x0];
	v6 =	vcvt.f32.s32 v6  }
0x443: {  	s1 =	sor.u32 s20, s30;
	[tilespmem:v7+s11+$0x0] =	vst.idx.add.f32.msk $0xffff, v2;
	v7 =	vtrunc.f32 v10  }
0x444: {  	v10 =	vld [tilespmem:s1+$0x0];
	v6 =	vadd.s32 v1, v6;
	v7 =	vcvt.f32.s32 v7  }
0x445: {  	v9 =	vmul.f32 $2.560000000e+02, v9  }
0x446: {  	v7 =	vadd.s32 v1, v7  }
0x447: {  	v9 =	vtrunc.f32 v9;
	s1 =	sor.u32 s23, s3;
	[tilespmem:v8+s11+$0x0] =	vst.idx.add.f32.msk $0xffff, v2;
	v11 =	vmul.f32 $2.560000000e+02, v11  }
0x448: {  	s5 =	sor.u32 $0x3280, s29;
	v9 =	vcvt.f32.s32 v9;
	v8 =	vld [tilespmem:s1+$0x0]  }
0x449: {  	s6 =	sor.u32 s28, s5;
	v11 =	vtrunc.f32 v11;
	v10 =	vmul.f32 $2.560000000e+02, v10;
	[tilespmem:v6+s11+$0x0] =	vst.idx.add.f32.msk $0xffff, v2  }
0x44a: {  	v9 =	vadd.s32 v1, v9;
	v6 =	vcvt.f32.s32 v11;
	v11 =	vld [tilespmem:s6+$0x0]  }
0x44b: {  	s1 =	sor.u32 s26, s5;
	v10 =	vtrunc.f32 v10;
	[tilespmem:v7+s11+$0x0] =	vst.idx.add.f32.msk $0xffff, v2  }
0x44c: {  	v6 =	vadd.s32 v1, v6;
	v7 =	vcvt.f32.s32 v10;
	v10 =	vld [tilespmem:s1+$0x0]  }
0x44d: {  	v8 =	vmul.f32 $2.560000000e+02, v8  }
0x44e: {  	s9 =	sor.u32 $0x3300, s24;
	v7 =	vadd.s32 v1, v7  }
0x44f: {  	[tilespmem:v9+s11+$0x0] =	vst.idx.add.f32.msk $0xffff, v2;
	s13 =	sor.u32 s25, s9;
	v8 =	vtrunc.f32 v8;
	v11 =	vmul.f32 $2.560000000e+02, v11  }
0x450: {  	s7 =	sor.u32 $0x3300, s21;
	v9 =	vld [tilespmem:s13+$0x0];
	v8 =	vcvt.f32.s32 v8  }
0x451: {  	s8 =	sor.u32 s22, s7;
	[tilespmem:v6+s11+$0x0] =	vst.idx.add.f32.msk $0xffff, v2;
	v6 =	vtrunc.f32 v11;
	v10 =	vmul.f32 $2.560000000e+02, v10  }
0x452: {  	v8 =	vadd.s32 v1, v8;
	v11 =	vld [tilespmem:s8+$0x0];
	v6 =	vcvt.f32.s32 v6  }
0x453: {  	s1 =	sor.u32 s20, s7;
	[tilespmem:v7+s11+$0x0] =	vst.idx.add.f32.msk $0xffff, v2;
	v7 =	vtrunc.f32 v10  }
0x454: {  	v10 =	vld [tilespmem:s1+$0x0];
	v6 =	vadd.s32 v1, v6;
	v7 =	vcvt.f32.s32 v7  }
0x455: {  	v9 =	vmul.f32 $2.560000000e+02, v9  }
0x456: {  	v7 =	vadd.s32 v1, v7  }
0x457: {  	v9 =	vtrunc.f32 v9;
	s1 =	sor.u32 s23, s9;
	[tilespmem:v8+s11+$0x0] =	vst.idx.add.f32.msk $0xffff, v2;
	v11 =	vmul.f32 $2.560000000e+02, v11  }
0x458: {  	s14 =	sor.u32 $0x3300, s29;
	v9 =	vcvt.f32.s32 v9;
	v8 =	vld [tilespmem:s1+$0x0]  }
0x459: {  	s15 =	sor.u32 s28, s14;
	v11 =	vtrunc.f32 v11;
	v10 =	vmul.f32 $2.560000000e+02, v10;
	[tilespmem:v6+s11+$0x0] =	vst.idx.add.f32.msk $0xffff, v2  }
0x45a: {  	v6 =	vcvt.f32.s32 v11;
	v11 =	vld [tilespmem:s15+$0x0]  }
0x45b: {  	v9 =	vadd.s32 v1, v9;
	s1 =	sor.u32 s26, s14;
	v10 =	vtrunc.f32 v10;
	[tilespmem:v7+s11+$0x0] =	vst.idx.add.f32.msk $0xffff, v2  }
0x45c: {  	v6 =	vadd.s32 v1, v6;
	v7 =	vcvt.f32.s32 v10;
	v10 =	vld [tilespmem:s1+$0x0]  }
0x45d: {  	v8 =	vmul.f32 $2.560000000e+02, v8  }
0x45e: {  	v7 =	vadd.s32 v1, v7  }
0x45f: {  	[tilespmem:v5+s11+$0x0] =	vst.idx.add.f32.msk $0xffff, v2;
	s16 =	sor.u32 $0x3380, s21;
	v5 =	vtrunc.f32 v8;
	v8 =	vmul.f32 $2.560000000e+02, v11  }
0x460: {  	s21 =	sor.u32 s22, s16;
	s22 =	sor.u32 $0x3380, s24;
	[tilespmem:v9+s11+$0x0] =	vst.idx.add.f32.msk $0xffff, v2;
	v5 =	vcvt.f32.s32 v5  }
0x461: {  	s24 =	sor.u32 s25, s22;
	[tilespmem:v6+s11+$0x0] =	vst.idx.add.f32.msk $0xffff, v2;
	v6 =	vtrunc.f32 v8;
	v8 =	vmul.f32 $2.560000000e+02, v10  }
0x462: {  	v9 =	vld [tilespmem:s24+$0x0];
	v5 =	vadd.s32 v1, v5;
	v6 =	vcvt.f32.s32 v6  }
0x463: {  	[tilespmem:v7+s11+$0x0] =	vst.idx.add.f32.msk $0xffff, v2;
	v7 =	vtrunc.f32 v8  }
0x464: {  	v11 =	vld [tilespmem:s0+$0x0];
	v6 =	vadd.s32 v1, v6;
	v7 =	vcvt.f32.s32 v7  }
0x465: {  	s0 =	sor.u32 s20, s16;
	v10 =	vld [tilespmem:s21+$0x0]  }
0x466: {  	v8 =	vld [tilespmem:s0+$0x0];
	v7 =	vadd.s32 v1, v7  }
0x467: {  	v4 =	vmul.f32 $2.560000000e+02, v4;
	s0 =	sor.u32 s23, s22;
	[tilespmem:v5+s11+$0x0] =	vst.idx.add.f32.msk $0xffff, v2  }
0x468: {  	s25 =	sor.u32 $0x3380, s29;
	v5 =	vld [tilespmem:s0+$0x0]  }
0x469: {  	v4 =	vtrunc.f32 v4;
	s29 =	sor.u32 s28, s25;
	v11 =	vmul.f32 $2.560000000e+02, v11;
	[tilespmem:v6+s11+$0x0] =	vst.idx.add.f32.msk $0xffff, v2  }
0x46a: {  	v9 =	vmul.f32 $2.560000000e+02, v9;
	v6 =	vmul.f32 $2.560000000e+02, v10;
	v10 =	vld [tilespmem:s29+$0x0]  }
0x46b: {  	v4 =	vcvt.f32.s32 v4;
	s0 =	sor.u32 s26, s25;
	v11 =	vtrunc.f32 v11;
	[tilespmem:v7+s11+$0x0] =	vst.idx.add.f32.msk $0xffff, v2  }
0x46c: {  	v9 =	vtrunc.f32 v9;
	v7 =	vcvt.f32.s32 v11;
	v11 =	vld [tilespmem:s0+$0x0]  }
0x46d: {  	v9 =	vcvt.f32.s32 v9;
	v8 =	vmul.f32 $2.560000000e+02, v8  }
0x46e: {  	v4 =	vadd.s32 v1, v4;
	v5 =	vmul.f32 $2.560000000e+02, v5;
	v6 =	vtrunc.f32 v6  }
0x46f: {  	v8 =	vtrunc.f32 v8;
	v6 =	vcvt.f32.s32 v6  }
0x470: {  	v9 =	vadd.s32 v1, v9;
	v8 =	vcvt.f32.s32 v8;
	v10 =	vmul.f32 $2.560000000e+02, v10  }
0x471: {  	v5 =	vtrunc.f32 v5;
	v6 =	vadd.s32 v1, v6;
	v11 =	vmul.f32 $2.560000000e+02, v11  }
0x472: {  	v5 =	vcvt.f32.s32 v5;
	v7 =	vadd.s32 v1, v7;
	v10 =	vtrunc.f32 v10  }
0x473: {  	[tilespmem:v4+s11+$0x0] =	vst.idx.add.f32.msk $0xffff, v2;
	v4 =	vadd.s32 v1, v8;
	v10 =	vcvt.f32.s32 v10;
	v8 =	vtrunc.f32 v11  }
0x474: {  	[tilespmem:v3+s11+$0x0] =	vst.idx.add.f32.msk $0xffff, v2;
	v5 =	vadd.s32 v1, v5;
	v8 =	vcvt.f32.s32 v8  }
0x475: {  	[tilespmem:v9+s11+$0x0] =	vst.idx.add.f32.msk $0xffff, v2;
	v3 =	vadd.s32 v1, v10  }
0x476: {  	[tilespmem:v6+s11+$0x0] =	vst.idx.add.f32.msk $0xffff, v2;
	v6 =	vadd.s32 v1, v8  }
0x477: {  	[tilespmem:v7+s11+$0x0] =	vst.idx.add.f32.msk $0xffff, v2  }
0x478: {  	[tilespmem:v4+s11+$0x0] =	vst.idx.add.f32.msk $0xffff, v2  }
0x479: {  	[tilespmem:v5+s11+$0x0] =	vst.idx.add.f32.msk $0xffff, v2  }
0x47a: {  	[tilespmem:v3+s11+$0x0] =	vst.idx.add.f32.msk $0xffff, v2  }
0x47b: {  	s1 =	simm.s32 $0x4810;
	[tilespmem:v6+s11+$0x0] =	vst.idx.add.f32.msk $0xffff, v2  }
0x47c: {  	v6 =	vld [tilespmem:s1+$0x700]  }
0x47d: {  	v7 =	vld [tilespmem:s1+$0x600]  }
0x47e: {  	v8 =	vld [tilespmem:s1+$0x500]  }
0x47f: {  	v9 =	vld [tilespmem:s1+$0x400]  }
0x480: {  	v10 =	vld [tilespmem:s1+$0x300]  }
0x481: {  	v11 =	vld [tilespmem:s1+$0x200]  }
0x482: {  	[tilespmem:s1+$0x700] =	vst v0;
	v12 =	vld [tilespmem:s1+$0x100]  }
0x483: {  	[tilespmem:s1+$0x600] =	vst v0;
	v13 =	vld [tilespmem:s1+$0x0]  }
0x484: {  	[tilespmem:s1+$0x500] =	vst v0;
	v14 =	vld [tilespmem:s1+$0xFFFFFF00]  }
0x485: {  	[tilespmem:s1+$0x400] =	vst v0;
	v15 =	vld [tilespmem:s1+$0xFFFFFE00]  }
0x486: {  	[tilespmem:s1+$0x300] =	vst v0;
	v16 =	vld [tilespmem:s1+$0xFFFFFD00]  }
0x487: {  	v17 =	vld [tilespmem:s1+$0xFFFFFC00];
	[tilespmem:s1+$0x200] =	vst v0  }
0x488: {  	v18 =	vld [tilespmem:s1+$0xFFFFFB00];
	[tilespmem:s1+$0x100] =	vst v0  }
0x489: {  	v19 =	vld [tilespmem:s1+$0xFFFFFA00];
	[tilespmem:s1+$0x0] =	vst v0  }
0x48a: {  	s3 =	simm.s32 $0x0;
	v3 =	vld [tilespmem:s1+$0xFFFFF7F0];
	[tilespmem:s1+$0xFFFFF7F0] =	vst v0  }
0x48b: {  	s31 =	sand.u32 $0x80, s3;
	s4 =	sand.u32 $0x60, s3;
	v20 =	vld [tilespmem:s1+$0xFFFFF900];
	[tilespmem:s1+$0xFFFFFF00] =	vst v0  }
0x48c: {  	s5 =	sor.u32 s4, s31;
	[tilespmem:s1+$0xFFFFFA00] =	vst v0;
	v27 =	vld [tilespmem:s1+$0xFFFFF800]  }
0x48d: {  	[tilespmem:s1+$0xFFFFFB00] =	vst v0;
	v21 =	vld [tilespmem:s5+$0x4F00]  }
0x48e: {  	[tilespmem:s1+$0xFFFFF800] =	vst v0;
	v22 =	vld [tilespmem:s5+$0x4E00]  }
0x48f: {  	[tilespmem:s1+$0xFFFFF900] =	vst v0;
	v23 =	vld [tilespmem:s5+$0x4700];
	v6 =	vadd.f32 v6, v7;
	v8 =	vadd.f32 v8, v9  }
0x490: {  	[tilespmem:s1+$0xFFFFFE00] =	vst v0;
	v24 =	vld [tilespmem:s5+$0x4600];
	v10 =	vadd.f32 v10, v11;
	v11 =	vadd.f32 v12, v13  }
0x491: {  	[tilespmem:s1+$0xFFFFFD00] =	vst v0;
	v25 =	vld [tilespmem:s5+$0x4400];
	v12 =	vadd.f32 v14, v15;
	v13 =	vadd.f32 v16, v17  }
0x492: {  	[tilespmem:s1+$0xFFFFFC00] =	vst v0;
	v26 =	vld [tilespmem:s5+$0x4500];
	v14 =	vadd.f32 v18, v19;
	v15 =	vadd.f32 v20, v27  }
0x493: {  	[tilespmem:s5+$0x4500] =	vst v0;
	v5 =	vld [tilespmem:s5+$0x4B00];
	v11 =	vadd.f32 v10, v11;
	v12 =	vadd.f32 v12, v13  }
0x494: {  	v4 =	vld [tilespmem:s5+$0x4300];
	[tilespmem:s5+$0x4B00] =	vst v0;
	v13 =	vadd.f32 v14, v15;
	v6 =	vadd.f32 v6, v8  }
0x495: {  	s30 =	sshll.u32 s19, $0x8;
	[tilespmem:s5+$0x4300] =	vst v0;
	v7 =	vld [tilespmem:s5+$0x4D00]  }
0x496: {  	s0 =	sand.u32 $0x3FFFFF00, s30;
	v9 =	vld [tilespmem:s5+$0x4A00];
	[tilespmem:s5+$0x4D00] =	vst v0;
	v14 =	vadd.f32 v12, v13;
	v15 =	vadd.f32 v6, v11  }
0x497: {  	s6 =	simm.s32 $0x10;
	s0 =	sadd.s32 $0x5000, s0;
	[tilespmem:s5+$0x4A00] =	vst v0;
	v10 =	vld [tilespmem:s5+$0x4900]  }
0x498: {  	s6 =	sand.u32 $0x70, s6;
	s2 =	sadd.s32 s31, s0;
	[tilespmem:s5+$0x4900] =	vst v0;
	v8 =	vadd.f32 v23, v24;
	v12 =	vld [tilespmem:s5+$0x4C00];
	v14 =	vadd.f32 v15, v14  }
0x499: {  	s7 =	sadd.s32 s4, s2;
	s2 =	sadd.s32 s6, s2;
	v6 =	vadd.f32 v21, v22;
	v13 =	vld [tilespmem:s5+$0x4800];
	v11 =	vadd.f32 v26, v25;
	[tilespmem:s5+$0x4C00] =	vst v0  }
.LBB2_11:
0x49a: {  	v15 =	vld [tilespmem:s5+$0x4200];
	[tilespmem:s2+$0x0] =	vst v14;
	s1 =	sadd.s32 $0x20, s1;
	s8 =	smov.u32 s3;
	s3 =	sadd.s32 $0x20, s3  }
0x49b: {  	s2 =	sand.u32 $0x80, s3;
	s13 =	sand.u32 $0x60, s3;
	p0 =	slt.u32 s3, $0xE0;
	v14 =	vld [tilespmem:s5+$0x4100];
	[tilespmem:s5+$0x4400] =	vst v0  }
0x49c: {  	v5 =	vadd.f32 v5, v9;
	s9 =	sadd.s32 s2, s0;
	[tilespmem:s5+$0x4200] =	vst v0  }
0x49d: {  	s4 =	sadd.s32 s13, s9;
	[tilespmem:s5+$0x4100] =	vst v0;
	v7 =	vadd.f32 v7, v12  }
0x49e: {  	v9 =	vld [tilespmem:s1+$0x700];
	[tilespmem:s5+$0x4600] =	vst v0;
	v10 =	vadd.f32 v10, v13  }
0x49f: {  	v12 =	vld [tilespmem:s1+$0x600];
	[tilespmem:s5+$0x4700] =	vst v0;
	v4 =	vadd.f32 v4, v15  }
0x4a0: {  	v6 =	vadd.f32 v6, v7;
	v13 =	vld [tilespmem:s1+$0x500];
	[tilespmem:s5+$0x4E00] =	vst v0;
	v3 =	vadd.f32 v14, v3  }
0x4a1: {  	v8 =	vadd.f32 v8, v11;
	v5 =	vadd.f32 v5, v10;
	v7 =	vld [tilespmem:s1+$0x400];
	[tilespmem:s5+$0x4F00] =	vst v0  }
0x4a2: {  	v10 =	vld [tilespmem:s1+$0x300];
	[tilespmem:s1+$0x700] =	vst v0;
	v3 =	vadd.f32 v4, v3  }
0x4a3: {  	v5 =	vadd.f32 v6, v5;
	v4 =	vld [tilespmem:s1+$0x200];
	[tilespmem:s1+$0x600] =	vst v0  }
0x4a4: {  	v6 =	vld [tilespmem:s1+$0x100];
	[tilespmem:s1+$0x500] =	vst v0;
	v9 =	vadd.f32 v9, v12;
	v3 =	vadd.f32 v8, v3  }
0x4a5: {  	v8 =	vld [tilespmem:s1+$0x0];
	[tilespmem:s1+$0x400] =	vst v0  }
0x4a6: {  	v11 =	vld [tilespmem:s1+$0xFFFFFF00];
	v7 =	vadd.f32 v13, v7;
	[tilespmem:s5+$0x4800] =	vst v0;
	v3 =	vadd.f32 v5, v3  }
0x4a7: {  	v5 =	vld [tilespmem:s1+$0xFFFFFE00];
	[tilespmem:s1+$0x300] =	vst v0  }
0x4a8: {  	v12 =	vld [tilespmem:s1+$0xFFFFFD00];
	v4 =	vadd.f32 v10, v4;
	[tilespmem:s7+$0x0] =	vst v3;
	s7 =	smov.u32 s4  }
0x4a9: {  	v10 =	vld [tilespmem:s1+$0xFFFFFC00];
	[tilespmem:s1+$0x200] =	vst v0  }
0x4aa: {  	v13 =	vld [tilespmem:s1+$0xFFFFFB00];
	[tilespmem:s1+$0x100] =	vst v0;
	v3 =	vadd.f32 v6, v8  }
0x4ab: {  	v6 =	vld [tilespmem:s1+$0xFFFFFA00];
	[tilespmem:s1+$0x0] =	vst v0  }
0x4ac: {  	v8 =	vld [tilespmem:s1+$0xFFFFF900];
	[tilespmem:s1+$0xFFFFFF00] =	vst v0;
	v5 =	vadd.f32 v11, v5;
	v11 =	vadd.f32 v4, v3  }
0x4ad: {  	v3 =	vld [tilespmem:s1+$0xFFFFF7F0];
	[tilespmem:s1+$0xFFFFFA00] =	vst v0  }
0x4ae: {  	s5 =	sor.u32 s13, s2;
	[tilespmem:s1+$0xFFFFF7F0] =	vst v0;
	v4 =	vld [tilespmem:s1+$0xFFFFF800];
	v10 =	vadd.f32 v12, v10  }
0x4af: {  	v12 =	vld [tilespmem:s5+$0x4F00];
	[tilespmem:s1+$0xFFFFFB00] =	vst v0  }
0x4b0: {  	v14 =	vld [tilespmem:s5+$0x4E00];
	[tilespmem:s1+$0xFFFFF800] =	vst v0;
	v13 =	vadd.f32 v13, v6  }
0x4b1: {  	v15 =	vld [tilespmem:s5+$0x4700];
	[tilespmem:s1+$0xFFFFF900] =	vst v0  }
0x4b2: {  	v16 =	vld [tilespmem:s5+$0x4600];
	[tilespmem:s1+$0xFFFFFE00] =	vst v0  }
0x4b3: {  	v17 =	vld [tilespmem:s5+$0x4400];
	[tilespmem:s1+$0xFFFFFD00] =	vst v0;
	v4 =	vadd.f32 v8, v4  }
0x4b4: {  	v10 =	vadd.f32 v5, v10;
	v18 =	vld [tilespmem:s5+$0x4500];
	[tilespmem:s1+$0xFFFFFC00] =	vst v0  }
0x4b5: {  	[tilespmem:s5+$0x4500] =	vst v0;
	v5 =	vld [tilespmem:s5+$0x4B00];
	v6 =	vadd.f32 v12, v14;
	v12 =	vadd.f32 v13, v4  }
0x4b6: {  	v13 =	vadd.f32 v9, v7;
	v4 =	vld [tilespmem:s5+$0x4300];
	[tilespmem:s5+$0x4B00] =	vst v0  }
.Ltmp4:
0x4b7: {  	[tilespmem:s5+$0x4300] =	vst v0;
	v7 =	vld [tilespmem:s5+$0x4D00];
	v8 =	vadd.f32 v15, v16;
	v14 =	vadd.f32 v10, v12;
	(pc) =	sbr.rel @p0 .LBB2_11-.Ltmp4, $4  }
0x4b8: {  	v13 =	vadd.f32 v13, v11;
	v9 =	vld [tilespmem:s5+$0x4A00];
	[tilespmem:s5+$0x4D00] =	vst v0  }
0x4b9: {  	s2 =	sadd.s32 $0x30, s8;
	v10 =	vld [tilespmem:s5+$0x4900];
	[tilespmem:s5+$0x4A00] =	vst v0;
	v11 =	vadd.f32 v18, v17  }
0x4ba: {  	s2 =	sand.u32 $0x70, s2;
	v14 =	vadd.f32 v13, v14;
	[tilespmem:s5+$0x4900] =	vst v0;
	v12 =	vld [tilespmem:s5+$0x4C00]  }
0x4bb: {  	s2 =	sadd.s32 s2, s9;
	v13 =	vld [tilespmem:s5+$0x4800];
	[tilespmem:s5+$0x4C00] =	vst v0  }
0x4bc: {  	v15 =	vld [tilespmem:s5+$0x4200]  }
0x4bd: {  	v16 =	vld [tilespmem:s5+$0x4100];
	_ =	sdelay $0x2  }
0x4be: {  	v5 =	vadd.f32 v5, v9  }
0x4bf: {  	[tilespmem:s2+$0x0] =	vst v14;
	v7 =	vadd.f32 v7, v12;
	v61 =	vadd.f32 v10, v13  }
0x4c0: {  	[tilespmem:s5+$0x4400] =	vst v0;
	v4 =	vadd.f32 v4, v15;
	v3 =	vadd.f32 v16, v3  }
0x4c1: {  	[tilespmem:s5+$0x4200] =	vst v0;
	v62 =	vadd.f32 v8, v11;
	v6 =	vadd.f32 v6, v7  }
0x4c2: {  	[tilespmem:s5+$0x4100] =	vst v0;
	s18 =	sadd.s32 $0x1, s18;
	v5 =	vadd.f32 v5, v61;
	v3 =	vadd.f32 v4, v3  }
0x4c3: {  	[tilespmem:s5+$0x4600] =	vst v0;
	p0 =	sne.s32 s18, $0xC  }
.Ltmp5:
0x4c4: {  	[tilespmem:s5+$0x4700] =	vst v0;
	v63 =	vadd.f32 v6, v5;
	v3 =	vadd.f32 v62, v3;
	(pc) =	sbr.rel @p0 .LBB2_4-.Ltmp5, $4  }
0x4c5: {  	[tilespmem:s5+$0x4E00] =	vst v0  }
0x4c6: {  	[tilespmem:s5+$0x4F00] =	vst v0;
	v3 =	vadd.f32 v63, v3  }
0x4c7: {  	[tilespmem:s5+$0x4800] =	vst v0  }
0x4c8: {  	[tilespmem:s7+$0x0] =	vst v3  }
0x4c9: {  	s0 =	rddreg [dreg:$0x7];
	s1 =	simm.s32 $0x80  }
0x4ca: {  	s2 =	simm.s32 $0x400;
	s3 =	simm.s32 $0x5000;
	s30 =	simm.s32 $0x3  }
0x4cb: {  	[hbm4b:s0+s1] =	stream.strided.scatter [tilespmem:s3], [sflag:$0x3], $0x1800, s2, s1, $0x38;
	[tilespmem:$0x6800] =	vst v63  }
0x4cc: {  	_ =	swait.ge [sflag:s30], $0x1800  }
0x4cd: {  	s7 =	rddreg [dreg:$0x3]  }
0x4ce: {  	s31 =	rddreg [dreg:$0x8];
	s7 =	sadd.s32 $0x1, s7  }
0x4cf: {  	p0 =	sne.s32 s7, s31  }
.Ltmp6:
0x4d0: {  	_ = 	snop;
	(pc) =	sbr.rel @p0 .LBB2_1-.Ltmp6, $3  }
0x4d1: {  	_ =	sdelay $0x1  }
0x4d2: {  	[sflag:s30] =	ssyncset.done $0x0  }
0x4d3: {  	[sflag:s30] =	ssyncadd.s32 $0xFFFFE800  }
0x4d4: {  	_ =	sfence.sel $0x180000  }
0x4d5: {  	[bflag:$0x0] =	sbarrier.arrive $0xFFFF  }
0x4d6: {  	_ =	strace $0x90000047  }
0x4d7: {  	s0 =	stileid.u32;
	[bflag:$0x2] =	sbarrier.arrive $0xFFFF  }
0x4d8: {  	p0 =	sne.s32 s0, $0x0;
	s0 =	rddreg [dreg:$0x2]  }
0x4d9: {  	s0 =	sadd.s32 @!p0 $0x100000, s0  }
0x4da: {  	[sflag:s0] =	ssyncadd.tile.s32 @!p0 $0x1;
	_ =	shalt  }
.Lfunc_end2:
_tile_overlayer_lowered:
.L_overlay_start_2:
0x4db: {  	(tag) =	ssettag $0x2  }
0x4dc: {  	s0 =	rddreg [dreg:$0x0];
	s2 =	stileid.u32  }
0x4dd: {  	s1 =	rddreg [dreg:$0x1];
	p0 =	sne.s32 s2, $0x0  }
0x4de: {  	s3 =	rddreg [dreg:$0x2];
	[bflag:$0x3] =	sbarrier.arrive $0xFFFF;
	s2 =	simm.s32 @!p0 $0x1C03  }
0x4df: {  	[timem:s3], [sflag:s2] =	dma.local @!p0 [hbm:s0], s1  }
0x4e0: {  	s0 =	simm.s32 @!p0 $0x3  }
0x4e1: {  	_ =	swait.ge @!p0 [sflag:s0], s1  }
0x4e2: {  	s1 =	ssub.s32 @!p0 $0x0, s1;
	[sflag:s0] =	ssyncset.done @!p0 $0x0  }
0x4e3: {  	[sflag:s0] =	ssyncadd.s32 @!p0 s1  }
0x4e4: {  	[bflag:$0x3] =	sbarrier.arrive $0xFFFF  }
0x4e5: {  	_ =	shalt  }

</sc_bundles>
